<compile_context>
chip_gen: v7x
topology: tpu7x:2x2x1
jax: 0.10.2.dev20260603
libtpu: 0.0.44.dev20260713+nightly
codegen_flags: <defaults>
</compile_context>

<pallas_src>
import functools
import jax
import jax.numpy as jnp
from jax import lax
from jax.experimental import pallas as pl
from jax.experimental.pallas import tpu as pltpu
from jax.experimental.pallas import tpu_sc as plsc

N = 10000
E = 320000
D = 128
H1 = 32
H2 = 16
DW = 8

NC = 2
NS = 16
NW = NC * NS
ET = E // NW
C = 80
K = ET // C
NWR = 10
RW = N // NWR
R = 1000
NBUF = 5
WAVE = 25

_mesh = plsc.VectorSubcoreMesh(core_axis_name="c", subcore_axis_name="s")



@functools.partial(
    pl.kernel,
    out_type=jax.ShapeDtypeStruct((NC, N, DW), jnp.float32),
    mesh=_mesh,
    compiler_params=pltpu.CompilerParams(use_tc_tiling_on_sc=False),
    scratch_types=[
        pltpu.VMEM((K, C), jnp.int32),
        pltpu.VMEM((C, DW), jnp.float32),
        pltpu.SemaphoreType.DMA,
        pltpu.VMEM_SHARED((N, DW), jnp.float32),
    ],
)
def _deg_kernel(dstr, zrows, ones, out, dst_all, ones_v, sem_s, deg_sh):
    cid = lax.axis_index("c")
    sid = lax.axis_index("s")
    wid = cid * NS + sid

    @pl.when(sid < NWR)
    def _():
        pltpu.sync_copy(zrows, deg_sh.at[pl.ds(sid * RW, RW)])

    pltpu.sync_copy(ones, ones_v)
    pltpu.sync_copy(dstr.at[wid], dst_all)
    plsc.subcore_barrier()

    def wave(w, carry):
        def fire(k, c):
            pltpu.async_copy(ones_v, deg_sh.at[dst_all.at[k]], sem_s,
                             add=True)
            return c

        lax.fori_loop(w * WAVE, (w + 1) * WAVE, fire, 0)

        def drain(k, c):
            pltpu.make_async_copy(ones_v, deg_sh.at[dst_all.at[0]],
                                  sem_s).wait()
            return c

        lax.fori_loop(0, WAVE, drain, 0)
        return carry

    lax.fori_loop(0, K // WAVE, wave, 0)
    plsc.subcore_barrier()

    @pl.when(sid < NWR)
    def _():
        pltpu.sync_copy(deg_sh.at[pl.ds(sid * RW, RW)],
                        out.at[cid, pl.ds(sid * RW, RW)])



def _make_agg(H):
    @functools.partial(
        pl.kernel,
        out_type=jax.ShapeDtypeStruct((NC, N, H), jnp.float32),
        mesh=_mesh,
        compiler_params=pltpu.CompilerParams(use_tc_tiling_on_sc=False),
        scratch_types=[
            pltpu.VMEM((K, C), jnp.int32),
            pltpu.VMEM((K, C), jnp.int32),
            pltpu.VMEM((WAVE, C, H), jnp.float32),
            pltpu.SemaphoreType.DMA,
            pltpu.SemaphoreType.DMA,
            pltpu.VMEM_SHARED((N, H), jnp.float32),
        ],
    )
    def agg_kernel(hs, srcr, dstr, zrows, out, src_all, dst_all, rows,
                   sem_g, sem_s, agg_sh):
        cid = lax.axis_index("c")
        sid = lax.axis_index("s")
        wid = cid * NS + sid

        @pl.when(sid < NWR)
        def _():
            pltpu.sync_copy(zrows, agg_sh.at[pl.ds(sid * RW, RW)])

        pltpu.sync_copy(srcr.at[wid], src_all)
        pltpu.sync_copy(dstr.at[wid], dst_all)
        plsc.subcore_barrier()

        def wave(w, carry):
            base = w * WAVE

            def fire_g(j, c):
                pltpu.async_copy(hs.at[src_all.at[base + j]], rows.at[j],
                                 sem_g)
                return c

            lax.fori_loop(0, WAVE, fire_g, 0)

            def drain_g(j, c):
                pltpu.make_async_copy(hs.at[src_all.at[0]], rows.at[0],
                                      sem_g).wait()
                return c

            lax.fori_loop(0, WAVE, drain_g, 0)

            def fire_s(j, c):
                pltpu.async_copy(rows.at[j], agg_sh.at[dst_all.at[base + j]],
                                 sem_s, add=True)
                return c

            lax.fori_loop(0, WAVE, fire_s, 0)

            def drain_s(j, c):
                pltpu.make_async_copy(rows.at[0], agg_sh.at[dst_all.at[0]],
                                      sem_s).wait()
                return c

            lax.fori_loop(0, WAVE, drain_s, 0)
            return carry

        lax.fori_loop(0, K // WAVE, wave, 0)
        plsc.subcore_barrier()

        @pl.when(sid < NWR)
        def _():
            pltpu.sync_copy(agg_sh.at[pl.ds(sid * RW, RW)],
                            out.at[cid, pl.ds(sid * RW, RW)])

    return agg_kernel


_agg32 = _make_agg(H1)
_agg16 = _make_agg(H2)



def _scale1_body(degp_ref, x_ref, w_ref, dis_ref, hs_ref):
    deg = degp_ref[0, :, 0:1] + degp_ref[1, :, 0:1] + 1.0
    dis = lax.rsqrt(deg)
    dis_ref[...] = dis
    h = jnp.dot(x_ref[...], w_ref[...], preferred_element_type=jnp.float32)
    hs_ref[...] = h * dis


def _scale1(degp, x, W1):
    return pl.pallas_call(
        _scale1_body,
        grid=(N // R,),
        in_specs=[
            pl.BlockSpec((NC, R, DW), lambda i: (0, i, 0)),
            pl.BlockSpec((R, D), lambda i: (i, 0)),
            pl.BlockSpec((D, H1), lambda i: (0, 0)),
        ],
        out_specs=[
            pl.BlockSpec((R, 1), lambda i: (i, 0)),
            pl.BlockSpec((R, H1), lambda i: (i, 0)),
        ],
        out_shape=[
            jax.ShapeDtypeStruct((N, 1), jnp.float32),
            jax.ShapeDtypeStruct((N, H1), jnp.float32),
        ],
    )(degp, x, W1)


def _mid_body(aggp_ref, hs_ref, dis_ref, b1_ref, w2_ref, out_ref):
    dis = dis_ref[...]
    h1 = (aggp_ref[0] + aggp_ref[1] + hs_ref[...]) * dis + b1_ref[...]
    h1 = jnp.maximum(h1, 0.0)
    h2 = jnp.dot(h1, w2_ref[...], preferred_element_type=jnp.float32)
    out_ref[...] = h2 * dis


def _mid(agg1, h1s, dis, b1, W2):
    return pl.pallas_call(
        _mid_body,
        grid=(N // R,),
        in_specs=[
            pl.BlockSpec((NC, R, H1), lambda i: (0, i, 0)),
            pl.BlockSpec((R, H1), lambda i: (i, 0)),
            pl.BlockSpec((R, 1), lambda i: (i, 0)),
            pl.BlockSpec((1, H1), lambda i: (0, 0)),
            pl.BlockSpec((H1, H2), lambda i: (0, 0)),
        ],
        out_specs=pl.BlockSpec((R, H2), lambda i: (i, 0)),
        out_shape=jax.ShapeDtypeStruct((N, H2), jnp.float32),
    )(agg1, h1s, dis, b1, W2)


def _fin_body(aggp_ref, hs_ref, dis_ref, b2_ref, out_ref):
    out_ref[...] = ((aggp_ref[0] + aggp_ref[1] + hs_ref[...])
                    * dis_ref[...] + b2_ref[...])


def _fin(agg2, h2s, dis, b2):
    return pl.pallas_call(
        _fin_body,
        grid=(N // R,),
        in_specs=[
            pl.BlockSpec((NC, R, H2), lambda i: (0, i, 0)),
            pl.BlockSpec((R, H2), lambda i: (i, 0)),
            pl.BlockSpec((R, 1), lambda i: (i, 0)),
            pl.BlockSpec((1, H2), lambda i: (0, 0)),
        ],
        out_specs=pl.BlockSpec((R, H2), lambda i: (i, 0)),
        out_shape=jax.ShapeDtypeStruct((N, H2), jnp.float32),
    )(agg2, h2s, dis, b2)



def kernel(x, edge_index, W1, b1, W2, b2):
    srcr = edge_index[0].reshape(NW, K, C)
    dstr = edge_index[1].reshape(NW, K, C)
    zdeg = jnp.zeros((RW, DW), jnp.float32)
    z32 = jnp.zeros((RW, H1), jnp.float32)
    z16 = jnp.zeros((RW, H2), jnp.float32)
    ones = jnp.ones((C, DW), jnp.float32)

    degp = _deg_kernel(dstr, zdeg, ones)
    dis, h1s = _scale1(degp, x, W1)
    agg1 = _agg32(h1s, srcr, dstr, z32)
    h2s = _mid(agg1, h1s, dis, b1.reshape(1, H1), W2)
    agg2 = _agg16(h2s, srcr, dstr, z16)
    return _fin(agg2, h2s, dis, b2.reshape(1, H2))

# --- scband reference (transcript-rebuilt; emitter-appended) ---
"""Pipeline reference for scband-gnn-17592186044939 (READ-ONLY COPY).

The authoritative reference and input builder live on the scoring server;
editing this copy changes nothing except your own understanding.
"""

import jax, jax.numpy as jnp
import numpy as np

N = 10000
E = 320000
D = 128
H1 = 32
H2 = 16


def setup_inputs(seed: int = 0) -> dict:
    key = jax.random.key(seed)
    k1, k2, k3, k4, k5, k6 = jax.random.split(key, 6)
    x = jax.random.normal(k1, (N, D), dtype=jnp.float32)
    edge_index = jax.random.randint(k2, (2, E), 0, N, dtype=jnp.int32)
    W1 = jax.random.normal(k3, (D, H1), dtype=jnp.float32) * (1.0 / np.sqrt(D))
    b1 = jnp.zeros((H1,), dtype=jnp.float32)
    W2 = jax.random.normal(k4, (H1, H2), dtype=jnp.float32) * (1.0 / np.sqrt(H1))
    b2 = jnp.zeros((H2,), dtype=jnp.float32)
    return {"x": x, "edge_index": edge_index, "W1": W1, "b1": b1, "W2": W2, "b2": b2}


def gcn_layer(x, edge_index, W, b):
    # GCNConv: add self-loops, symmetric normalization D^{-1/2} (A+I) D^{-1/2} X W + b
    n = x.shape[0]
    src = edge_index[0]
    dst = edge_index[1]
    loop = jnp.arange(n, dtype=src.dtype)
    src = jnp.concatenate([src, loop])
    dst = jnp.concatenate([dst, loop])
    deg = jnp.zeros((n,), dtype=x.dtype).at[dst].add(1.0)
    deg_inv_sqrt = jnp.where(deg > 0, deg ** -0.5, 0.0)
    norm = deg_inv_sqrt[src] * deg_inv_sqrt[dst]
    h = x @ W
    msg = h[src] * norm[:, None]
    out = jnp.zeros((n, W.shape[1]), dtype=x.dtype).at[dst].add(msg)
    return out + b


def reference(x, edge_index, W1, b1, W2, b2):
    h = jax.nn.relu(gcn_layer(x, edge_index, W1, b1))
    out = gcn_layer(h, edge_index, W2, b2)
    return out

if __name__ == "__main__":
    import jax
    _d = setup_inputs()
    print(jax.jit(kernel)(*tuple(_d.values())))

</pallas_src>

<mosaic_0001>
#map = affine_map<(d0, d1) -> (0, 0)>
#map1 = affine_map<(d0, d1) -> (0, 0, 0)>
module attributes {stable_mosaic.version = 14 : i64} {
  func.func @agg_kernel(%arg0: i32, %arg1: i32, %arg2: memref<10000x16xf32, #tpu.memory_space<hbm>>, %arg3: memref<32x125x80xi32, #tpu.memory_space<hbm>>, %arg4: memref<32x125x80xi32, #tpu.memory_space<hbm>>, %arg5: memref<1000x16xf32, #tpu.memory_space<hbm>>, %arg6: memref<2x10000x16xf32, #tpu.memory_space<hbm>>, %arg7: memref<125x80xi32, #tpu.memory_space<vmem>>, %arg8: memref<125x80xi32, #tpu.memory_space<vmem>>, %arg9: memref<25x80x16xf32, #tpu.memory_space<vmem>>, %arg10: memref<!tpu.dma_semaphore, #tpu.memory_space<semaphore_mem>>, %arg11: memref<!tpu.dma_semaphore, #tpu.memory_space<semaphore_mem>>, %arg12: memref<10000x16xf32, #tpu.memory_space<vmem_shared>>) attributes {dimension_semantics = [#tpu.dimension_semantics<core_parallel>, #tpu.dimension_semantics<subcore_parallel>], iteration_bounds = array<i64: 2, 16>, scalar_prefetch = 0 : i64, scratch_operands = 6 : i64, tpu.core_type = #tpu.core_type<sc_vector_subcore>, window_params = [{transform_indices = #map}, {transform_indices = #map1}, {transform_indices = #map1}, {transform_indices = #map}, {transform_indices = #map1}]} {
    %mul3A = arith.constant 16 : i32
    %mul3A_0 = arith.muli %arg0, %mul3A : i32
    %add3A = arith.addi %mul3A_0, %arg1 : i32
    %lt3A = arith.constant 10 : i32
    %lt3A_1 = arith.cmpi slt, %arg1, %lt3A : i32
    %convert_element_type3A = arith.extui %lt3A_1 : i1 to i32
    %cond3A = arith.constant 0 : i32
    %cond3A_2 = arith.cmpi ne, %convert_element_type3A, %cond3A : i32
    scf.if %cond3A_2 {
      %mul3A_14 = arith.constant 1000 : i32
      %mul3A_15 = arith.muli %arg1, %mul3A_14 : i32
      "tpu.region"() ({
        %run_scoped3A = tpu.sem_alloc : memref<!tpu.dma_semaphore, #tpu.memory_space<semaphore_mem>>
        %dma_start3A = arith.constant 0 : i32
        %dma_start3A_16 = tpu.memref_slice %arg12[%mul3A_15, %dma_start3A] : memref<10000x16xf32, #tpu.memory_space<vmem_shared>> -> memref<1000x16xf32, #tpu.memory_space<vmem_shared>>
        tpu.enqueue_dma source(%arg5 : memref<1000x16xf32, #tpu.memory_space<hbm>>) target(%dma_start3A_16 : memref<1000x16xf32, #tpu.memory_space<vmem_shared>>) target_semaphore(%run_scoped3A : memref<!tpu.dma_semaphore, #tpu.memory_space<semaphore_mem>>)
        %dma_wait3A = arith.constant 0 : i32
        %dma_wait3A_17 = tpu.memref_slice %arg12[%mul3A_15, %dma_wait3A] : memref<10000x16xf32, #tpu.memory_space<vmem_shared>> -> memref<1000x16xf32, #tpu.memory_space<vmem_shared>>
        tpu.wait_dma2 semaphore(%run_scoped3A : memref<!tpu.dma_semaphore, #tpu.memory_space<semaphore_mem>>) src(%arg5 : memref<1000x16xf32, #tpu.memory_space<hbm>>) dst(%dma_wait3A_17 : memref<1000x16xf32, #tpu.memory_space<vmem_shared>>)
        tpu.yield
      }) : () -> ()
    } else {
    }
    "tpu.region"() ({
      %run_scoped3A = tpu.sem_alloc : memref<!tpu.dma_semaphore, #tpu.memory_space<semaphore_mem>>
      %dma_start3A = arith.constant 0 : i32
      %dma_start3A_14 = arith.constant 0 : i32
      %dma_start3A_15 = tpu.memref_slice %arg3[%add3A, %dma_start3A, %dma_start3A_14] : memref<32x125x80xi32, #tpu.memory_space<hbm>> -> memref<1x125x80xi32, #tpu.memory_space<hbm>>
      %dma_start3A_16 = tpu.memref_squeeze %dma_start3A_15 : memref<1x125x80xi32, #tpu.memory_space<hbm>> -> memref<125x80xi32, #tpu.memory_space<hbm>>
      %dma_start3A_17 = arith.constant 0 : i32
      %dma_start3A_18 = arith.constant 0 : i32
      %dma_start3A_19 = tpu.memref_slice %arg3[%add3A, %dma_start3A_17, %dma_start3A_18] : memref<32x125x80xi32, #tpu.memory_space<hbm>> -> memref<1x125x80xi32, #tpu.memory_space<hbm>>
      %dma_start3A_20 = tpu.memref_squeeze %dma_start3A_19 : memref<1x125x80xi32, #tpu.memory_space<hbm>> -> memref<125x80xi32, #tpu.memory_space<hbm>>
      tpu.enqueue_dma source(%dma_start3A_20 : memref<125x80xi32, #tpu.memory_space<hbm>>) target(%arg7 : memref<125x80xi32, #tpu.memory_space<vmem>>) target_semaphore(%run_scoped3A : memref<!tpu.dma_semaphore, #tpu.memory_space<semaphore_mem>>)
      %dma_wait3A = arith.constant 0 : i32
      %dma_wait3A_21 = arith.constant 0 : i32
      %dma_wait3A_22 = tpu.memref_slice %arg3[%add3A, %dma_wait3A, %dma_wait3A_21] : memref<32x125x80xi32, #tpu.memory_space<hbm>> -> memref<1x125x80xi32, #tpu.memory_space<hbm>>
      %dma_wait3A_23 = tpu.memref_squeeze %dma_wait3A_22 : memref<1x125x80xi32, #tpu.memory_space<hbm>> -> memref<125x80xi32, #tpu.memory_space<hbm>>
      %dma_wait3A_24 = arith.constant 0 : i32
      %dma_wait3A_25 = arith.constant 0 : i32
      %dma_wait3A_26 = tpu.memref_slice %arg3[%add3A, %dma_wait3A_24, %dma_wait3A_25] : memref<32x125x80xi32, #tpu.memory_space<hbm>> -> memref<1x125x80xi32, #tpu.memory_space<hbm>>
      %dma_wait3A_27 = tpu.memref_squeeze %dma_wait3A_26 : memref<1x125x80xi32, #tpu.memory_space<hbm>> -> memref<125x80xi32, #tpu.memory_space<hbm>>
      tpu.wait_dma2 semaphore(%run_scoped3A : memref<!tpu.dma_semaphore, #tpu.memory_space<semaphore_mem>>) src(%dma_wait3A_27 : memref<125x80xi32, #tpu.memory_space<hbm>>) dst(%arg7 : memref<125x80xi32, #tpu.memory_space<vmem>>)
      tpu.yield
    }) : () -> ()
    "tpu.region"() ({
      %run_scoped3A = tpu.sem_alloc : memref<!tpu.dma_semaphore, #tpu.memory_space<semaphore_mem>>
      %dma_start3A = arith.constant 0 : i32
      %dma_start3A_14 = arith.constant 0 : i32
      %dma_start3A_15 = tpu.memref_slice %arg4[%add3A, %dma_start3A, %dma_start3A_14] : memref<32x125x80xi32, #tpu.memory_space<hbm>> -> memref<1x125x80xi32, #tpu.memory_space<hbm>>
      %dma_start3A_16 = tpu.memref_squeeze %dma_start3A_15 : memref<1x125x80xi32, #tpu.memory_space<hbm>> -> memref<125x80xi32, #tpu.memory_space<hbm>>
      %dma_start3A_17 = arith.constant 0 : i32
      %dma_start3A_18 = arith.constant 0 : i32
      %dma_start3A_19 = tpu.memref_slice %arg4[%add3A, %dma_start3A_17, %dma_start3A_18] : memref<32x125x80xi32, #tpu.memory_space<hbm>> -> memref<1x125x80xi32, #tpu.memory_space<hbm>>
      %dma_start3A_20 = tpu.memref_squeeze %dma_start3A_19 : memref<1x125x80xi32, #tpu.memory_space<hbm>> -> memref<125x80xi32, #tpu.memory_space<hbm>>
      tpu.enqueue_dma source(%dma_start3A_20 : memref<125x80xi32, #tpu.memory_space<hbm>>) target(%arg8 : memref<125x80xi32, #tpu.memory_space<vmem>>) target_semaphore(%run_scoped3A : memref<!tpu.dma_semaphore, #tpu.memory_space<semaphore_mem>>)
      %dma_wait3A = arith.constant 0 : i32
      %dma_wait3A_21 = arith.constant 0 : i32
      %dma_wait3A_22 = tpu.memref_slice %arg4[%add3A, %dma_wait3A, %dma_wait3A_21] : memref<32x125x80xi32, #tpu.memory_space<hbm>> -> memref<1x125x80xi32, #tpu.memory_space<hbm>>
      %dma_wait3A_23 = tpu.memref_squeeze %dma_wait3A_22 : memref<1x125x80xi32, #tpu.memory_space<hbm>> -> memref<125x80xi32, #tpu.memory_space<hbm>>
      %dma_wait3A_24 = arith.constant 0 : i32
      %dma_wait3A_25 = arith.constant 0 : i32
      %dma_wait3A_26 = tpu.memref_slice %arg4[%add3A, %dma_wait3A_24, %dma_wait3A_25] : memref<32x125x80xi32, #tpu.memory_space<hbm>> -> memref<1x125x80xi32, #tpu.memory_space<hbm>>
      %dma_wait3A_27 = tpu.memref_squeeze %dma_wait3A_26 : memref<1x125x80xi32, #tpu.memory_space<hbm>> -> memref<125x80xi32, #tpu.memory_space<hbm>>
      tpu.wait_dma2 semaphore(%run_scoped3A : memref<!tpu.dma_semaphore, #tpu.memory_space<semaphore_mem>>) src(%dma_wait3A_27 : memref<125x80xi32, #tpu.memory_space<hbm>>) dst(%arg8 : memref<125x80xi32, #tpu.memory_space<vmem>>)
      tpu.yield
    }) : () -> ()
    %barrier3A = arith.constant 0 : index
    tpu.barrier barrier_id(%barrier3A)
    %scan3A = arith.constant 0 : i32
    %scan3A_3 = arith.constant 0 : i32
    %scan3A_4 = arith.constant 5 : i32
    %scan3A_5 = arith.addi %scan3A_3, %scan3A_4 : i32
    %scan3A_6 = arith.constant 1 : i32
    scf.for %scan3A_14 = %scan3A_3 to %scan3A_5 step %scan3A_6  : i32 {
      %mul3A_15 = arith.constant 25 : i32
      %mul3A_16 = arith.muli %scan3A_14, %mul3A_15 : i32
      %scan3A_17 = arith.constant 0 : i32
      %scan3A_18 = arith.constant 0 : i32
      %scan3A_19 = arith.constant 25 : i32
      %scan3A_20 = arith.addi %scan3A_18, %scan3A_19 : i32
      %scan3A_21 = arith.constant 1 : i32
      scf.for %scan3A_41 = %scan3A_18 to %scan3A_20 step %scan3A_21  : i32 {
        %add3A_42 = arith.addi %mul3A_16, %scan3A_41 : i32
        %dma_start3A = arith.constant 0 : i32
        %dma_start3A_43 = arith.constant 0 : i32
        %dma_start3A_44 = tpu.memref_slice %arg9[%scan3A_41, %dma_start3A, %dma_start3A_43] : memref<25x80x16xf32, #tpu.memory_space<vmem>> -> memref<1x80x16xf32, #tpu.memory_space<vmem>>
        %dma_start3A_45 = tpu.memref_squeeze %dma_start3A_44 : memref<1x80x16xf32, #tpu.memory_space<vmem>> -> memref<80x16xf32, #tpu.memory_space<vmem>>
        %dma_start3A_46 = arith.constant 0 : i32
        %dma_start3A_47 = tpu.memref_slice %arg7[%add3A_42, %dma_start3A_46] : memref<125x80xi32, #tpu.memory_space<vmem>> -> memref<1x80xi32, #tpu.memory_space<vmem>>
        %dma_start3A_48 = tpu.memref_squeeze %dma_start3A_47 : memref<1x80xi32, #tpu.memory_space<vmem>> -> memref<80xi32, #tpu.memory_space<vmem>>
        %dma_start3A_49 = arith.constant 0 : i32
        %dma_start3A_50 = arith.constant 0 : i32
        %dma_start3A_51 = tpu.memref_slice %arg2[%dma_start3A_49, %dma_start3A_50] : memref<10000x16xf32, #tpu.memory_space<hbm>> -> memref<10000x16xf32, #tpu.memory_space<hbm>>
        tpu.enqueue_indirect_dma source(%dma_start3A_51 : memref<10000x16xf32, #tpu.memory_space<hbm>>) target(%dma_start3A_45 : memref<80x16xf32, #tpu.memory_space<vmem>>) offsets(%dma_start3A_48 : memref<80xi32, #tpu.memory_space<vmem>>) semaphore(%arg10 : memref<!tpu.dma_semaphore, #tpu.memory_space<semaphore_mem>>)
      }
      %scan3A_22 = arith.constant 25 : i32
      %scan3A_23 = arith.constant 0 : i32
      %scan3A_24 = arith.constant 0 : i32
      %scan3A_25 = arith.constant 25 : i32
      %scan3A_26 = arith.addi %scan3A_24, %scan3A_25 : i32
      %scan3A_27 = arith.constant 1 : i32
      scf.for %scan3A_41 = %scan3A_24 to %scan3A_26 step %scan3A_27  : i32 {
        %dma_wait3A = arith.constant 0 : i32
        %dma_wait3A_42 = arith.constant 0 : i32
        %dma_wait3A_43 = arith.constant 0 : i32
        %dma_wait3A_44 = arith.constant 0 : i32
        %dma_wait3A_45 = tpu.memref_slice %arg9[%dma_wait3A_42, %dma_wait3A_43, %dma_wait3A_44] : memref<25x80x16xf32, #tpu.memory_space<vmem>> -> memref<1x80x16xf32, #tpu.memory_space<vmem>>
        %dma_wait3A_46 = tpu.memref_squeeze %dma_wait3A_45 : memref<1x80x16xf32, #tpu.memory_space<vmem>> -> memref<80x16xf32, #tpu.memory_space<vmem>>
        %dma_wait3A_47 = arith.constant 0 : i32
        %dma_wait3A_48 = tpu.memref_slice %arg7[%dma_wait3A, %dma_wait3A_47] : memref<125x80xi32, #tpu.memory_space<vmem>> -> memref<1x80xi32, #tpu.memory_space<vmem>>
        %dma_wait3A_49 = tpu.memref_squeeze %dma_wait3A_48 : memref<1x80xi32, #tpu.memory_space<vmem>> -> memref<80xi32, #tpu.memory_space<vmem>>
        %dma_wait3A_50 = arith.constant 0 : i32
        %dma_wait3A_51 = arith.constant 0 : i32
        %dma_wait3A_52 = tpu.memref_slice %arg2[%dma_wait3A_50, %dma_wait3A_51] : memref<10000x16xf32, #tpu.memory_space<hbm>> -> memref<10000x16xf32, #tpu.memory_space<hbm>>
        tpu.wait_indirect_dma semaphore(%arg10 : memref<!tpu.dma_semaphore, #tpu.memory_space<semaphore_mem>>) src(%dma_wait3A_52 : memref<10000x16xf32, #tpu.memory_space<hbm>>) dst(%dma_wait3A_46 : memref<80x16xf32, #tpu.memory_space<vmem>>)
      }
      %scan3A_28 = arith.constant 25 : i32
      %scan3A_29 = arith.constant 0 : i32
      %scan3A_30 = arith.constant 0 : i32
      %scan3A_31 = arith.constant 25 : i32
      %scan3A_32 = arith.addi %scan3A_30, %scan3A_31 : i32
      %scan3A_33 = arith.constant 1 : i32
      scf.for %scan3A_41 = %scan3A_30 to %scan3A_32 step %scan3A_33  : i32 {
        %add3A_42 = arith.addi %mul3A_16, %scan3A_41 : i32
        %dma_start3A = arith.constant 0 : i32
        %dma_start3A_43 = arith.constant 0 : i32
        %dma_start3A_44 = tpu.memref_slice %arg9[%scan3A_41, %dma_start3A, %dma_start3A_43] : memref<25x80x16xf32, #tpu.memory_space<vmem>> -> memref<1x80x16xf32, #tpu.memory_space<vmem>>
        %dma_start3A_45 = tpu.memref_squeeze %dma_start3A_44 : memref<1x80x16xf32, #tpu.memory_space<vmem>> -> memref<80x16xf32, #tpu.memory_space<vmem>>
        %dma_start3A_46 = arith.constant 0 : i32
        %dma_start3A_47 = tpu.memref_slice %arg8[%add3A_42, %dma_start3A_46] : memref<125x80xi32, #tpu.memory_space<vmem>> -> memref<1x80xi32, #tpu.memory_space<vmem>>
        %dma_start3A_48 = tpu.memref_squeeze %dma_start3A_47 : memref<1x80xi32, #tpu.memory_space<vmem>> -> memref<80xi32, #tpu.memory_space<vmem>>
        %dma_start3A_49 = arith.constant 0 : i32
        %dma_start3A_50 = arith.constant 0 : i32
        %dma_start3A_51 = tpu.memref_slice %arg12[%dma_start3A_49, %dma_start3A_50] : memref<10000x16xf32, #tpu.memory_space<vmem_shared>> -> memref<10000x16xf32, #tpu.memory_space<vmem_shared>>
        tpu.enqueue_indirect_dma source(%dma_start3A_45 : memref<80x16xf32, #tpu.memory_space<vmem>>) target(%dma_start3A_51 : memref<10000x16xf32, #tpu.memory_space<vmem_shared>>) offsets(%dma_start3A_48 : memref<80xi32, #tpu.memory_space<vmem>>) semaphore(%arg11 : memref<!tpu.dma_semaphore, #tpu.memory_space<semaphore_mem>>) {add = true}
      }
      %scan3A_34 = arith.constant 25 : i32
      %scan3A_35 = arith.constant 0 : i32
      %scan3A_36 = arith.constant 0 : i32
      %scan3A_37 = arith.constant 25 : i32
      %scan3A_38 = arith.addi %scan3A_36, %scan3A_37 : i32
      %scan3A_39 = arith.constant 1 : i32
      scf.for %scan3A_41 = %scan3A_36 to %scan3A_38 step %scan3A_39  : i32 {
        %dma_wait3A = arith.constant 0 : i32
        %dma_wait3A_42 = arith.constant 0 : i32
        %dma_wait3A_43 = arith.constant 0 : i32
        %dma_wait3A_44 = arith.constant 0 : i32
        %dma_wait3A_45 = tpu.memref_slice %arg9[%dma_wait3A, %dma_wait3A_43, %dma_wait3A_44] : memref<25x80x16xf32, #tpu.memory_space<vmem>> -> memref<1x80x16xf32, #tpu.memory_space<vmem>>
        %dma_wait3A_46 = tpu.memref_squeeze %dma_wait3A_45 : memref<1x80x16xf32, #tpu.memory_space<vmem>> -> memref<80x16xf32, #tpu.memory_space<vmem>>
        %dma_wait3A_47 = arith.constant 0 : i32
        %dma_wait3A_48 = tpu.memref_slice %arg8[%dma_wait3A_42, %dma_wait3A_47] : memref<125x80xi32, #tpu.memory_space<vmem>> -> memref<1x80xi32, #tpu.memory_space<vmem>>
        %dma_wait3A_49 = tpu.memref_squeeze %dma_wait3A_48 : memref<1x80xi32, #tpu.memory_space<vmem>> -> memref<80xi32, #tpu.memory_space<vmem>>
        %dma_wait3A_50 = arith.constant 0 : i32
        %dma_wait3A_51 = arith.constant 0 : i32
        %dma_wait3A_52 = tpu.memref_slice %arg12[%dma_wait3A_50, %dma_wait3A_51] : memref<10000x16xf32, #tpu.memory_space<vmem_shared>> -> memref<10000x16xf32, #tpu.memory_space<vmem_shared>>
        tpu.wait_indirect_dma semaphore(%arg11 : memref<!tpu.dma_semaphore, #tpu.memory_space<semaphore_mem>>) src(%dma_wait3A_46 : memref<80x16xf32, #tpu.memory_space<vmem>>) dst(%dma_wait3A_52 : memref<10000x16xf32, #tpu.memory_space<vmem_shared>>)
      }
      %scan3A_40 = arith.constant 25 : i32
    }
    %scan3A_7 = arith.constant 5 : i32
    %barrier3A_8 = arith.constant 0 : index
    tpu.barrier barrier_id(%barrier3A_8)
    %lt3A_9 = arith.constant 10 : i32
    %lt3A_10 = arith.cmpi slt, %arg1, %lt3A_9 : i32
    %convert_element_type3A_11 = arith.extui %lt3A_10 : i1 to i32
    %cond3A_12 = arith.constant 0 : i32
    %cond3A_13 = arith.cmpi ne, %convert_element_type3A_11, %cond3A_12 : i32
    scf.if %cond3A_13 {
      %mul3A_14 = arith.constant 1000 : i32
      %mul3A_15 = arith.muli %arg1, %mul3A_14 : i32
      %mul3A_16 = arith.constant 1000 : i32
      %mul3A_17 = arith.muli %arg1, %mul3A_16 : i32
      "tpu.region"() ({
        %run_scoped3A = tpu.sem_alloc : memref<!tpu.dma_semaphore, #tpu.memory_space<semaphore_mem>>
        %dma_start3A = arith.constant 0 : i32
        %dma_start3A_18 = tpu.memref_slice %arg6[%arg0, %mul3A_17, %dma_start3A] : memref<2x10000x16xf32, #tpu.memory_space<hbm>> -> memref<1x1000x16xf32, #tpu.memory_space<hbm>>
        %dma_start3A_19 = tpu.memref_squeeze %dma_start3A_18 : memref<1x1000x16xf32, #tpu.memory_space<hbm>> -> memref<1000x16xf32, #tpu.memory_space<hbm>>
        %dma_start3A_20 = arith.constant 0 : i32
        %dma_start3A_21 = tpu.memref_slice %arg12[%mul3A_15, %dma_start3A_20] : memref<10000x16xf32, #tpu.memory_space<vmem_shared>> -> memref<1000x16xf32, #tpu.memory_space<vmem_shared>>
        tpu.enqueue_dma source(%dma_start3A_21 : memref<1000x16xf32, #tpu.memory_space<vmem_shared>>) target(%dma_start3A_19 : memref<1000x16xf32, #tpu.memory_space<hbm>>) target_semaphore(%run_scoped3A : memref<!tpu.dma_semaphore, #tpu.memory_space<semaphore_mem>>)
        %dma_wait3A = arith.constant 0 : i32
        %dma_wait3A_22 = tpu.memref_slice %arg6[%arg0, %mul3A_17, %dma_wait3A] : memref<2x10000x16xf32, #tpu.memory_space<hbm>> -> memref<1x1000x16xf32, #tpu.memory_space<hbm>>
        %dma_wait3A_23 = tpu.memref_squeeze %dma_wait3A_22 : memref<1x1000x16xf32, #tpu.memory_space<hbm>> -> memref<1000x16xf32, #tpu.memory_space<hbm>>
        %dma_wait3A_24 = arith.constant 0 : i32
        %dma_wait3A_25 = tpu.memref_slice %arg12[%mul3A_15, %dma_wait3A_24] : memref<10000x16xf32, #tpu.memory_space<vmem_shared>> -> memref<1000x16xf32, #tpu.memory_space<vmem_shared>>
        tpu.wait_dma2 semaphore(%run_scoped3A : memref<!tpu.dma_semaphore, #tpu.memory_space<semaphore_mem>>) src(%dma_wait3A_25 : memref<1000x16xf32, #tpu.memory_space<vmem_shared>>) dst(%dma_wait3A_23 : memref<1000x16xf32, #tpu.memory_space<hbm>>)
        tpu.yield
      }) : () -> ()
    } else {
    }
    return
  }
}

#map = affine_map<(d0, d1) -> (0, 0)>
#map1 = affine_map<(d0, d1) -> (0, 0, 0)>
module attributes {stable_mosaic.version = 14 : i64} {
  func.func @agg_kernel(%arg0: i32, %arg1: i32, %arg2: memref<10000x32xf32, #tpu.memory_space<hbm>>, %arg3: memref<32x125x80xi32, #tpu.memory_space<hbm>>, %arg4: memref<32x125x80xi32, #tpu.memory_space<hbm>>, %arg5: memref<1000x32xf32, #tpu.memory_space<hbm>>, %arg6: memref<2x10000x32xf32, #tpu.memory_space<hbm>>, %arg7: memref<125x80xi32, #tpu.memory_space<vmem>>, %arg8: memref<125x80xi32, #tpu.memory_space<vmem>>, %arg9: memref<25x80x32xf32, #tpu.memory_space<vmem>>, %arg10: memref<!tpu.dma_semaphore, #tpu.memory_space<semaphore_mem>>, %arg11: memref<!tpu.dma_semaphore, #tpu.memory_space<semaphore_mem>>, %arg12: memref<10000x32xf32, #tpu.memory_space<vmem_shared>>) attributes {dimension_semantics = [#tpu.dimension_semantics<core_parallel>, #tpu.dimension_semantics<subcore_parallel>], iteration_bounds = array<i64: 2, 16>, scalar_prefetch = 0 : i64, scratch_operands = 6 : i64, tpu.core_type = #tpu.core_type<sc_vector_subcore>, window_params = [{transform_indices = #map}, {transform_indices = #map1}, {transform_indices = #map1}, {transform_indices = #map}, {transform_indices = #map1}]} {
    %mul3A = arith.constant 16 : i32
    %mul3A_0 = arith.muli %arg0, %mul3A : i32
    %add3A = arith.addi %mul3A_0, %arg1 : i32
    %lt3A = arith.constant 10 : i32
    %lt3A_1 = arith.cmpi slt, %arg1, %lt3A : i32
    %convert_element_type3A = arith.extui %lt3A_1 : i1 to i32
    %cond3A = arith.constant 0 : i32
    %cond3A_2 = arith.cmpi ne, %convert_element_type3A, %cond3A : i32
    scf.if %cond3A_2 {
      %mul3A_14 = arith.constant 1000 : i32
      %mul3A_15 = arith.muli %arg1, %mul3A_14 : i32
      "tpu.region"() ({
        %run_scoped3A = tpu.sem_alloc : memref<!tpu.dma_semaphore, #tpu.memory_space<semaphore_mem>>
        %dma_start3A = arith.constant 0 : i32
        %dma_start3A_16 = tpu.memref_slice %arg12[%mul3A_15, %dma_start3A] : memref<10000x32xf32, #tpu.memory_space<vmem_shared>> -> memref<1000x32xf32, #tpu.memory_space<vmem_shared>>
        tpu.enqueue_dma source(%arg5 : memref<1000x32xf32, #tpu.memory_space<hbm>>) target(%dma_start3A_16 : memref<1000x32xf32, #tpu.memory_space<vmem_shared>>) target_semaphore(%run_scoped3A : memref<!tpu.dma_semaphore, #tpu.memory_space<semaphore_mem>>)
        %dma_wait3A = arith.constant 0 : i32
        %dma_wait3A_17 = tpu.memref_slice %arg12[%mul3A_15, %dma_wait3A] : memref<10000x32xf32, #tpu.memory_space<vmem_shared>> -> memref<1000x32xf32, #tpu.memory_space<vmem_shared>>
        tpu.wait_dma2 semaphore(%run_scoped3A : memref<!tpu.dma_semaphore, #tpu.memory_space<semaphore_mem>>) src(%arg5 : memref<1000x32xf32, #tpu.memory_space<hbm>>) dst(%dma_wait3A_17 : memref<1000x32xf32, #tpu.memory_space<vmem_shared>>)
        tpu.yield
      }) : () -> ()
    } else {
    }
    "tpu.region"() ({
      %run_scoped3A = tpu.sem_alloc : memref<!tpu.dma_semaphore, #tpu.memory_space<semaphore_mem>>
      %dma_start3A = arith.constant 0 : i32
      %dma_start3A_14 = arith.constant 0 : i32
      %dma_start3A_15 = tpu.memref_slice %arg3[%add3A, %dma_start3A, %dma_start3A_14] : memref<32x125x80xi32, #tpu.memory_space<hbm>> -> memref<1x125x80xi32, #tpu.memory_space<hbm>>
      %dma_start3A_16 = tpu.memref_squeeze %dma_start3A_15 : memref<1x125x80xi32, #tpu.memory_space<hbm>> -> memref<125x80xi32, #tpu.memory_space<hbm>>
      %dma_start3A_17 = arith.constant 0 : i32
      %dma_start3A_18 = arith.constant 0 : i32
      %dma_start3A_19 = tpu.memref_slice %arg3[%add3A, %dma_start3A_17, %dma_start3A_18] : memref<32x125x80xi32, #tpu.memory_space<hbm>> -> memref<1x125x80xi32, #tpu.memory_space<hbm>>
      %dma_start3A_20 = tpu.memref_squeeze %dma_start3A_19 : memref<1x125x80xi32, #tpu.memory_space<hbm>> -> memref<125x80xi32, #tpu.memory_space<hbm>>
      tpu.enqueue_dma source(%dma_start3A_20 : memref<125x80xi32, #tpu.memory_space<hbm>>) target(%arg7 : memref<125x80xi32, #tpu.memory_space<vmem>>) target_semaphore(%run_scoped3A : memref<!tpu.dma_semaphore, #tpu.memory_space<semaphore_mem>>)
      %dma_wait3A = arith.constant 0 : i32
      %dma_wait3A_21 = arith.constant 0 : i32
      %dma_wait3A_22 = tpu.memref_slice %arg3[%add3A, %dma_wait3A, %dma_wait3A_21] : memref<32x125x80xi32, #tpu.memory_space<hbm>> -> memref<1x125x80xi32, #tpu.memory_space<hbm>>
      %dma_wait3A_23 = tpu.memref_squeeze %dma_wait3A_22 : memref<1x125x80xi32, #tpu.memory_space<hbm>> -> memref<125x80xi32, #tpu.memory_space<hbm>>
      %dma_wait3A_24 = arith.constant 0 : i32
      %dma_wait3A_25 = arith.constant 0 : i32
      %dma_wait3A_26 = tpu.memref_slice %arg3[%add3A, %dma_wait3A_24, %dma_wait3A_25] : memref<32x125x80xi32, #tpu.memory_space<hbm>> -> memref<1x125x80xi32, #tpu.memory_space<hbm>>
      %dma_wait3A_27 = tpu.memref_squeeze %dma_wait3A_26 : memref<1x125x80xi32, #tpu.memory_space<hbm>> -> memref<125x80xi32, #tpu.memory_space<hbm>>
      tpu.wait_dma2 semaphore(%run_scoped3A : memref<!tpu.dma_semaphore, #tpu.memory_space<semaphore_mem>>) src(%dma_wait3A_27 : memref<125x80xi32, #tpu.memory_space<hbm>>) dst(%arg7 : memref<125x80xi32, #tpu.memory_space<vmem>>)
      tpu.yield
    }) : () -> ()
    "tpu.region"() ({
      %run_scoped3A = tpu.sem_alloc : memref<!tpu.dma_semaphore, #tpu.memory_space<semaphore_mem>>
      %dma_start3A = arith.constant 0 : i32
      %dma_start3A_14 = arith.constant 0 : i32
      %dma_start3A_15 = tpu.memref_slice %arg4[%add3A, %dma_start3A, %dma_start3A_14] : memref<32x125x80xi32, #tpu.memory_space<hbm>> -> memref<1x125x80xi32, #tpu.memory_space<hbm>>
      %dma_start3A_16 = tpu.memref_squeeze %dma_start3A_15 : memref<1x125x80xi32, #tpu.memory_space<hbm>> -> memref<125x80xi32, #tpu.memory_space<hbm>>
      %dma_start3A_17 = arith.constant 0 : i32
      %dma_start3A_18 = arith.constant 0 : i32
      %dma_start3A_19 = tpu.memref_slice %arg4[%add3A, %dma_start3A_17, %dma_start3A_18] : memref<32x125x80xi32, #tpu.memory_space<hbm>> -> memref<1x125x80xi32, #tpu.memory_space<hbm>>
      %dma_start3A_20 = tpu.memref_squeeze %dma_start3A_19 : memref<1x125x80xi32, #tpu.memory_space<hbm>> -> memref<125x80xi32, #tpu.memory_space<hbm>>
      tpu.enqueue_dma source(%dma_start3A_20 : memref<125x80xi32, #tpu.memory_space<hbm>>) target(%arg8 : memref<125x80xi32, #tpu.memory_space<vmem>>) target_semaphore(%run_scoped3A : memref<!tpu.dma_semaphore, #tpu.memory_space<semaphore_mem>>)
      %dma_wait3A = arith.constant 0 : i32
      %dma_wait3A_21 = arith.constant 0 : i32
      %dma_wait3A_22 = tpu.memref_slice %arg4[%add3A, %dma_wait3A, %dma_wait3A_21] : memref<32x125x80xi32, #tpu.memory_space<hbm>> -> memref<1x125x80xi32, #tpu.memory_space<hbm>>
      %dma_wait3A_23 = tpu.memref_squeeze %dma_wait3A_22 : memref<1x125x80xi32, #tpu.memory_space<hbm>> -> memref<125x80xi32, #tpu.memory_space<hbm>>
      %dma_wait3A_24 = arith.constant 0 : i32
      %dma_wait3A_25 = arith.constant 0 : i32
      %dma_wait3A_26 = tpu.memref_slice %arg4[%add3A, %dma_wait3A_24, %dma_wait3A_25] : memref<32x125x80xi32, #tpu.memory_space<hbm>> -> memref<1x125x80xi32, #tpu.memory_space<hbm>>
      %dma_wait3A_27 = tpu.memref_squeeze %dma_wait3A_26 : memref<1x125x80xi32, #tpu.memory_space<hbm>> -> memref<125x80xi32, #tpu.memory_space<hbm>>
      tpu.wait_dma2 semaphore(%run_scoped3A : memref<!tpu.dma_semaphore, #tpu.memory_space<semaphore_mem>>) src(%dma_wait3A_27 : memref<125x80xi32, #tpu.memory_space<hbm>>) dst(%arg8 : memref<125x80xi32, #tpu.memory_space<vmem>>)
      tpu.yield
    }) : () -> ()
    %barrier3A = arith.constant 0 : index
    tpu.barrier barrier_id(%barrier3A)
    %scan3A = arith.constant 0 : i32
    %scan3A_3 = arith.constant 0 : i32
    %scan3A_4 = arith.constant 5 : i32
    %scan3A_5 = arith.addi %scan3A_3, %scan3A_4 : i32
    %scan3A_6 = arith.constant 1 : i32
    scf.for %scan3A_14 = %scan3A_3 to %scan3A_5 step %scan3A_6  : i32 {
      %mul3A_15 = arith.constant 25 : i32
      %mul3A_16 = arith.muli %scan3A_14, %mul3A_15 : i32
      %scan3A_17 = arith.constant 0 : i32
      %scan3A_18 = arith.constant 0 : i32
      %scan3A_19 = arith.constant 25 : i32
      %scan3A_20 = arith.addi %scan3A_18, %scan3A_19 : i32
      %scan3A_21 = arith.constant 1 : i32
      scf.for %scan3A_41 = %scan3A_18 to %scan3A_20 step %scan3A_21  : i32 {
        %add3A_42 = arith.addi %mul3A_16, %scan3A_41 : i32
        %dma_start3A = arith.constant 0 : i32
        %dma_start3A_43 = arith.constant 0 : i32
        %dma_start3A_44 = tpu.memref_slice %arg9[%scan3A_41, %dma_start3A, %dma_start3A_43] : memref<25x80x32xf32, #tpu.memory_space<vmem>> -> memref<1x80x32xf32, #tpu.memory_space<vmem>>
        %dma_start3A_45 = tpu.memref_squeeze %dma_start3A_44 : memref<1x80x32xf32, #tpu.memory_space<vmem>> -> memref<80x32xf32, #tpu.memory_space<vmem>>
        %dma_start3A_46 = arith.constant 0 : i32
        %dma_start3A_47 = tpu.memref_slice %arg7[%add3A_42, %dma_start3A_46] : memref<125x80xi32, #tpu.memory_space<vmem>> -> memref<1x80xi32, #tpu.memory_space<vmem>>
        %dma_start3A_48 = tpu.memref_squeeze %dma_start3A_47 : memref<1x80xi32, #tpu.memory_space<vmem>> -> memref<80xi32, #tpu.memory_space<vmem>>
        %dma_start3A_49 = arith.constant 0 : i32
        %dma_start3A_50 = arith.constant 0 : i32
        %dma_start3A_51 = tpu.memref_slice %arg2[%dma_start3A_49, %dma_start3A_50] : memref<10000x32xf32, #tpu.memory_space<hbm>> -> memref<10000x32xf32, #tpu.memory_space<hbm>>
        tpu.enqueue_indirect_dma source(%dma_start3A_51 : memref<10000x32xf32, #tpu.memory_space<hbm>>) target(%dma_start3A_45 : memref<80x32xf32, #tpu.memory_space<vmem>>) offsets(%dma_start3A_48 : memref<80xi32, #tpu.memory_space<vmem>>) semaphore(%arg10 : memref<!tpu.dma_semaphore, #tpu.memory_space<semaphore_mem>>)
      }
      %scan3A_22 = arith.constant 25 : i32
      %scan3A_23 = arith.constant 0 : i32
      %scan3A_24 = arith.constant 0 : i32
      %scan3A_25 = arith.constant 25 : i32
      %scan3A_26 = arith.addi %scan3A_24, %scan3A_25 : i32
      %scan3A_27 = arith.constant 1 : i32
      scf.for %scan3A_41 = %scan3A_24 to %scan3A_26 step %scan3A_27  : i32 {
        %dma_wait3A = arith.constant 0 : i32
        %dma_wait3A_42 = arith.constant 0 : i32
        %dma_wait3A_43 = arith.constant 0 : i32
        %dma_wait3A_44 = arith.constant 0 : i32
        %dma_wait3A_45 = tpu.memref_slice %arg9[%dma_wait3A_42, %dma_wait3A_43, %dma_wait3A_44] : memref<25x80x32xf32, #tpu.memory_space<vmem>> -> memref<1x80x32xf32, #tpu.memory_space<vmem>>
        %dma_wait3A_46 = tpu.memref_squeeze %dma_wait3A_45 : memref<1x80x32xf32, #tpu.memory_space<vmem>> -> memref<80x32xf32, #tpu.memory_space<vmem>>
        %dma_wait3A_47 = arith.constant 0 : i32
        %dma_wait3A_48 = tpu.memref_slice %arg7[%dma_wait3A, %dma_wait3A_47] : memref<125x80xi32, #tpu.memory_space<vmem>> -> memref<1x80xi32, #tpu.memory_space<vmem>>
        %dma_wait3A_49 = tpu.memref_squeeze %dma_wait3A_48 : memref<1x80xi32, #tpu.memory_space<vmem>> -> memref<80xi32, #tpu.memory_space<vmem>>
        %dma_wait3A_50 = arith.constant 0 : i32
        %dma_wait3A_51 = arith.constant 0 : i32
        %dma_wait3A_52 = tpu.memref_slice %arg2[%dma_wait3A_50, %dma_wait3A_51] : memref<10000x32xf32, #tpu.memory_space<hbm>> -> memref<10000x32xf32, #tpu.memory_space<hbm>>
        tpu.wait_indirect_dma semaphore(%arg10 : memref<!tpu.dma_semaphore, #tpu.memory_space<semaphore_mem>>) src(%dma_wait3A_52 : memref<10000x32xf32, #tpu.memory_space<hbm>>) dst(%dma_wait3A_46 : memref<80x32xf32, #tpu.memory_space<vmem>>)
      }
      %scan3A_28 = arith.constant 25 : i32
      %scan3A_29 = arith.constant 0 : i32
      %scan3A_30 = arith.constant 0 : i32
      %scan3A_31 = arith.constant 25 : i32
      %scan3A_32 = arith.addi %scan3A_30, %scan3A_31 : i32
      %scan3A_33 = arith.constant 1 : i32
      scf.for %scan3A_41 = %scan3A_30 to %scan3A_32 step %scan3A_33  : i32 {
        %add3A_42 = arith.addi %mul3A_16, %scan3A_41 : i32
        %dma_start3A = arith.constant 0 : i32
        %dma_start3A_43 = arith.constant 0 : i32
        %dma_start3A_44 = tpu.memref_slice %arg9[%scan3A_41, %dma_start3A, %dma_start3A_43] : memref<25x80x32xf32, #tpu.memory_space<vmem>> -> memref<1x80x32xf32, #tpu.memory_space<vmem>>
        %dma_start3A_45 = tpu.memref_squeeze %dma_start3A_44 : memref<1x80x32xf32, #tpu.memory_space<vmem>> -> memref<80x32xf32, #tpu.memory_space<vmem>>
        %dma_start3A_46 = arith.constant 0 : i32
        %dma_start3A_47 = tpu.memref_slice %arg8[%add3A_42, %dma_start3A_46] : memref<125x80xi32, #tpu.memory_space<vmem>> -> memref<1x80xi32, #tpu.memory_space<vmem>>
        %dma_start3A_48 = tpu.memref_squeeze %dma_start3A_47 : memref<1x80xi32, #tpu.memory_space<vmem>> -> memref<80xi32, #tpu.memory_space<vmem>>
        %dma_start3A_49 = arith.constant 0 : i32
        %dma_start3A_50 = arith.constant 0 : i32
        %dma_start3A_51 = tpu.memref_slice %arg12[%dma_start3A_49, %dma_start3A_50] : memref<10000x32xf32, #tpu.memory_space<vmem_shared>> -> memref<10000x32xf32, #tpu.memory_space<vmem_shared>>
        tpu.enqueue_indirect_dma source(%dma_start3A_45 : memref<80x32xf32, #tpu.memory_space<vmem>>) target(%dma_start3A_51 : memref<10000x32xf32, #tpu.memory_space<vmem_shared>>) offsets(%dma_start3A_48 : memref<80xi32, #tpu.memory_space<vmem>>) semaphore(%arg11 : memref<!tpu.dma_semaphore, #tpu.memory_space<semaphore_mem>>) {add = true}
      }
      %scan3A_34 = arith.constant 25 : i32
      %scan3A_35 = arith.constant 0 : i32
      %scan3A_36 = arith.constant 0 : i32
      %scan3A_37 = arith.constant 25 : i32
      %scan3A_38 = arith.addi %scan3A_36, %scan3A_37 : i32
      %scan3A_39 = arith.constant 1 : i32
      scf.for %scan3A_41 = %scan3A_36 to %scan3A_38 step %scan3A_39  : i32 {
        %dma_wait3A = arith.constant 0 : i32
        %dma_wait3A_42 = arith.constant 0 : i32
        %dma_wait3A_43 = arith.constant 0 : i32
        %dma_wait3A_44 = arith.constant 0 : i32
        %dma_wait3A_45 = tpu.memref_slice %arg9[%dma_wait3A, %dma_wait3A_43, %dma_wait3A_44] : memref<25x80x32xf32, #tpu.memory_space<vmem>> -> memref<1x80x32xf32, #tpu.memory_space<vmem>>
        %dma_wait3A_46 = tpu.memref_squeeze %dma_wait3A_45 : memref<1x80x32xf32, #tpu.memory_space<vmem>> -> memref<80x32xf32, #tpu.memory_space<vmem>>
        %dma_wait3A_47 = arith.constant 0 : i32
        %dma_wait3A_48 = tpu.memref_slice %arg8[%dma_wait3A_42, %dma_wait3A_47] : memref<125x80xi32, #tpu.memory_space<vmem>> -> memref<1x80xi32, #tpu.memory_space<vmem>>
        %dma_wait3A_49 = tpu.memref_squeeze %dma_wait3A_48 : memref<1x80xi32, #tpu.memory_space<vmem>> -> memref<80xi32, #tpu.memory_space<vmem>>
        %dma_wait3A_50 = arith.constant 0 : i32
        %dma_wait3A_51 = arith.constant 0 : i32
        %dma_wait3A_52 = tpu.memref_slice %arg12[%dma_wait3A_50, %dma_wait3A_51] : memref<10000x32xf32, #tpu.memory_space<vmem_shared>> -> memref<10000x32xf32, #tpu.memory_space<vmem_shared>>
        tpu.wait_indirect_dma semaphore(%arg11 : memref<!tpu.dma_semaphore, #tpu.memory_space<semaphore_mem>>) src(%dma_wait3A_46 : memref<80x32xf32, #tpu.memory_space<vmem>>) dst(%dma_wait3A_52 : memref<10000x32xf32, #tpu.memory_space<vmem_shared>>)
      }
      %scan3A_40 = arith.constant 25 : i32
    }
    %scan3A_7 = arith.constant 5 : i32
    %barrier3A_8 = arith.constant 0 : index
    tpu.barrier barrier_id(%barrier3A_8)
    %lt3A_9 = arith.constant 10 : i32
    %lt3A_10 = arith.cmpi slt, %arg1, %lt3A_9 : i32
    %convert_element_type3A_11 = arith.extui %lt3A_10 : i1 to i32
    %cond3A_12 = arith.constant 0 : i32
    %cond3A_13 = arith.cmpi ne, %convert_element_type3A_11, %cond3A_12 : i32
    scf.if %cond3A_13 {
      %mul3A_14 = arith.constant 1000 : i32
      %mul3A_15 = arith.muli %arg1, %mul3A_14 : i32
      %mul3A_16 = arith.constant 1000 : i32
      %mul3A_17 = arith.muli %arg1, %mul3A_16 : i32
      "tpu.region"() ({
        %run_scoped3A = tpu.sem_alloc : memref<!tpu.dma_semaphore, #tpu.memory_space<semaphore_mem>>
        %dma_start3A = arith.constant 0 : i32
        %dma_start3A_18 = tpu.memref_slice %arg6[%arg0, %mul3A_17, %dma_start3A] : memref<2x10000x32xf32, #tpu.memory_space<hbm>> -> memref<1x1000x32xf32, #tpu.memory_space<hbm>>
        %dma_start3A_19 = tpu.memref_squeeze %dma_start3A_18 : memref<1x1000x32xf32, #tpu.memory_space<hbm>> -> memref<1000x32xf32, #tpu.memory_space<hbm>>
        %dma_start3A_20 = arith.constant 0 : i32
        %dma_start3A_21 = tpu.memref_slice %arg12[%mul3A_15, %dma_start3A_20] : memref<10000x32xf32, #tpu.memory_space<vmem_shared>> -> memref<1000x32xf32, #tpu.memory_space<vmem_shared>>
        tpu.enqueue_dma source(%dma_start3A_21 : memref<1000x32xf32, #tpu.memory_space<vmem_shared>>) target(%dma_start3A_19 : memref<1000x32xf32, #tpu.memory_space<hbm>>) target_semaphore(%run_scoped3A : memref<!tpu.dma_semaphore, #tpu.memory_space<semaphore_mem>>)
        %dma_wait3A = arith.constant 0 : i32
        %dma_wait3A_22 = tpu.memref_slice %arg6[%arg0, %mul3A_17, %dma_wait3A] : memref<2x10000x32xf32, #tpu.memory_space<hbm>> -> memref<1x1000x32xf32, #tpu.memory_space<hbm>>
        %dma_wait3A_23 = tpu.memref_squeeze %dma_wait3A_22 : memref<1x1000x32xf32, #tpu.memory_space<hbm>> -> memref<1000x32xf32, #tpu.memory_space<hbm>>
        %dma_wait3A_24 = arith.constant 0 : i32
        %dma_wait3A_25 = tpu.memref_slice %arg12[%mul3A_15, %dma_wait3A_24] : memref<10000x32xf32, #tpu.memory_space<vmem_shared>> -> memref<1000x32xf32, #tpu.memory_space<vmem_shared>>
        tpu.wait_dma2 semaphore(%run_scoped3A : memref<!tpu.dma_semaphore, #tpu.memory_space<semaphore_mem>>) src(%dma_wait3A_25 : memref<1000x32xf32, #tpu.memory_space<vmem_shared>>) dst(%dma_wait3A_23 : memref<1000x32xf32, #tpu.memory_space<hbm>>)
        tpu.yield
      }) : () -> ()
    } else {
    }
    return
  }
}

#map = affine_map<(d0, d1) -> (0, 0, 0)>
#map1 = affine_map<(d0, d1) -> (0, 0)>
module attributes {stable_mosaic.version = 14 : i64} {
  func.func @_deg_kernel(%arg0: i32, %arg1: i32, %arg2: memref<32x125x80xi32, #tpu.memory_space<hbm>>, %arg3: memref<1000x8xf32, #tpu.memory_space<hbm>>, %arg4: memref<80x8xf32, #tpu.memory_space<hbm>>, %arg5: memref<2x10000x8xf32, #tpu.memory_space<hbm>>, %arg6: memref<125x80xi32, #tpu.memory_space<vmem>>, %arg7: memref<80x8xf32, #tpu.memory_space<vmem>>, %arg8: memref<!tpu.dma_semaphore, #tpu.memory_space<semaphore_mem>>, %arg9: memref<10000x8xf32, #tpu.memory_space<vmem_shared>>) attributes {dimension_semantics = [#tpu.dimension_semantics<core_parallel>, #tpu.dimension_semantics<subcore_parallel>], iteration_bounds = array<i64: 2, 16>, scalar_prefetch = 0 : i64, scratch_operands = 4 : i64, tpu.core_type = #tpu.core_type<sc_vector_subcore>, window_params = [{transform_indices = #map}, {transform_indices = #map1}, {transform_indices = #map1}, {transform_indices = #map}]} {
    %mul3A = arith.constant 16 : i32
    %mul3A_0 = arith.muli %arg0, %mul3A : i32
    %add3A = arith.addi %mul3A_0, %arg1 : i32
    %lt3A = arith.constant 10 : i32
    %lt3A_1 = arith.cmpi slt, %arg1, %lt3A : i32
    %convert_element_type3A = arith.extui %lt3A_1 : i1 to i32
    %cond3A = arith.constant 0 : i32
    %cond3A_2 = arith.cmpi ne, %convert_element_type3A, %cond3A : i32
    scf.if %cond3A_2 {
      %mul3A_14 = arith.constant 1000 : i32
      %mul3A_15 = arith.muli %arg1, %mul3A_14 : i32
      "tpu.region"() ({
        %run_scoped3A = tpu.sem_alloc : memref<!tpu.dma_semaphore, #tpu.memory_space<semaphore_mem>>
        %dma_start3A = arith.constant 0 : i32
        %dma_start3A_16 = tpu.memref_slice %arg9[%mul3A_15, %dma_start3A] : memref<10000x8xf32, #tpu.memory_space<vmem_shared>> -> memref<1000x8xf32, #tpu.memory_space<vmem_shared>>
        tpu.enqueue_dma source(%arg3 : memref<1000x8xf32, #tpu.memory_space<hbm>>) target(%dma_start3A_16 : memref<1000x8xf32, #tpu.memory_space<vmem_shared>>) target_semaphore(%run_scoped3A : memref<!tpu.dma_semaphore, #tpu.memory_space<semaphore_mem>>)
        %dma_wait3A = arith.constant 0 : i32
        %dma_wait3A_17 = tpu.memref_slice %arg9[%mul3A_15, %dma_wait3A] : memref<10000x8xf32, #tpu.memory_space<vmem_shared>> -> memref<1000x8xf32, #tpu.memory_space<vmem_shared>>
        tpu.wait_dma2 semaphore(%run_scoped3A : memref<!tpu.dma_semaphore, #tpu.memory_space<semaphore_mem>>) src(%arg3 : memref<1000x8xf32, #tpu.memory_space<hbm>>) dst(%dma_wait3A_17 : memref<1000x8xf32, #tpu.memory_space<vmem_shared>>)
        tpu.yield
      }) : () -> ()
    } else {
    }
    "tpu.region"() ({
      %run_scoped3A = tpu.sem_alloc : memref<!tpu.dma_semaphore, #tpu.memory_space<semaphore_mem>>
      tpu.enqueue_dma source(%arg4 : memref<80x8xf32, #tpu.memory_space<hbm>>) target(%arg7 : memref<80x8xf32, #tpu.memory_space<vmem>>) target_semaphore(%run_scoped3A : memref<!tpu.dma_semaphore, #tpu.memory_space<semaphore_mem>>)
      tpu.wait_dma2 semaphore(%run_scoped3A : memref<!tpu.dma_semaphore, #tpu.memory_space<semaphore_mem>>) src(%arg4 : memref<80x8xf32, #tpu.memory_space<hbm>>) dst(%arg7 : memref<80x8xf32, #tpu.memory_space<vmem>>)
      tpu.yield
    }) : () -> ()
    "tpu.region"() ({
      %run_scoped3A = tpu.sem_alloc : memref<!tpu.dma_semaphore, #tpu.memory_space<semaphore_mem>>
      %dma_start3A = arith.constant 0 : i32
      %dma_start3A_14 = arith.constant 0 : i32
      %dma_start3A_15 = tpu.memref_slice %arg2[%add3A, %dma_start3A, %dma_start3A_14] : memref<32x125x80xi32, #tpu.memory_space<hbm>> -> memref<1x125x80xi32, #tpu.memory_space<hbm>>
      %dma_start3A_16 = tpu.memref_squeeze %dma_start3A_15 : memref<1x125x80xi32, #tpu.memory_space<hbm>> -> memref<125x80xi32, #tpu.memory_space<hbm>>
      %dma_start3A_17 = arith.constant 0 : i32
      %dma_start3A_18 = arith.constant 0 : i32
      %dma_start3A_19 = tpu.memref_slice %arg2[%add3A, %dma_start3A_17, %dma_start3A_18] : memref<32x125x80xi32, #tpu.memory_space<hbm>> -> memref<1x125x80xi32, #tpu.memory_space<hbm>>
      %dma_start3A_20 = tpu.memref_squeeze %dma_start3A_19 : memref<1x125x80xi32, #tpu.memory_space<hbm>> -> memref<125x80xi32, #tpu.memory_space<hbm>>
      tpu.enqueue_dma source(%dma_start3A_20 : memref<125x80xi32, #tpu.memory_space<hbm>>) target(%arg6 : memref<125x80xi32, #tpu.memory_space<vmem>>) target_semaphore(%run_scoped3A : memref<!tpu.dma_semaphore, #tpu.memory_space<semaphore_mem>>)
      %dma_wait3A = arith.constant 0 : i32
      %dma_wait3A_21 = arith.constant 0 : i32
      %dma_wait3A_22 = tpu.memref_slice %arg2[%add3A, %dma_wait3A, %dma_wait3A_21] : memref<32x125x80xi32, #tpu.memory_space<hbm>> -> memref<1x125x80xi32, #tpu.memory_space<hbm>>
      %dma_wait3A_23 = tpu.memref_squeeze %dma_wait3A_22 : memref<1x125x80xi32, #tpu.memory_space<hbm>> -> memref<125x80xi32, #tpu.memory_space<hbm>>
      %dma_wait3A_24 = arith.constant 0 : i32
      %dma_wait3A_25 = arith.constant 0 : i32
      %dma_wait3A_26 = tpu.memref_slice %arg2[%add3A, %dma_wait3A_24, %dma_wait3A_25] : memref<32x125x80xi32, #tpu.memory_space<hbm>> -> memref<1x125x80xi32, #tpu.memory_space<hbm>>
      %dma_wait3A_27 = tpu.memref_squeeze %dma_wait3A_26 : memref<1x125x80xi32, #tpu.memory_space<hbm>> -> memref<125x80xi32, #tpu.memory_space<hbm>>
      tpu.wait_dma2 semaphore(%run_scoped3A : memref<!tpu.dma_semaphore, #tpu.memory_space<semaphore_mem>>) src(%dma_wait3A_27 : memref<125x80xi32, #tpu.memory_space<hbm>>) dst(%arg6 : memref<125x80xi32, #tpu.memory_space<vmem>>)
      tpu.yield
    }) : () -> ()
    %barrier3A = arith.constant 0 : index
    tpu.barrier barrier_id(%barrier3A)
    %scan3A = arith.constant 0 : i32
    %scan3A_3 = arith.constant 0 : i32
    %scan3A_4 = arith.constant 5 : i32
    %scan3A_5 = arith.addi %scan3A_3, %scan3A_4 : i32
    %scan3A_6 = arith.constant 1 : i32
    scf.for %scan3A_14 = %scan3A_3 to %scan3A_5 step %scan3A_6  : i32 {
      %mul3A_15 = arith.constant 25 : i32
      %mul3A_16 = arith.muli %scan3A_14, %mul3A_15 : i32
      %add3A_17 = arith.constant 1 : i32
      %add3A_18 = arith.addi %scan3A_14, %add3A_17 : i32
      %mul3A_19 = arith.constant 25 : i32
      %mul3A_20 = arith.muli %add3A_18, %mul3A_19 : i32
      %while3A = arith.constant 0 : i32
      %while3A_21 = arith.subi %mul3A_20, %mul3A_16 : i32
      %while3A_22 = arith.addi %mul3A_16, %while3A_21 : i32
      %while3A_23 = arith.constant 1 : i32
      %while3A_24 = arith.divsi %while3A_21, %while3A_23 : i32
      %while3A_25 = arith.muli %while3A_24, %while3A_23 : i32
      %while3A_26 = arith.addi %mul3A_16, %while3A_25 : i32
      %while3A_27 = arith.constant 1 : i32
      scf.for %while3A_35 = %mul3A_16 to %while3A_26 step %while3A_27  : i32 {
        %dma_start3A = arith.constant 0 : i32
        %dma_start3A_36 = tpu.memref_slice %arg6[%while3A_35, %dma_start3A] : memref<125x80xi32, #tpu.memory_space<vmem>> -> memref<1x80xi32, #tpu.memory_space<vmem>>
        %dma_start3A_37 = tpu.memref_squeeze %dma_start3A_36 : memref<1x80xi32, #tpu.memory_space<vmem>> -> memref<80xi32, #tpu.memory_space<vmem>>
        %dma_start3A_38 = arith.constant 0 : i32
        %dma_start3A_39 = arith.constant 0 : i32
        %dma_start3A_40 = tpu.memref_slice %arg9[%dma_start3A_38, %dma_start3A_39] : memref<10000x8xf32, #tpu.memory_space<vmem_shared>> -> memref<10000x8xf32, #tpu.memory_space<vmem_shared>>
        tpu.enqueue_indirect_dma source(%arg7 : memref<80x8xf32, #tpu.memory_space<vmem>>) target(%dma_start3A_40 : memref<10000x8xf32, #tpu.memory_space<vmem_shared>>) offsets(%dma_start3A_37 : memref<80xi32, #tpu.memory_space<vmem>>) semaphore(%arg8 : memref<!tpu.dma_semaphore, #tpu.memory_space<semaphore_mem>>) {add = true}
      }
      %while3A_28 = arith.constant 1 : i32
      scf.for %while3A_35 = %while3A_26 to %while3A_22 step %while3A_28  : i32 {
        %dma_start3A = arith.constant 0 : i32
        %dma_start3A_36 = tpu.memref_slice %arg6[%while3A_35, %dma_start3A] : memref<125x80xi32, #tpu.memory_space<vmem>> -> memref<1x80xi32, #tpu.memory_space<vmem>>
        %dma_start3A_37 = tpu.memref_squeeze %dma_start3A_36 : memref<1x80xi32, #tpu.memory_space<vmem>> -> memref<80xi32, #tpu.memory_space<vmem>>
        %dma_start3A_38 = arith.constant 0 : i32
        %dma_start3A_39 = arith.constant 0 : i32
        %dma_start3A_40 = tpu.memref_slice %arg9[%dma_start3A_38, %dma_start3A_39] : memref<10000x8xf32, #tpu.memory_space<vmem_shared>> -> memref<10000x8xf32, #tpu.memory_space<vmem_shared>>
        tpu.enqueue_indirect_dma source(%arg7 : memref<80x8xf32, #tpu.memory_space<vmem>>) target(%dma_start3A_40 : memref<10000x8xf32, #tpu.memory_space<vmem_shared>>) offsets(%dma_start3A_37 : memref<80xi32, #tpu.memory_space<vmem>>) semaphore(%arg8 : memref<!tpu.dma_semaphore, #tpu.memory_space<semaphore_mem>>) {add = true}
      }
      %scan3A_29 = arith.constant 0 : i32
      %scan3A_30 = arith.constant 0 : i32
      %scan3A_31 = arith.constant 25 : i32
      %scan3A_32 = arith.addi %scan3A_30, %scan3A_31 : i32
      %scan3A_33 = arith.constant 1 : i32
      scf.for %scan3A_35 = %scan3A_30 to %scan3A_32 step %scan3A_33  : i32 {
        %dma_wait3A = arith.constant 0 : i32
        %dma_wait3A_36 = arith.constant 0 : i32
        %dma_wait3A_37 = tpu.memref_slice %arg6[%dma_wait3A, %dma_wait3A_36] : memref<125x80xi32, #tpu.memory_space<vmem>> -> memref<1x80xi32, #tpu.memory_space<vmem>>
        %dma_wait3A_38 = tpu.memref_squeeze %dma_wait3A_37 : memref<1x80xi32, #tpu.memory_space<vmem>> -> memref<80xi32, #tpu.memory_space<vmem>>
        %dma_wait3A_39 = arith.constant 0 : i32
        %dma_wait3A_40 = arith.constant 0 : i32
        %dma_wait3A_41 = tpu.memref_slice %arg9[%dma_wait3A_39, %dma_wait3A_40] : memref<10000x8xf32, #tpu.memory_space<vmem_shared>> -> memref<10000x8xf32, #tpu.memory_space<vmem_shared>>
        tpu.wait_indirect_dma semaphore(%arg8 : memref<!tpu.dma_semaphore, #tpu.memory_space<semaphore_mem>>) src(%arg7 : memref<80x8xf32, #tpu.memory_space<vmem>>) dst(%dma_wait3A_41 : memref<10000x8xf32, #tpu.memory_space<vmem_shared>>)
      }
      %scan3A_34 = arith.constant 25 : i32
    }
    %scan3A_7 = arith.constant 5 : i32
    %barrier3A_8 = arith.constant 0 : index
    tpu.barrier barrier_id(%barrier3A_8)
    %lt3A_9 = arith.constant 10 : i32
    %lt3A_10 = arith.cmpi slt, %arg1, %lt3A_9 : i32
    %convert_element_type3A_11 = arith.extui %lt3A_10 : i1 to i32
    %cond3A_12 = arith.constant 0 : i32
    %cond3A_13 = arith.cmpi ne, %convert_element_type3A_11, %cond3A_12 : i32
    scf.if %cond3A_13 {
      %mul3A_14 = arith.constant 1000 : i32
      %mul3A_15 = arith.muli %arg1, %mul3A_14 : i32
      %mul3A_16 = arith.constant 1000 : i32
      %mul3A_17 = arith.muli %arg1, %mul3A_16 : i32
      "tpu.region"() ({
        %run_scoped3A = tpu.sem_alloc : memref<!tpu.dma_semaphore, #tpu.memory_space<semaphore_mem>>
        %dma_start3A = arith.constant 0 : i32
        %dma_start3A_18 = tpu.memref_slice %arg5[%arg0, %mul3A_17, %dma_start3A] : memref<2x10000x8xf32, #tpu.memory_space<hbm>> -> memref<1x1000x8xf32, #tpu.memory_space<hbm>>
        %dma_start3A_19 = tpu.memref_squeeze %dma_start3A_18 : memref<1x1000x8xf32, #tpu.memory_space<hbm>> -> memref<1000x8xf32, #tpu.memory_space<hbm>>
        %dma_start3A_20 = arith.constant 0 : i32
        %dma_start3A_21 = tpu.memref_slice %arg9[%mul3A_15, %dma_start3A_20] : memref<10000x8xf32, #tpu.memory_space<vmem_shared>> -> memref<1000x8xf32, #tpu.memory_space<vmem_shared>>
        tpu.enqueue_dma source(%dma_start3A_21 : memref<1000x8xf32, #tpu.memory_space<vmem_shared>>) target(%dma_start3A_19 : memref<1000x8xf32, #tpu.memory_space<hbm>>) target_semaphore(%run_scoped3A : memref<!tpu.dma_semaphore, #tpu.memory_space<semaphore_mem>>)
        %dma_wait3A = arith.constant 0 : i32
        %dma_wait3A_22 = tpu.memref_slice %arg5[%arg0, %mul3A_17, %dma_wait3A] : memref<2x10000x8xf32, #tpu.memory_space<hbm>> -> memref<1x1000x8xf32, #tpu.memory_space<hbm>>
        %dma_wait3A_23 = tpu.memref_squeeze %dma_wait3A_22 : memref<1x1000x8xf32, #tpu.memory_space<hbm>> -> memref<1000x8xf32, #tpu.memory_space<hbm>>
        %dma_wait3A_24 = arith.constant 0 : i32
        %dma_wait3A_25 = tpu.memref_slice %arg9[%mul3A_15, %dma_wait3A_24] : memref<10000x8xf32, #tpu.memory_space<vmem_shared>> -> memref<1000x8xf32, #tpu.memory_space<vmem_shared>>
        tpu.wait_dma2 semaphore(%run_scoped3A : memref<!tpu.dma_semaphore, #tpu.memory_space<semaphore_mem>>) src(%dma_wait3A_25 : memref<1000x8xf32, #tpu.memory_space<vmem_shared>>) dst(%dma_wait3A_23 : memref<1000x8xf32, #tpu.memory_space<hbm>>)
        tpu.yield
      }) : () -> ()
    } else {
    }
    return
  }
}

module attributes {stable_mosaic.version = 14 : i64} {
  func.func @_scale1_body(%arg0: i32, %arg1: memref<2x1000x8xf32, #tpu.memory_space<vmem>>, %arg2: memref<1000x128xf32, #tpu.memory_space<vmem>>, %arg3: memref<128x32xf32, #tpu.memory_space<vmem>>, %arg4: memref<1000x1xf32, #tpu.memory_space<vmem>>, %arg5: memref<1000x32xf32, #tpu.memory_space<vmem>>) attributes {dimension_semantics = [#tpu.dimension_semantics<arbitrary>], iteration_bounds = array<i64: 10>, scalar_prefetch = 0 : i64, scratch_operands = 0 : i64, tpu.core_type = #tpu.core_type<tc>, window_params = [{transform_indices = @transform_0, window_bounds = array<i64: 2, 1000, 8>}, {transform_indices = @transform_1, window_bounds = array<i64: 1000, 128>}, {pipeline_mode = #tpu.pipeline_mode<synchronous>, transform_indices = @transform_2, window_bounds = array<i64: 128, 32>}, {transform_indices = @transform_3, window_bounds = array<i64: 1000, 1>}, {transform_indices = @transform_4, window_bounds = array<i64: 1000, 32>}]} {
    %get3A = arith.constant 0 : index
    %get3A_0 = arith.constant 0 : index
    %get3A_1 = arith.constant 0 : index
    %get3A_2 = vector.load %arg1[%get3A, %get3A_0, %get3A_1] : memref<2x1000x8xf32, #tpu.memory_space<vmem>>, vector<1x1000x1xf32>
    %get3A_3 = vector.shape_cast %get3A_2 : vector<1x1000x1xf32> to vector<1000x1xf32>
    %get3A_4 = arith.constant 1 : index
    %get3A_5 = arith.constant 0 : index
    %get3A_6 = arith.constant 0 : index
    %get3A_7 = vector.load %arg1[%get3A_4, %get3A_5, %get3A_6] : memref<2x1000x8xf32, #tpu.memory_space<vmem>>, vector<1x1000x1xf32>
    %get3A_8 = vector.shape_cast %get3A_7 : vector<1x1000x1xf32> to vector<1000x1xf32>
    %add3A = arith.addf %get3A_3, %get3A_8 : vector<1000x1xf32>
    %add3A_9 = arith.constant 1.000000e+00 : f32
    %add3A_10 = vector.broadcast %add3A_9 : f32 to vector<1000x1xf32>
    %add3A_11 = arith.addf %add3A, %add3A_10 : vector<1000x1xf32>
    %rsqrt3A = math.rsqrt %add3A_11 : vector<1000x1xf32>
    %swap3A = arith.constant 0 : index
    %swap3A_12 = arith.constant 0 : index
    %swap3A_13 = vector.load %arg4[%swap3A, %swap3A_12] : memref<1000x1xf32, #tpu.memory_space<vmem>>, vector<1000x1xf32>
    tpu.vector_store %arg4[%swap3A, %swap3A_12], %rsqrt3A {strides = array<i32>} : memref<1000x1xf32, #tpu.memory_space<vmem>>, vector<1000x1xf32>,
    %get3A_14 = arith.constant 0 : index
    %get3A_15 = arith.constant 0 : index
    %get3A_16 = vector.load %arg2[%get3A_14, %get3A_15] : memref<1000x128xf32, #tpu.memory_space<vmem>>, vector<1000x128xf32>
    %get3A_17 = arith.constant 0 : index
    %get3A_18 = arith.constant 0 : index
    %get3A_19 = vector.load %arg3[%get3A_17, %get3A_18] : memref<128x32xf32, #tpu.memory_space<vmem>>, vector<128x32xf32>
    %dot_general3A = arith.constant dense<0.000000e+00> : vector<1000x32xf32>
    %dot_general3A_20 = tpu.matmul %get3A_16, %get3A_19, %dot_general3A {dimension_numbers = #tpu.dot_dimension_numbers<[1], [0], [0], [1], [0, 0, 1, 1], [], []>, transpose_lhs_hint = false} : vector<1000x128xf32>, vector<128x32xf32>, vector<1000x32xf32> -> vector<1000x32xf32>
    %mul3A = vector.broadcast %rsqrt3A : vector<1000x1xf32> to vector<1000x32xf32>
    %mul3A_21 = arith.mulf %dot_general3A_20, %mul3A : vector<1000x32xf32>
    %swap3A_22 = arith.constant 0 : index
    %swap3A_23 = arith.constant 0 : index
    %swap3A_24 = vector.load %arg5[%swap3A_22, %swap3A_23] : memref<1000x32xf32, #tpu.memory_space<vmem>>, vector<1000x32xf32>
    tpu.vector_store %arg5[%swap3A_22, %swap3A_23], %mul3A_21 {strides = array<i32>} : memref<1000x32xf32, #tpu.memory_space<vmem>>, vector<1000x32xf32>,
    return
  }
  func.func @transform_0(%arg0: i32) -> (i32, i32, i32) {
    %c0_i32 = arith.constant 0 : i32
    %c0_i32_0 = arith.constant 0 : i32
    %c0_i32_1 = arith.constant 0 : i32
    return %c0_i32, %arg0, %c0_i32_0 : i32, i32, i32
  }
  func.func @transform_1(%arg0: i32) -> (i32, i32) {
    %c0_i32 = arith.constant 0 : i32
    %c0_i32_0 = arith.constant 0 : i32
    return %arg0, %c0_i32 : i32, i32
  }
  func.func @transform_2(%arg0: i32) -> (i32, i32) {
    %c0_i32 = arith.constant 0 : i32
    %c0_i32_0 = arith.constant 0 : i32
    %c0_i32_1 = arith.constant 0 : i32
    return %c0_i32, %c0_i32_0 : i32, i32
  }
  func.func @transform_3(%arg0: i32) -> (i32, i32) {
    %c0_i32 = arith.constant 0 : i32
    %c0_i32_0 = arith.constant 0 : i32
    return %arg0, %c0_i32 : i32, i32
  }
  func.func @transform_4(%arg0: i32) -> (i32, i32) {
    %c0_i32 = arith.constant 0 : i32
    %c0_i32_0 = arith.constant 0 : i32
    return %arg0, %c0_i32 : i32, i32
  }
}

module attributes {stable_mosaic.version = 14 : i64} {
  func.func @_mid_body(%arg0: i32, %arg1: memref<2x1000x32xf32, #tpu.memory_space<vmem>>, %arg2: memref<1000x32xf32, #tpu.memory_space<vmem>>, %arg3: memref<1000x1xf32, #tpu.memory_space<vmem>>, %arg4: memref<1x32xf32, #tpu.memory_space<vmem>>, %arg5: memref<32x16xf32, #tpu.memory_space<vmem>>, %arg6: memref<1000x16xf32, #tpu.memory_space<vmem>>) attributes {dimension_semantics = [#tpu.dimension_semantics<arbitrary>], iteration_bounds = array<i64: 10>, scalar_prefetch = 0 : i64, scratch_operands = 0 : i64, tpu.core_type = #tpu.core_type<tc>, window_params = [{transform_indices = @transform_0, window_bounds = array<i64: 2, 1000, 32>}, {transform_indices = @transform_1, window_bounds = array<i64: 1000, 32>}, {transform_indices = @transform_2, window_bounds = array<i64: 1000, 1>}, {pipeline_mode = #tpu.pipeline_mode<synchronous>, transform_indices = @transform_3, window_bounds = array<i64: 1, 32>}, {pipeline_mode = #tpu.pipeline_mode<synchronous>, transform_indices = @transform_4, window_bounds = array<i64: 32, 16>}, {transform_indices = @transform_5, window_bounds = array<i64: 1000, 16>}]} {
    %get3A = arith.constant 0 : index
    %get3A_0 = arith.constant 0 : index
    %get3A_1 = vector.load %arg3[%get3A, %get3A_0] : memref<1000x1xf32, #tpu.memory_space<vmem>>, vector<1000x1xf32>
    %get3A_2 = arith.constant 0 : index
    %get3A_3 = arith.constant 0 : index
    %get3A_4 = arith.constant 0 : index
    %get3A_5 = vector.load %arg1[%get3A_2, %get3A_3, %get3A_4] : memref<2x1000x32xf32, #tpu.memory_space<vmem>>, vector<1x1000x32xf32>
    %get3A_6 = vector.shape_cast %get3A_5 : vector<1x1000x32xf32> to vector<1000x32xf32>
    %get3A_7 = arith.constant 1 : index
    %get3A_8 = arith.constant 0 : index
    %get3A_9 = arith.constant 0 : index
    %get3A_10 = vector.load %arg1[%get3A_7, %get3A_8, %get3A_9] : memref<2x1000x32xf32, #tpu.memory_space<vmem>>, vector<1x1000x32xf32>
    %get3A_11 = vector.shape_cast %get3A_10 : vector<1x1000x32xf32> to vector<1000x32xf32>
    %add3A = arith.addf %get3A_6, %get3A_11 : vector<1000x32xf32>
    %get3A_12 = arith.constant 0 : index
    %get3A_13 = arith.constant 0 : index
    %get3A_14 = vector.load %arg2[%get3A_12, %get3A_13] : memref<1000x32xf32, #tpu.memory_space<vmem>>, vector<1000x32xf32>
    %add3A_15 = arith.addf %add3A, %get3A_14 : vector<1000x32xf32>
    %mul3A = vector.broadcast %get3A_1 : vector<1000x1xf32> to vector<1000x32xf32>
    %mul3A_16 = arith.mulf %add3A_15, %mul3A : vector<1000x32xf32>
    %get3A_17 = arith.constant 0 : index
    %get3A_18 = arith.constant 0 : index
    %get3A_19 = vector.load %arg4[%get3A_17, %get3A_18] : memref<1x32xf32, #tpu.memory_space<vmem>>, vector<1x32xf32>
    %add3A_20 = vector.broadcast %get3A_19 : vector<1x32xf32> to vector<1000x32xf32>
    %add3A_21 = arith.addf %mul3A_16, %add3A_20 : vector<1000x32xf32>
    %max3A = arith.constant 0.000000e+00 : f32
    %max3A_22 = vector.broadcast %max3A : f32 to vector<1000x32xf32>
    %max3A_23 = arith.maximumf %add3A_21, %max3A_22 : vector<1000x32xf32>
    %get3A_24 = arith.constant 0 : index
    %get3A_25 = arith.constant 0 : index
    %get3A_26 = vector.load %arg5[%get3A_24, %get3A_25] : memref<32x16xf32, #tpu.memory_space<vmem>>, vector<32x16xf32>
    %dot_general3A = arith.constant dense<0.000000e+00> : vector<1000x16xf32>
    %dot_general3A_27 = tpu.matmul %max3A_23, %get3A_26, %dot_general3A {dimension_numbers = #tpu.dot_dimension_numbers<[1], [0], [0], [1], [0, 0, 1, 1], [], []>, transpose_lhs_hint = false} : vector<1000x32xf32>, vector<32x16xf32>, vector<1000x16xf32> -> vector<1000x16xf32>
    %mul3A_28 = vector.broadcast %get3A_1 : vector<1000x1xf32> to vector<1000x16xf32>
    %mul3A_29 = arith.mulf %dot_general3A_27, %mul3A_28 : vector<1000x16xf32>
    %swap3A = arith.constant 0 : index
    %swap3A_30 = arith.constant 0 : index
    %swap3A_31 = vector.load %arg6[%swap3A, %swap3A_30] : memref<1000x16xf32, #tpu.memory_space<vmem>>, vector<1000x16xf32>
    tpu.vector_store %arg6[%swap3A, %swap3A_30], %mul3A_29 {strides = array<i32>} : memref<1000x16xf32, #tpu.memory_space<vmem>>, vector<1000x16xf32>,
    return
  }
  func.func @transform_0(%arg0: i32) -> (i32, i32, i32) {
    %c0_i32 = arith.constant 0 : i32
    %c0_i32_0 = arith.constant 0 : i32
    %c0_i32_1 = arith.constant 0 : i32
    return %c0_i32, %arg0, %c0_i32_0 : i32, i32, i32
  }
  func.func @transform_1(%arg0: i32) -> (i32, i32) {
    %c0_i32 = arith.constant 0 : i32
    %c0_i32_0 = arith.constant 0 : i32
    return %arg0, %c0_i32 : i32, i32
  }
  func.func @transform_2(%arg0: i32) -> (i32, i32) {
    %c0_i32 = arith.constant 0 : i32
    %c0_i32_0 = arith.constant 0 : i32
    return %arg0, %c0_i32 : i32, i32
  }
  func.func @transform_3(%arg0: i32) -> (i32, i32) {
    %c0_i32 = arith.constant 0 : i32
    %c0_i32_0 = arith.constant 0 : i32
    %c0_i32_1 = arith.constant 0 : i32
    return %c0_i32, %c0_i32_0 : i32, i32
  }
  func.func @transform_4(%arg0: i32) -> (i32, i32) {
    %c0_i32 = arith.constant 0 : i32
    %c0_i32_0 = arith.constant 0 : i32
    %c0_i32_1 = arith.constant 0 : i32
    return %c0_i32, %c0_i32_0 : i32, i32
  }
  func.func @transform_5(%arg0: i32) -> (i32, i32) {
    %c0_i32 = arith.constant 0 : i32
    %c0_i32_0 = arith.constant 0 : i32
    return %arg0, %c0_i32 : i32, i32
  }
}

module attributes {stable_mosaic.version = 14 : i64} {
  func.func @_fin_body(%arg0: i32, %arg1: memref<2x1000x16xf32, #tpu.memory_space<vmem>>, %arg2: memref<1000x16xf32, #tpu.memory_space<vmem>>, %arg3: memref<1000x1xf32, #tpu.memory_space<vmem>>, %arg4: memref<1x16xf32, #tpu.memory_space<vmem>>, %arg5: memref<1000x16xf32, #tpu.memory_space<vmem>>) attributes {dimension_semantics = [#tpu.dimension_semantics<arbitrary>], iteration_bounds = array<i64: 10>, scalar_prefetch = 0 : i64, scratch_operands = 0 : i64, tpu.core_type = #tpu.core_type<tc>, window_params = [{transform_indices = @transform_0, window_bounds = array<i64: 2, 1000, 16>}, {transform_indices = @transform_1, window_bounds = array<i64: 1000, 16>}, {transform_indices = @transform_2, window_bounds = array<i64: 1000, 1>}, {pipeline_mode = #tpu.pipeline_mode<synchronous>, transform_indices = @transform_3, window_bounds = array<i64: 1, 16>}, {transform_indices = @transform_4, window_bounds = array<i64: 1000, 16>}]} {
    %get3A = arith.constant 0 : index
    %get3A_0 = arith.constant 0 : index
    %get3A_1 = arith.constant 0 : index
    %get3A_2 = vector.load %arg1[%get3A, %get3A_0, %get3A_1] : memref<2x1000x16xf32, #tpu.memory_space<vmem>>, vector<1x1000x16xf32>
    %get3A_3 = vector.shape_cast %get3A_2 : vector<1x1000x16xf32> to vector<1000x16xf32>
    %get3A_4 = arith.constant 1 : index
    %get3A_5 = arith.constant 0 : index
    %get3A_6 = arith.constant 0 : index
    %get3A_7 = vector.load %arg1[%get3A_4, %get3A_5, %get3A_6] : memref<2x1000x16xf32, #tpu.memory_space<vmem>>, vector<1x1000x16xf32>
    %get3A_8 = vector.shape_cast %get3A_7 : vector<1x1000x16xf32> to vector<1000x16xf32>
    %add3A = arith.addf %get3A_3, %get3A_8 : vector<1000x16xf32>
    %get3A_9 = arith.constant 0 : index
    %get3A_10 = arith.constant 0 : index
    %get3A_11 = vector.load %arg2[%get3A_9, %get3A_10] : memref<1000x16xf32, #tpu.memory_space<vmem>>, vector<1000x16xf32>
    %add3A_12 = arith.addf %add3A, %get3A_11 : vector<1000x16xf32>
    %get3A_13 = arith.constant 0 : index
    %get3A_14 = arith.constant 0 : index
    %get3A_15 = vector.load %arg3[%get3A_13, %get3A_14] : memref<1000x1xf32, #tpu.memory_space<vmem>>, vector<1000x1xf32>
    %mul3A = vector.broadcast %get3A_15 : vector<1000x1xf32> to vector<1000x16xf32>
    %mul3A_16 = arith.mulf %add3A_12, %mul3A : vector<1000x16xf32>
    %get3A_17 = arith.constant 0 : index
    %get3A_18 = arith.constant 0 : index
    %get3A_19 = vector.load %arg4[%get3A_17, %get3A_18] : memref<1x16xf32, #tpu.memory_space<vmem>>, vector<1x16xf32>
    %add3A_20 = vector.broadcast %get3A_19 : vector<1x16xf32> to vector<1000x16xf32>
    %add3A_21 = arith.addf %mul3A_16, %add3A_20 : vector<1000x16xf32>
    %swap3A = arith.constant 0 : index
    %swap3A_22 = arith.constant 0 : index
    %swap3A_23 = vector.load %arg5[%swap3A, %swap3A_22] : memref<1000x16xf32, #tpu.memory_space<vmem>>, vector<1000x16xf32>
    tpu.vector_store %arg5[%swap3A, %swap3A_22], %add3A_21 {strides = array<i32>} : memref<1000x16xf32, #tpu.memory_space<vmem>>, vector<1000x16xf32>,
    return
  }
  func.func @transform_0(%arg0: i32) -> (i32, i32, i32) {
    %c0_i32 = arith.constant 0 : i32
    %c0_i32_0 = arith.constant 0 : i32
    %c0_i32_1 = arith.constant 0 : i32
    return %c0_i32, %arg0, %c0_i32_0 : i32, i32, i32
  }
  func.func @transform_1(%arg0: i32) -> (i32, i32) {
    %c0_i32 = arith.constant 0 : i32
    %c0_i32_0 = arith.constant 0 : i32
    return %arg0, %c0_i32 : i32, i32
  }
  func.func @transform_2(%arg0: i32) -> (i32, i32) {
    %c0_i32 = arith.constant 0 : i32
    %c0_i32_0 = arith.constant 0 : i32
    return %arg0, %c0_i32 : i32, i32
  }
  func.func @transform_3(%arg0: i32) -> (i32, i32) {
    %c0_i32 = arith.constant 0 : i32
    %c0_i32_0 = arith.constant 0 : i32
    %c0_i32_1 = arith.constant 0 : i32
    return %c0_i32, %c0_i32_0 : i32, i32
  }
  func.func @transform_4(%arg0: i32) -> (i32, i32) {
    %c0_i32 = arith.constant 0 : i32
    %c0_i32_0 = arith.constant 0 : i32
    return %arg0, %c0_i32 : i32, i32
  }
}

</mosaic_0001>

<sc_bundles>
// kernel: kernel.11.cloned.1.call-start
scs
__scs_entry_jumppad:
0x0: {  	(pc) =	sbr.rel $0x88, $3  }
0x1: {  	(tag) =	ssettag $0x0;
	lr =	simm.s32 $0x1  }
0x2: {  	[smem:$0x3F9B] =	sst lr;
	_ =	strace $0xD0000000  }
0x3: {  	_ = 	snop  }
0x4: {  	_ = 	snop  }
0x5: {  	_ = 	snop  }
0x6: {  	_ = 	snop  }
0x7: {  	_ = 	snop  }
__scs_overlays_trampoline_lowered:
0x8: {  	[smem:$0x3FAA] =	sst s0  }
0x9: {  	[smem:$0x3FAB] =	sst s1  }
0xa: {  	[smem:$0x3FAC] =	sst s2  }
0xb: {  	[smem:$0x3FAD] =	sst s3  }
0xc: {  	[smem:$0x3FAE] =	sst s4  }
0xd: {  	[smem:$0x3FAF] =	sst s5  }
0xe: {  	[smem:$0x3FB0] =	sst s6  }
0xf: {  	[smem:$0x3FB1] =	sst s7  }
0x10: {  	[smem:$0x3FB2] =	sst s8  }
0x11: {  	[smem:$0x3FB3] =	sst s9;
	s0 =	simm.s32 @!p0 $0x0  }
0x12: {  	s1 =	sld [smem:$0x3F99];
	s0 =	simm.s32 @p0 $0x1  }
0x13: {  	[smem:$0x3FB4] =	sst s0;
	s0 =	simm.s32 @!p1 $0x0  }
0x14: {  	s2 =	sld [smem:$0x3F98];
	s0 =	simm.s32 @p1 $0x1  }
0x15: {  	[smem:$0x3FB5] =	sst s0;
	s0 =	simm.s32 @!p2 $0x0  }
0x16: {  	s3 =	sld [smem:$0x3FDB];
	s0 =	simm.s32 @p2 $0x1  }
0x17: {  	s4 =	simm.s32 $0x1BF5;
	[smem:$0x3FB7] =	sst s0  }
0x18: {  	s0 =	sld [smem:$0x3F9A];
	_ =	swait.ge [sflag:s4], $0x0  }
0x19: {  	s7 =	sld [smem:$0x3F9B]  }
0x1a: {  	s8 =	sadd.s32 $0xFFFFE003, lr  }
0x1b: {  	s9 =	sadd.s32 $0xFFFFFEF7, lr;
	s5 =	simm.s32 $0xFFFFFFFF;
	p2 =	slt.u32 s8, $0xFFFFF086  }
0x1c: {  	p1 =	slt.u32 s9, $0xF7A;
	s5 =	simm.s32 @!p2 $0x0  }
0x1d: {  	s5 =	simm.s32 @p1 $0x1;
	p0 =	seq.s32 s7, s2  }
0x1e: {  	s7 =	smul.u32 @!p0 $0xF7A, s2;
	p2 =	seq.s32 @!p0 s5, $0x0  }
0x1f: {  	s9 =	smul.u32 $0xF7A, s1;
	s8 =	simm.s32 @!p0 $0x1BF5;
	p2 =	por !p2, p0  }
0x20: {  	[sflag:s8] =	ssyncset.s32 @!p0 $0xFFFFF086;
	s6 =	sadd.s32 @!p0 s3, s7;
	s7 =	simm.s32 @!p0 $0x108  }
0x21: {  	s3 =	sadd.s32 s3, s9;
	s6 =	sadd.s32 @!p0 $0x88, s6;
	s7 =	simm.s32 @p2 $0x1082  }
0x22: {  	[simem:s7], [sflag:s8] =	dma.local @!p0 [hbm:s6], $0xF7A  }
0x23: {  	s9 =	sor.u32 $0xD0000000, s2;
	s6 =	simm.s32 $0x108;
	_ =	swait.ge @!p0 [sflag:s8], $0x0  }
0x24: {  	s3 =	sadd.s32 $0x88, s3;
	s6 =	simm.s32 @!p1 $0x1082;
	[sflag:s4] =	ssyncset.s32 $0xFFFFF086  }
0x25: {  	[simem:s6], [sflag:s4] =	dma.local [hbm:s3], $0xF7A  }
0x26: {  	[smem:$0x3F9B] =	sst s1;
	(tag) =	ssettag s2;
	_ =	strace s9  }
0x27: {  	s1 =	sld [smem:$0x3FAB]  }
0x28: {  	s2 =	sld [smem:$0x3FAC]  }
0x29: {  	s4 =	sld [smem:$0x3FAE]  }
0x2a: {  	p0 =	seq.s32 s5, $0x0;
	s5 =	sld [smem:$0x3FAF]  }
0x2b: {  	s6 =	sld [smem:$0x3FB0]  }
0x2c: {  	s7 =	sld [smem:$0x3FB1]  }
0x2d: {  	s3 =	simm.s32 $0x108;
	s8 =	sld [smem:$0x3FB2]  }
0x2e: {  	s3 =	simm.s32 @!p0 $0x1082;
	s9 =	sld [smem:$0x3FB3]  }
0x2f: {  	lr =	sadd.s32 s0, s3;
	s0 =	sld [smem:$0x3FAA]  }
0x30: {  	s3 =	sld [smem:$0x3FAD]  }
0x31: {  	[smem:$0x3FB6] =	sst s10  }
0x32: {  	s10 =	sld [smem:$0x3FB4];
	_ =	sdelay $0x3  }
0x33: {  	p0 =	seq.s32 s10, $0x1;
	s10 =	sld [smem:$0x3FB6];
	_ =	sdelay $0x3  }
0x34: {  	[smem:$0x3FB6] =	sst s10  }
0x35: {  	s10 =	sld [smem:$0x3FB5];
	_ =	sdelay $0x3  }
0x36: {  	p1 =	seq.s32 s10, $0x1;
	s10 =	sld [smem:$0x3FB6];
	_ =	sdelay $0x3  }
0x37: {  	[smem:$0x3FB6] =	sst s10  }
0x38: {  	s10 =	sld [smem:$0x3FB7]  }
0x39: {  	_ = 	snop;
	(pc) =	sbr.ind lr, $3  }
0x3a: {  	_ = 	snop  }
0x3b: {  	_ = 	snop  }
0x3c: {  	p2 =	seq.s32 s10, $0x1;
	s10 =	sld [smem:$0x3FB6]  }
0x3d: {  	_ =	shalt  }
0x3e: {  	_ =	shalt  }
0x3f: {  	_ =	shalt  }
0x40: {  	_ =	shalt  }
0x41: {  	_ =	shalt  }
0x42: {  	_ =	shalt  }
0x43: {  	_ =	shalt  }
0x44: {  	_ =	shalt  }
0x45: {  	_ =	shalt  }
0x46: {  	_ =	shalt  }
0x47: {  	_ =	shalt  }
0x48: {  	_ =	shalt  }
0x49: {  	_ =	shalt  }
0x4a: {  	_ =	shalt  }
0x4b: {  	_ =	shalt  }
0x4c: {  	_ =	shalt  }
0x4d: {  	_ =	shalt  }
0x4e: {  	_ =	shalt  }
0x4f: {  	_ =	shalt  }
0x50: {  	_ =	shalt  }
0x51: {  	_ =	shalt  }
0x52: {  	_ =	shalt  }
0x53: {  	_ =	shalt  }
0x54: {  	_ =	shalt  }
0x55: {  	_ =	shalt  }
0x56: {  	_ =	shalt  }
0x57: {  	_ =	shalt  }
0x58: {  	_ =	shalt  }
0x59: {  	_ =	shalt  }
0x5a: {  	_ =	shalt  }
0x5b: {  	_ =	shalt  }
0x5c: {  	_ =	shalt  }
0x5d: {  	_ =	shalt  }
0x5e: {  	_ =	shalt  }
0x5f: {  	_ =	shalt  }
0x60: {  	_ =	shalt  }
0x61: {  	_ =	shalt  }
0x62: {  	_ =	shalt  }
0x63: {  	_ =	shalt  }
0x64: {  	_ =	shalt  }
0x65: {  	_ =	shalt  }
0x66: {  	_ =	shalt  }
0x67: {  	_ =	shalt  }
0x68: {  	_ =	shalt  }
0x69: {  	_ =	shalt  }
0x6a: {  	_ =	shalt  }
0x6b: {  	_ =	shalt  }
0x6c: {  	_ =	shalt  }
0x6d: {  	_ =	shalt  }
0x6e: {  	_ =	shalt  }
0x6f: {  	_ =	shalt  }
0x70: {  	_ =	shalt  }
0x71: {  	_ =	shalt  }
0x72: {  	_ =	shalt  }
0x73: {  	_ =	shalt  }
0x74: {  	_ =	shalt  }
0x75: {  	_ =	shalt  }
0x76: {  	_ =	shalt  }
0x77: {  	_ =	shalt  }
0x78: {  	_ =	shalt  }
0x79: {  	_ =	shalt  }
0x7a: {  	_ =	shalt  }
0x7b: {  	_ =	shalt  }
0x7c: {  	_ =	shalt  }
0x7d: {  	_ =	shalt  }
0x7e: {  	_ =	shalt  }
0x7f: {  	_ =	shalt  }
0x80: {  	_ =	shalt  }
0x81: {  	_ =	shalt  }
0x82: {  	_ =	shalt  }
0x83: {  	_ =	shalt  }
0x84: {  	_ =	shalt  }
0x85: {  	_ =	shalt  }
0x86: {  	_ =	shalt  }
0x87: {  	_ =	shalt  }
.Lfunc_end0:
.L_simem_size_0:
called_computation.1_lowered:
.L_overlay_start_0:
0x88: {  	s2 =	sld [smem:$0x3FD9]  }
0x89: {  	s3 =	sld [smem:$0x3FFE];
	_ =	sdelay $0x1  }
0x8a: {  	s1 =	srdreg.scid  }
0x8b: {  	s0 =	sand.u32 $0x1, s1  }
0x8c: {  	s17 =	sshll.u32 s0, $0xA;
	s2 =	sadd.s32 s3, s2  }
0x8d: {  	s2 =	sadd.s32 s2, s17  }
0x8e: {  	[smem:$0x3FC2] =	sst s2  }
0x8f: {  	_ = 	snop  }
0x90: {  	s2 =	sld [smem:$0x3FD0];
	(tm) =	ssettm $0x1  }
0x91: {  	s18 =	sld [smem:$0x3FFB];
	_ =	sdelay $0x3  }
0x92: {  	_ =	strace s18  }
0x93: {  	s3 =	sld [smem:$0x3FFC];
	_ =	sdelay $0x3  }
0x94: {  	_ =	strace s3  }
0x95: {  	s3 =	sld [smem:$0x3FFD];
	_ =	sdelay $0x3  }
0x96: {  	_ =	strace s3  }
0x97: {  	_ =	strace $0x8FFFFFFF  }
0x98: {  	s19 =	sld [smem:$0x3FDB];
	_ =	sdelay $0x1  }
0x99: {  	s4 =	simm.s32 $_scs_section_size  }
0x9a: {  	s5 =	simm.s32 $_size__tile_overlayer_lowered;
	s6 =	simm.s32 $_tile_overlayer_lowered  }
0x9b: {  	s22 =	simm.s32 $0x1BFF;
	s21 =	sshll.u32 s6, $0x1;
	s3 =	sadd.s32 s4, s19  }
0x9c: {  	s7 =	simm.s32 $0x0;
	s20 =	sshll.u32 s5, $0x1;
	s5 =	sadd.s32 s21, s3  }
0x9d: {  	[timem:s7], [sflag:s22] =	dma.local [hbm:s5], s20  }
0x9e: {  	_ =	swait.ge [sflag:s22], s20  }
0x9f: {  	s4 =	ssub.s32 $0x0, s20;
	[sflag:s22] =	ssyncset.done $0x0  }
0xa0: {  	[sflag:s22] =	ssyncadd.s32 s4;
	_ =	sdelay $0x1  }
0xa1: {  	s23 =	simm.s32 $0x1B8B  }
0xa2: {  	_ =	swait.ge [sflag:s23], $0x1  }
0xa3: {  	[sflag:s23] =	ssyncset.done $0x0  }
0xa4: {  	s25 =	simm.s32 $0x1B8E;
	s24 =	sld [smem:$0x3FFE];
	[sflag:s23] =	ssyncadd.s32 $0xFFFFFFFF  }
0xa5: {  	s26 =	simm.s32 $execute0_lowered;
	[smem:$0x3FD2] =	sst s25  }
0xa6: {  	s5 =	sshll.u32 s26, $0x1;
	_ =	strace $0x80000049;
	[dreg:$0x1] =	wrdreg $0xFFFFFFFF  }
0xa7: {  	s28 =	simm.s32 $_size_execute0_lowered;
	s3 =	sadd.s32 s3, s5;
	[dreg:$0x0] =	wrdreg $0x0  }
0xa8: {  	s5 =	sshll.u32 s28, $0x1;
	[dreg:$0x2] =	wrdreg s3  }
0xa9: {  	[dreg:$0x3] =	wrdreg s5  }
0xaa: {  	[dreg:$0x4] =	wrdreg $0xC0  }
0xab: {  	_ =	task [dreg:s7], $0x5FFFF  }
0xac: {  	[dreg:$0x1] =	wrdreg $0xFFFFFFFF  }
0xad: {  	[dreg:$0x0] =	wrdreg $0x60  }
0xae: {  	[dreg:$0x2] =	wrdreg s24  }
0xaf: {  	[dreg:$0x3] =	wrdreg s2  }
0xb0: {  	[dreg:$0x4] =	wrdreg $0x148200  }
0xb1: {  	[dreg:$0x5] =	wrdreg $0x9  }
0xb2: {  	_ =	task.clear_ibuf [dreg:s7], $0x6FFFF;
	_ =	strace $0x90000049  }
0xb3: {  	s29 =	simm.s32 $0x9;
	_ =	strace $0x8000004B  }
0xb4: {  	_ =	swait.ge [sflag:s29], $0x1  }
0xb5: {  	[sflag:s29] =	ssyncadd.s32 $0xFFFFFFFF  }
0xb6: {  	_ =	strace $0x9000004B  }
0xb7: {  	_ =	sfence  }
0xb8: {  	s30 =	sld [smem:$0x0];
	_ =	sdelay $0x2  }
0xb9: {  	s31 =	sshll.u32 s1, $0xD;
	s1 =	sshrl.u32 s1, $0x2  }
0xba: {  	s3 =	sand.u32 $0x4000, s31;
	s1 =	sadd.s32 s1, s30  }
0xbb: {  	s0 =	sor.u32 s3, s0;
	s1 =	sshll.u32 s1, $0x11  }
0xbc: {  	s0 =	sor.u32 s1, s0  }
0xbd: {  	s0 =	sadd.s32 $0x8F2B, s0  }
0xbe: {  	[sflag:s0] =	ssyncadd.remote.s32 $0x1  }
0xbf: {  	_ =	sfence.sel $0xFFFF  }
0xc0: {  	[dreg:$0x0] =	wrdreg $0xFFFFFFFF;
	(pc) =	sbr.abs _section_cstart, $3  }
0xc1: {  	[dreg:$0x1] =	wrdreg $0xFFFFFFFF  }
0xc2: {  	_ =	task.clear_ibuf [dreg:s7], $0x2FFFF;
	_ =	strace $0x9FFFFFFF  }
0xc3: {  	(tm) =	ssettm $0x7FFFFFFF  }
tec
execute0_lowered:
.L_overlay_start_1:
0x0: {  	(tag) =	ssettag $0x1  }
0x1: {  	s0 =	rddreg [dreg:$0x0]  }
0x2: {  	s2 =	rddreg [dreg:$0x2];
	s1 =	srdreg.scid  }
0x3: {  	s5 =	simm.s32 $0x0;
	s9 =	stileid.u32;
	s1 =	sand.u32 $0x1, s1  }
0x4: {  	[smem:$0x7FF] =	sst s5;
	s6 =	smul.u32 $0x7D00, s9;
	s5 =	sadd.s32 $0x15200, s0  }
0x5: {  	s7 =	smul.u32 $0x1F400, s9;
	p0 =	sgt.u32 s9, $0x9;
	s3 =	sshll.u32 s1, $0x4  }
0x6: {  	s4 =	smul.u32 $0x4E200, s1;
	s1 =	ssub.s32 $0x2, s1;
	s3 =	sor.u32 s9, s3  }
0x7: {  	_ =	strace $0x8000004A;
	s8 =	sshrl.u32 s1, $0x1;
	s3 =	smul.u32 $0x4E2, s3  }
0x8: {  	s30 =	sshrl.u32 s7, $0x2;
	s4 =	sadd.s32 s6, s4;
	s1 =	ssub.s32 s1, s8  }
0x9: {  	s4 =	sshrl.u32 s4, $0x3;
	s1 =	smax.u32 s1, $0x1;
	s3 =	sadd.s32 s3, s0  }
0xa: {  	s0 =	sadd.s32 s4, s0;
	[dreg:$0x8] =	wrdreg s1;
	s31 =	sadd.s32 $0x1600, s3  }
0xb: {  	s4 =	sadd.s32 s30, s2;
	s0 =	sadd.s32 $0x1F000, s0;
	[dreg:$0x5] =	wrdreg s31  }
0xc: {  	s3 =	sadd.s32 $0xB400, s3;
	[dreg:$0x7] =	wrdreg s0;
	s0 =	sshll.u32 @!p0 s9, $0x6  }
0xd: {  	[dreg:$0x6] =	wrdreg s3;
	s16 =	sor.u32 @!p0 $0x1C03, s0;
	s0 =	sshrl.u32 @!p0 s4, $0x3  }
0xe: {  	s14 =	simm.s32 $0x50;
	s3 =	sadd.s32 s6, s2;
	[dreg:$0xa] =	wrdreg s0  }
0xf: {  	s25 =	simm.s32 $0x1;
	s0 =	sshrl.u32 @!p0 s3, $0x3;
	[dreg:$0x9] =	wrdreg s16  }
0x10: {  	s10 =	simm.s32 $0x2;
	[dreg:$0xb] =	wrdreg s0;
	s0 =	simm.s32 $0x0  }
.LBB2_1:
0x11: {  	[dreg:$0xc] =	wrdreg s0  }
0x12: {  	s12 =	rddreg [dreg:$0x1]  }
0x13: {  	s15 =	rddreg [dreg:$0xa]  }
0x14: {  	[spmem:s15], [sflag:s16] =	dma.local @!p0 [hbm:s12], $0xFA0  }
0x15: {  	s12 =	simm.s32 @!p0 $0x3  }
0x16: {  	_ =	swait.ge @!p0 [sflag:s12], $0xFA0  }
0x17: {  	s24 =	simm.s32 $0x0;
	[sflag:s12] =	ssyncset.done @!p0 $0x0  }
0x18: {  	s28 =	simm.s32 $0x3;
	s26 =	rddreg [dreg:$0x5];
	[sflag:s12] =	ssyncadd.s32 @!p0 $0xFFFFF060  }
0x19: {  	[tilespmem:s24], [sflag:$0x3] =	stream.linear.gather [hbm4b:s26+s24], $0x2710, $0x38;
	[tilespmem:$0x19640] =	vst v63  }
0x1a: {  	_ =	swait.ge [sflag:s28], $0x2710  }
0x1b: {  	[sflag:s28] =	ssyncset.done $0x0  }
0x1c: {  	s17 =	simm.s32 $0x2710;
	s29 =	rddreg [dreg:$0x6];
	[sflag:s28] =	ssyncadd.s32 $0xFFFFD8F0  }
0x1d: {  	[tilespmem:s17], [sflag:$0x3] =	stream.linear.gather [hbm4b:s29+s24], $0x2710, $0x38;
	[tilespmem:$0x19640] =	vst v63  }
0x1e: {  	_ =	swait.ge [sflag:s28], $0x2710  }
0x1f: {  	[sflag:s28] =	ssyncset.done $0x0  }
0x20: {  	[sflag:s28] =	ssyncadd.s32 $0xFFFFD8F0  }
0x21: {  	s30 =	simm.s32 $0x0;
	s15 =	simm.s32 $0x4E20;
	[bflag:$0x0] =	sbarrier.arrive $0xFFFF  }
0x22: {  	[tilespmem:s15], [sflag:$0x1] =	stream.indirect.gather [hbm4b:s5+s14], $0x20, s30, s14, $0xb8;
	[tilespmem:$0x19640] =	vst v63  }
0x23: {  	s31 =	simm.s32 $0x50;
	s16 =	simm.s32 $0x5820  }
0x24: {  	[tilespmem:s16], [sflag:$0x1] =	stream.indirect.gather [hbm4b:s5+s14], $0x20, s31, s14, $0xb8;
	[tilespmem:$0x19640] =	vst v63  }
0x25: {  	s0 =	simm.s32 $0xA0;
	s17 =	simm.s32 $0x6220  }
0x26: {  	[tilespmem:s17], [sflag:$0x1] =	stream.indirect.gather [hbm4b:s5+s14], $0x20, s0, s14, $0xb8;
	[tilespmem:$0x19640] =	vst v63  }
0x27: {  	s1 =	simm.s32 $0xF0;
	s18 =	simm.s32 $0x6C20  }
0x28: {  	[tilespmem:s18], [sflag:$0x1] =	stream.indirect.gather [hbm4b:s5+s14], $0x20, s1, s14, $0xb8;
	[tilespmem:$0x19640] =	vst v63  }
0x29: {  	s3 =	simm.s32 $0x140;
	s19 =	simm.s32 $0x7620  }
0x2a: {  	[tilespmem:s19], [sflag:$0x1] =	stream.indirect.gather [hbm4b:s5+s14], $0x20, s3, s14, $0xb8;
	[tilespmem:$0x19640] =	vst v63  }
0x2b: {  	s4 =	simm.s32 $0x190;
	s20 =	simm.s32 $0x8020  }
0x2c: {  	[tilespmem:s20], [sflag:$0x1] =	stream.indirect.gather [hbm4b:s5+s14], $0x20, s4, s14, $0xb8;
	[tilespmem:$0x19640] =	vst v63  }
0x2d: {  	s6 =	simm.s32 $0x1E0;
	s21 =	simm.s32 $0x8A20  }
0x2e: {  	[tilespmem:s21], [sflag:$0x1] =	stream.indirect.gather [hbm4b:s5+s14], $0x20, s6, s14, $0xb8;
	[tilespmem:$0x19640] =	vst v63  }
0x2f: {  	s7 =	simm.s32 $0x230;
	s22 =	simm.s32 $0x9420  }
0x30: {  	[tilespmem:s22], [sflag:$0x1] =	stream.indirect.gather [hbm4b:s5+s14], $0x20, s7, s14, $0xb8;
	[tilespmem:$0x19640] =	vst v63  }
0x31: {  	s8 =	simm.s32 $0x280;
	s23 =	simm.s32 $0x9E20  }
0x32: {  	[tilespmem:s23], [sflag:$0x1] =	stream.indirect.gather [hbm4b:s5+s14], $0x20, s8, s14, $0xb8;
	[tilespmem:$0x19640] =	vst v63  }
0x33: {  	s9 =	simm.s32 $0x2D0;
	s24 =	simm.s32 $0xA820  }
0x34: {  	[tilespmem:s24], [sflag:$0x1] =	stream.indirect.gather [hbm4b:s5+s14], $0x20, s9, s14, $0xb8;
	[tilespmem:$0x19640] =	vst v63  }
0x35: {  	s11 =	simm.s32 $0x320;
	s26 =	simm.s32 $0xB220  }
0x36: {  	[tilespmem:s26], [sflag:$0x1] =	stream.indirect.gather [hbm4b:s5+s14], $0x20, s11, s14, $0xb8;
	[tilespmem:$0x19640] =	vst v63  }
0x37: {  	s13 =	simm.s32 $0x370;
	s28 =	simm.s32 $0xBC20  }
0x38: {  	[tilespmem:s28], [sflag:$0x1] =	stream.indirect.gather [hbm4b:s5+s14], $0x20, s13, s14, $0xb8;
	[tilespmem:$0x19640] =	vst v63  }
0x39: {  	s29 =	simm.s32 $0x3C0;
	s0 =	simm.s32 $0xC620  }
0x3a: {  	[tilespmem:s0], [sflag:$0x1] =	stream.indirect.gather [hbm4b:s5+s14], $0x20, s29, s14, $0xb8;
	[tilespmem:$0x19640] =	vst v63  }
0x3b: {  	s30 =	simm.s32 $0x410;
	s3 =	simm.s32 $0xD020  }
0x3c: {  	[tilespmem:s3], [sflag:$0x1] =	stream.indirect.gather [hbm4b:s5+s14], $0x20, s30, s14, $0xb8;
	[tilespmem:$0x19640] =	vst v63  }
0x3d: {  	s31 =	simm.s32 $0x460;
	s1 =	simm.s32 $0xDA20  }
0x3e: {  	[tilespmem:s1], [sflag:$0x1] =	stream.indirect.gather [hbm4b:s5+s14], $0x20, s31, s14, $0xb8;
	[tilespmem:$0x19640] =	vst v63  }
0x3f: {  	s4 =	simm.s32 $0x4B0;
	s13 =	simm.s32 $0xE420  }
0x40: {  	[tilespmem:s13], [sflag:$0x1] =	stream.indirect.gather [hbm4b:s5+s14], $0x20, s4, s14, $0xb8;
	[tilespmem:$0x19640] =	vst v63  }
0x41: {  	s6 =	simm.s32 $0x500;
	s4 =	simm.s32 $0xEE20  }
0x42: {  	[tilespmem:s4], [sflag:$0x1] =	stream.indirect.gather [hbm4b:s5+s14], $0x20, s6, s14, $0xb8;
	[tilespmem:$0x19640] =	vst v63  }
0x43: {  	s7 =	simm.s32 $0x550;
	s6 =	simm.s32 $0xF820  }
0x44: {  	[tilespmem:s6], [sflag:$0x1] =	stream.indirect.gather [hbm4b:s5+s14], $0x20, s7, s14, $0xb8;
	[tilespmem:$0x19640] =	vst v63  }
0x45: {  	s8 =	simm.s32 $0x5A0;
	s7 =	simm.s32 $0x10220  }
0x46: {  	[tilespmem:s7], [sflag:$0x1] =	stream.indirect.gather [hbm4b:s5+s14], $0x20, s8, s14, $0xb8;
	[tilespmem:$0x19640] =	vst v63  }
0x47: {  	s9 =	simm.s32 $0x5F0;
	s8 =	simm.s32 $0x10C20  }
0x48: {  	[tilespmem:s8], [sflag:$0x1] =	stream.indirect.gather [hbm4b:s5+s14], $0x20, s9, s14, $0xb8;
	[tilespmem:$0x19640] =	vst v63  }
0x49: {  	s11 =	simm.s32 $0x640;
	s9 =	simm.s32 $0x11620  }
0x4a: {  	[tilespmem:s9], [sflag:$0x1] =	stream.indirect.gather [hbm4b:s5+s14], $0x20, s11, s14, $0xb8;
	[tilespmem:$0x19640] =	vst v63  }
0x4b: {  	s29 =	simm.s32 $0x690;
	s11 =	simm.s32 $0x12020  }
0x4c: {  	[tilespmem:s11], [sflag:$0x1] =	stream.indirect.gather [hbm4b:s5+s14], $0x20, s29, s14, $0xb8;
	[tilespmem:$0x19640] =	vst v63  }
0x4d: {  	s30 =	simm.s32 $0x6E0;
	s29 =	simm.s32 $0x12A20  }
0x4e: {  	[tilespmem:s29], [sflag:$0x1] =	stream.indirect.gather [hbm4b:s5+s14], $0x20, s30, s14, $0xb8;
	[tilespmem:$0x19640] =	vst v63  }
0x4f: {  	s31 =	simm.s32 $0x730;
	s30 =	simm.s32 $0x13420  }
0x50: {  	[tilespmem:s30], [sflag:$0x1] =	stream.indirect.gather [hbm4b:s5+s14], $0x20, s31, s14, $0xb8;
	[tilespmem:$0x19640] =	vst v63  }
0x51: {  	s12 =	simm.s32 $0x780;
	s31 =	simm.s32 $0x13E20  }
0x52: {  	[tilespmem:s31], [sflag:$0x1] =	stream.indirect.gather [hbm4b:s5+s14], $0x20, s12, s14, $0xb8;
	[tilespmem:$0x19640] =	vst v63  }
0x53: {  	_ =	swait.ge [sflag:s25], $0xA00  }
0x54: {  	[sflag:s25] =	ssyncset.done $0x0  }
0x55: {  	[sflag:s25] =	ssyncadd.s32 $0xFFFFF600  }
0x56: {  	_ =	swait.ge [sflag:s25], $0xA00  }
0x57: {  	[sflag:s25] =	ssyncset.done $0x0  }
0x58: {  	[sflag:s25] =	ssyncadd.s32 $0xFFFFF600  }
0x59: {  	_ =	swait.ge [sflag:s25], $0xA00  }
0x5a: {  	[sflag:s25] =	ssyncset.done $0x0  }
0x5b: {  	[sflag:s25] =	ssyncadd.s32 $0xFFFFF600  }
0x5c: {  	_ =	swait.ge [sflag:s25], $0xA00  }
0x5d: {  	[sflag:s25] =	ssyncset.done $0x0  }
0x5e: {  	[sflag:s25] =	ssyncadd.s32 $0xFFFFF600  }
0x5f: {  	_ =	swait.ge [sflag:s25], $0xA00  }
0x60: {  	[sflag:s25] =	ssyncset.done $0x0  }
0x61: {  	[sflag:s25] =	ssyncadd.s32 $0xFFFFF600  }
0x62: {  	_ =	swait.ge [sflag:s25], $0xA00  }
0x63: {  	[sflag:s25] =	ssyncset.done $0x0  }
0x64: {  	[sflag:s25] =	ssyncadd.s32 $0xFFFFF600  }
0x65: {  	_ =	swait.ge [sflag:s25], $0xA00  }
0x66: {  	[sflag:s25] =	ssyncset.done $0x0  }
0x67: {  	[sflag:s25] =	ssyncadd.s32 $0xFFFFF600  }
0x68: {  	_ =	swait.ge [sflag:s25], $0xA00  }
0x69: {  	[sflag:s25] =	ssyncset.done $0x0  }
0x6a: {  	[sflag:s25] =	ssyncadd.s32 $0xFFFFF600  }
0x6b: {  	_ =	swait.ge [sflag:s25], $0xA00  }
0x6c: {  	[sflag:s25] =	ssyncset.done $0x0  }
0x6d: {  	[sflag:s25] =	ssyncadd.s32 $0xFFFFF600  }
0x6e: {  	_ =	swait.ge [sflag:s25], $0xA00  }
0x6f: {  	[sflag:s25] =	ssyncset.done $0x0  }
0x70: {  	[sflag:s25] =	ssyncadd.s32 $0xFFFFF600  }
0x71: {  	_ =	swait.ge [sflag:s25], $0xA00  }
0x72: {  	[sflag:s25] =	ssyncset.done $0x0  }
0x73: {  	[sflag:s25] =	ssyncadd.s32 $0xFFFFF600  }
0x74: {  	_ =	swait.ge [sflag:s25], $0xA00  }
0x75: {  	[sflag:s25] =	ssyncset.done $0x0  }
0x76: {  	[sflag:s25] =	ssyncadd.s32 $0xFFFFF600  }
0x77: {  	_ =	swait.ge [sflag:s25], $0xA00  }
0x78: {  	[sflag:s25] =	ssyncset.done $0x0  }
0x79: {  	[sflag:s25] =	ssyncadd.s32 $0xFFFFF600  }
0x7a: {  	_ =	swait.ge [sflag:s25], $0xA00  }
0x7b: {  	[sflag:s25] =	ssyncset.done $0x0  }
0x7c: {  	[sflag:s25] =	ssyncadd.s32 $0xFFFFF600  }
0x7d: {  	_ =	swait.ge [sflag:s25], $0xA00  }
0x7e: {  	[sflag:s25] =	ssyncset.done $0x0  }
0x7f: {  	[sflag:s25] =	ssyncadd.s32 $0xFFFFF600  }
0x80: {  	_ =	swait.ge [sflag:s25], $0xA00  }
0x81: {  	[sflag:s25] =	ssyncset.done $0x0  }
0x82: {  	[sflag:s25] =	ssyncadd.s32 $0xFFFFF600  }
0x83: {  	_ =	swait.ge [sflag:s25], $0xA00  }
0x84: {  	[sflag:s25] =	ssyncset.done $0x0  }
0x85: {  	[sflag:s25] =	ssyncadd.s32 $0xFFFFF600  }
0x86: {  	_ =	swait.ge [sflag:s25], $0xA00  }
0x87: {  	[sflag:s25] =	ssyncset.done $0x0  }
0x88: {  	[sflag:s25] =	ssyncadd.s32 $0xFFFFF600  }
0x89: {  	_ =	swait.ge [sflag:s25], $0xA00  }
0x8a: {  	[sflag:s25] =	ssyncset.done $0x0  }
0x8b: {  	[sflag:s25] =	ssyncadd.s32 $0xFFFFF600  }
0x8c: {  	_ =	swait.ge [sflag:s25], $0xA00  }
0x8d: {  	[sflag:s25] =	ssyncset.done $0x0  }
0x8e: {  	[sflag:s25] =	ssyncadd.s32 $0xFFFFF600  }
0x8f: {  	_ =	swait.ge [sflag:s25], $0xA00  }
0x90: {  	[sflag:s25] =	ssyncset.done $0x0  }
0x91: {  	[sflag:s25] =	ssyncadd.s32 $0xFFFFF600  }
0x92: {  	_ =	swait.ge [sflag:s25], $0xA00  }
0x93: {  	[sflag:s25] =	ssyncset.done $0x0  }
0x94: {  	[sflag:s25] =	ssyncadd.s32 $0xFFFFF600  }
0x95: {  	_ =	swait.ge [sflag:s25], $0xA00  }
0x96: {  	[sflag:s25] =	ssyncset.done $0x0  }
0x97: {  	[sflag:s25] =	ssyncadd.s32 $0xFFFFF600  }
0x98: {  	_ =	swait.ge [sflag:s25], $0xA00  }
0x99: {  	[sflag:s25] =	ssyncset.done $0x0  }
0x9a: {  	[sflag:s25] =	ssyncadd.s32 $0xFFFFF600  }
0x9b: {  	_ =	swait.ge [sflag:s25], $0xA00  }
0x9c: {  	[sflag:s25] =	ssyncset.done $0x0  }
0x9d: {  	s12 =	simm.s32 $0x2710;
	[sflag:s25] =	ssyncadd.s32 $0xFFFFF600  }
0x9e: {  	[spmem:s2] =	stream.indirect.scatter.add.f32 [tilespmem:s15], [sflag:$0x2], $0x20, s12, s14, $0xb8;
	[tilespmem:$0x19640] =	vst v63  }
0x9f: {  	s15 =	simm.s32 $0x2760  }
0xa0: {  	[spmem:s2] =	stream.indirect.scatter.add.f32 [tilespmem:s16], [sflag:$0x2], $0x20, s15, s14, $0xb8;
	[tilespmem:$0x19640] =	vst v63  }
0xa1: {  	s16 =	simm.s32 $0x27B0  }
0xa2: {  	[spmem:s2] =	stream.indirect.scatter.add.f32 [tilespmem:s17], [sflag:$0x2], $0x20, s16, s14, $0xb8;
	[tilespmem:$0x19640] =	vst v63  }
0xa3: {  	s17 =	simm.s32 $0x2800  }
0xa4: {  	[spmem:s2] =	stream.indirect.scatter.add.f32 [tilespmem:s18], [sflag:$0x2], $0x20, s17, s14, $0xb8;
	[tilespmem:$0x19640] =	vst v63  }
0xa5: {  	s18 =	simm.s32 $0x2850  }
0xa6: {  	[spmem:s2] =	stream.indirect.scatter.add.f32 [tilespmem:s19], [sflag:$0x2], $0x20, s18, s14, $0xb8;
	[tilespmem:$0x19640] =	vst v63  }
0xa7: {  	s19 =	simm.s32 $0x28A0  }
0xa8: {  	[spmem:s2] =	stream.indirect.scatter.add.f32 [tilespmem:s20], [sflag:$0x2], $0x20, s19, s14, $0xb8;
	[tilespmem:$0x19640] =	vst v63  }
0xa9: {  	s20 =	simm.s32 $0x28F0  }
0xaa: {  	[spmem:s2] =	stream.indirect.scatter.add.f32 [tilespmem:s21], [sflag:$0x2], $0x20, s20, s14, $0xb8;
	[tilespmem:$0x19640] =	vst v63  }
0xab: {  	s21 =	simm.s32 $0x2940  }
0xac: {  	[spmem:s2] =	stream.indirect.scatter.add.f32 [tilespmem:s22], [sflag:$0x2], $0x20, s21, s14, $0xb8;
	[tilespmem:$0x19640] =	vst v63  }
0xad: {  	s22 =	simm.s32 $0x2990  }
0xae: {  	[spmem:s2] =	stream.indirect.scatter.add.f32 [tilespmem:s23], [sflag:$0x2], $0x20, s22, s14, $0xb8;
	[tilespmem:$0x19640] =	vst v63  }
0xaf: {  	s23 =	simm.s32 $0x29E0  }
0xb0: {  	[spmem:s2] =	stream.indirect.scatter.add.f32 [tilespmem:s24], [sflag:$0x2], $0x20, s23, s14, $0xb8;
	[tilespmem:$0x19640] =	vst v63  }
0xb1: {  	s24 =	simm.s32 $0x2A30  }
0xb2: {  	[spmem:s2] =	stream.indirect.scatter.add.f32 [tilespmem:s26], [sflag:$0x2], $0x20, s24, s14, $0xb8;
	[tilespmem:$0x19640] =	vst v63  }
0xb3: {  	s15 =	simm.s32 $0x2A80  }
0xb4: {  	[spmem:s2] =	stream.indirect.scatter.add.f32 [tilespmem:s28], [sflag:$0x2], $0x20, s15, s14, $0xb8;
	[tilespmem:$0x19640] =	vst v63  }
0xb5: {  	s16 =	simm.s32 $0x2AD0  }
0xb6: {  	[spmem:s2] =	stream.indirect.scatter.add.f32 [tilespmem:s0], [sflag:$0x2], $0x20, s16, s14, $0xb8;
	[tilespmem:$0x19640] =	vst v63  }
0xb7: {  	s17 =	simm.s32 $0x2B20  }
0xb8: {  	[spmem:s2] =	stream.indirect.scatter.add.f32 [tilespmem:s3], [sflag:$0x2], $0x20, s17, s14, $0xb8;
	[tilespmem:$0x19640] =	vst v63  }
0xb9: {  	s18 =	simm.s32 $0x2B70  }
0xba: {  	[spmem:s2] =	stream.indirect.scatter.add.f32 [tilespmem:s1], [sflag:$0x2], $0x20, s18, s14, $0xb8;
	[tilespmem:$0x19640] =	vst v63  }
0xbb: {  	s19 =	simm.s32 $0x2BC0  }
0xbc: {  	[spmem:s2] =	stream.indirect.scatter.add.f32 [tilespmem:s13], [sflag:$0x2], $0x20, s19, s14, $0xb8;
	[tilespmem:$0x19640] =	vst v63  }
0xbd: {  	s20 =	simm.s32 $0x2C10  }
0xbe: {  	[spmem:s2] =	stream.indirect.scatter.add.f32 [tilespmem:s4], [sflag:$0x2], $0x20, s20, s14, $0xb8;
	[tilespmem:$0x19640] =	vst v63  }
0xbf: {  	s21 =	simm.s32 $0x2C60  }
0xc0: {  	[spmem:s2] =	stream.indirect.scatter.add.f32 [tilespmem:s6], [sflag:$0x2], $0x20, s21, s14, $0xb8;
	[tilespmem:$0x19640] =	vst v63  }
0xc1: {  	s22 =	simm.s32 $0x2CB0  }
0xc2: {  	[spmem:s2] =	stream.indirect.scatter.add.f32 [tilespmem:s7], [sflag:$0x2], $0x20, s22, s14, $0xb8;
	[tilespmem:$0x19640] =	vst v63  }
0xc3: {  	s23 =	simm.s32 $0x2D00  }
0xc4: {  	[spmem:s2] =	stream.indirect.scatter.add.f32 [tilespmem:s8], [sflag:$0x2], $0x20, s23, s14, $0xb8;
	[tilespmem:$0x19640] =	vst v63  }
0xc5: {  	s24 =	simm.s32 $0x2D50  }
0xc6: {  	[spmem:s2] =	stream.indirect.scatter.add.f32 [tilespmem:s9], [sflag:$0x2], $0x20, s24, s14, $0xb8;
	[tilespmem:$0x19640] =	vst v63  }
0xc7: {  	s26 =	simm.s32 $0x2DA0  }
0xc8: {  	[spmem:s2] =	stream.indirect.scatter.add.f32 [tilespmem:s11], [sflag:$0x2], $0x20, s26, s14, $0xb8;
	[tilespmem:$0x19640] =	vst v63  }
0xc9: {  	s28 =	simm.s32 $0x2DF0  }
0xca: {  	[spmem:s2] =	stream.indirect.scatter.add.f32 [tilespmem:s29], [sflag:$0x2], $0x20, s28, s14, $0xb8;
	[tilespmem:$0x19640] =	vst v63  }
0xcb: {  	s29 =	simm.s32 $0x2E40  }
0xcc: {  	[spmem:s2] =	stream.indirect.scatter.add.f32 [tilespmem:s30], [sflag:$0x2], $0x20, s29, s14, $0xb8;
	[tilespmem:$0x19640] =	vst v63  }
0xcd: {  	s30 =	simm.s32 $0x2E90  }
0xce: {  	[spmem:s2] =	stream.indirect.scatter.add.f32 [tilespmem:s31], [sflag:$0x2], $0x20, s30, s14, $0xb8;
	[tilespmem:$0x19640] =	vst v63  }
0xcf: {  	_ =	swait.ge [sflag:s10], $0xA00  }
0xd0: {  	[sflag:s10] =	ssyncset.done $0x0  }
0xd1: {  	[sflag:s10] =	ssyncadd.s32 $0xFFFFF600  }
0xd2: {  	_ =	swait.ge [sflag:s10], $0xA00  }
0xd3: {  	[sflag:s10] =	ssyncset.done $0x0  }
0xd4: {  	[sflag:s10] =	ssyncadd.s32 $0xFFFFF600  }
0xd5: {  	_ =	swait.ge [sflag:s10], $0xA00  }
0xd6: {  	[sflag:s10] =	ssyncset.done $0x0  }
0xd7: {  	[sflag:s10] =	ssyncadd.s32 $0xFFFFF600  }
0xd8: {  	_ =	swait.ge [sflag:s10], $0xA00  }
0xd9: {  	[sflag:s10] =	ssyncset.done $0x0  }
0xda: {  	[sflag:s10] =	ssyncadd.s32 $0xFFFFF600  }
0xdb: {  	_ =	swait.ge [sflag:s10], $0xA00  }
0xdc: {  	[sflag:s10] =	ssyncset.done $0x0  }
0xdd: {  	[sflag:s10] =	ssyncadd.s32 $0xFFFFF600  }
0xde: {  	_ =	swait.ge [sflag:s10], $0xA00  }
0xdf: {  	[sflag:s10] =	ssyncset.done $0x0  }
0xe0: {  	[sflag:s10] =	ssyncadd.s32 $0xFFFFF600  }
0xe1: {  	_ =	swait.ge [sflag:s10], $0xA00  }
0xe2: {  	[sflag:s10] =	ssyncset.done $0x0  }
0xe3: {  	[sflag:s10] =	ssyncadd.s32 $0xFFFFF600  }
0xe4: {  	_ =	swait.ge [sflag:s10], $0xA00  }
0xe5: {  	[sflag:s10] =	ssyncset.done $0x0  }
0xe6: {  	[sflag:s10] =	ssyncadd.s32 $0xFFFFF600  }
0xe7: {  	_ =	swait.ge [sflag:s10], $0xA00  }
0xe8: {  	[sflag:s10] =	ssyncset.done $0x0  }
0xe9: {  	[sflag:s10] =	ssyncadd.s32 $0xFFFFF600  }
0xea: {  	_ =	swait.ge [sflag:s10], $0xA00  }
0xeb: {  	[sflag:s10] =	ssyncset.done $0x0  }
0xec: {  	[sflag:s10] =	ssyncadd.s32 $0xFFFFF600  }
0xed: {  	_ =	swait.ge [sflag:s10], $0xA00  }
0xee: {  	[sflag:s10] =	ssyncset.done $0x0  }
0xef: {  	[sflag:s10] =	ssyncadd.s32 $0xFFFFF600  }
0xf0: {  	_ =	swait.ge [sflag:s10], $0xA00  }
0xf1: {  	[sflag:s10] =	ssyncset.done $0x0  }
0xf2: {  	[sflag:s10] =	ssyncadd.s32 $0xFFFFF600  }
0xf3: {  	_ =	swait.ge [sflag:s10], $0xA00  }
0xf4: {  	[sflag:s10] =	ssyncset.done $0x0  }
0xf5: {  	[sflag:s10] =	ssyncadd.s32 $0xFFFFF600  }
0xf6: {  	_ =	swait.ge [sflag:s10], $0xA00  }
0xf7: {  	[sflag:s10] =	ssyncset.done $0x0  }
0xf8: {  	[sflag:s10] =	ssyncadd.s32 $0xFFFFF600  }
0xf9: {  	_ =	swait.ge [sflag:s10], $0xA00  }
0xfa: {  	[sflag:s10] =	ssyncset.done $0x0  }
0xfb: {  	[sflag:s10] =	ssyncadd.s32 $0xFFFFF600  }
0xfc: {  	_ =	swait.ge [sflag:s10], $0xA00  }
0xfd: {  	[sflag:s10] =	ssyncset.done $0x0  }
0xfe: {  	[sflag:s10] =	ssyncadd.s32 $0xFFFFF600  }
0xff: {  	_ =	swait.ge [sflag:s10], $0xA00  }
0x100: {  	[sflag:s10] =	ssyncset.done $0x0  }
0x101: {  	[sflag:s10] =	ssyncadd.s32 $0xFFFFF600  }
0x102: {  	_ =	swait.ge [sflag:s10], $0xA00  }
0x103: {  	[sflag:s10] =	ssyncset.done $0x0  }
0x104: {  	[sflag:s10] =	ssyncadd.s32 $0xFFFFF600  }
0x105: {  	_ =	swait.ge [sflag:s10], $0xA00  }
0x106: {  	[sflag:s10] =	ssyncset.done $0x0  }
0x107: {  	[sflag:s10] =	ssyncadd.s32 $0xFFFFF600  }
0x108: {  	_ =	swait.ge [sflag:s10], $0xA00  }
0x109: {  	[sflag:s10] =	ssyncset.done $0x0  }
0x10a: {  	[sflag:s10] =	ssyncadd.s32 $0xFFFFF600  }
0x10b: {  	_ =	swait.ge [sflag:s10], $0xA00  }
0x10c: {  	[sflag:s10] =	ssyncset.done $0x0  }
0x10d: {  	[sflag:s10] =	ssyncadd.s32 $0xFFFFF600  }
0x10e: {  	_ =	swait.ge [sflag:s10], $0xA00  }
0x10f: {  	[sflag:s10] =	ssyncset.done $0x0  }
0x110: {  	[sflag:s10] =	ssyncadd.s32 $0xFFFFF600  }
0x111: {  	_ =	swait.ge [sflag:s10], $0xA00  }
0x112: {  	[sflag:s10] =	ssyncset.done $0x0  }
0x113: {  	[sflag:s10] =	ssyncadd.s32 $0xFFFFF600  }
0x114: {  	_ =	swait.ge [sflag:s10], $0xA00  }
0x115: {  	[sflag:s10] =	ssyncset.done $0x0  }
0x116: {  	[sflag:s10] =	ssyncadd.s32 $0xFFFFF600  }
0x117: {  	_ =	swait.ge [sflag:s10], $0xA00  }
0x118: {  	s12 =	simm.s32 $0x1F40;
	s15 =	simm.s32 $0x3E80;
	[sflag:s10] =	ssyncset.done $0x0  }
.LBB2_2:
0x119: {  	s16 =	sshra.s32 s12, $0x2;
	[sflag:s10] =	ssyncadd.s32 $0xFFFFF600;
	s29 =	simm.s32 $0x4E20  }
0x11a: {  	[tilespmem:s29], [sflag:$0x1] =	stream.indirect.gather [hbm4b:s5+s14], $0x20, s16, s14, $0xb8;
	[tilespmem:$0x19640] =	vst v63  }
0x11b: {  	s19 =	simm.s32 $0x5820;
	s30 =	sadd.s32 $0x50, s16  }
0x11c: {  	[tilespmem:s19], [sflag:$0x1] =	stream.indirect.gather [hbm4b:s5+s14], $0x20, s30, s14, $0xb8;
	[tilespmem:$0x19640] =	vst v63  }
0x11d: {  	s0 =	sadd.s32 $0x1F40, s15;
	s20 =	simm.s32 $0x6220;
	s31 =	sadd.s32 $0xA0, s16  }
0x11e: {  	[tilespmem:s20], [sflag:$0x1] =	stream.indirect.gather [hbm4b:s5+s14], $0x20, s31, s14, $0xb8;
	[tilespmem:$0x19640] =	vst v63  }
0x11f: {  	s21 =	simm.s32 $0x6C20;
	[dreg:$0x4] =	wrdreg s0;
	s0 =	sadd.s32 $0xF0, s16  }
0x120: {  	[tilespmem:s21], [sflag:$0x1] =	stream.indirect.gather [hbm4b:s5+s14], $0x20, s0, s14, $0xb8;
	[tilespmem:$0x19640] =	vst v63  }
0x121: {  	s22 =	simm.s32 $0x7620;
	s1 =	sadd.s32 $0x140, s16  }
0x122: {  	[tilespmem:s22], [sflag:$0x1] =	stream.indirect.gather [hbm4b:s5+s14], $0x20, s1, s14, $0xb8;
	[tilespmem:$0x19640] =	vst v63  }
0x123: {  	s23 =	simm.s32 $0x8020;
	s3 =	sadd.s32 $0x190, s16  }
0x124: {  	[tilespmem:s23], [sflag:$0x1] =	stream.indirect.gather [hbm4b:s5+s14], $0x20, s3, s14, $0xb8;
	[tilespmem:$0x19640] =	vst v63  }
0x125: {  	s24 =	simm.s32 $0x8A20;
	s4 =	sadd.s32 $0x1E0, s16  }
0x126: {  	[tilespmem:s24], [sflag:$0x1] =	stream.indirect.gather [hbm4b:s5+s14], $0x20, s4, s14, $0xb8;
	[tilespmem:$0x19640] =	vst v63  }
0x127: {  	s26 =	simm.s32 $0x9420;
	s6 =	sadd.s32 $0x230, s16  }
0x128: {  	[tilespmem:s26], [sflag:$0x1] =	stream.indirect.gather [hbm4b:s5+s14], $0x20, s6, s14, $0xb8;
	[tilespmem:$0x19640] =	vst v63  }
0x129: {  	s28 =	simm.s32 $0x9E20;
	s7 =	sadd.s32 $0x280, s16  }
0x12a: {  	[tilespmem:s28], [sflag:$0x1] =	stream.indirect.gather [hbm4b:s5+s14], $0x20, s7, s14, $0xb8;
	[tilespmem:$0x19640] =	vst v63  }
0x12b: {  	s8 =	sadd.s32 $0x2D0, s16;
	s29 =	simm.s32 $0xA820  }
0x12c: {  	[tilespmem:s29], [sflag:$0x1] =	stream.indirect.gather [hbm4b:s5+s14], $0x20, s8, s14, $0xb8;
	[tilespmem:$0x19640] =	vst v63  }
0x12d: {  	s9 =	sadd.s32 $0x320, s16;
	s30 =	simm.s32 $0xB220  }
0x12e: {  	[tilespmem:s30], [sflag:$0x1] =	stream.indirect.gather [hbm4b:s5+s14], $0x20, s9, s14, $0xb8;
	[tilespmem:$0x19640] =	vst v63  }
0x12f: {  	s11 =	sadd.s32 $0x370, s16;
	s31 =	simm.s32 $0xBC20  }
0x130: {  	[tilespmem:s31], [sflag:$0x1] =	stream.indirect.gather [hbm4b:s5+s14], $0x20, s11, s14, $0xb8;
	[tilespmem:$0x19640] =	vst v63  }
0x131: {  	s17 =	simm.s32 $0xC620;
	s13 =	sadd.s32 $0x3C0, s16  }
0x132: {  	[tilespmem:s17], [sflag:$0x1] =	stream.indirect.gather [hbm4b:s5+s14], $0x20, s13, s14, $0xb8;
	[tilespmem:$0x19640] =	vst v63  }
0x133: {  	s18 =	sadd.s32 $0x410, s16;
	s3 =	simm.s32 $0xD020  }
0x134: {  	[tilespmem:s3], [sflag:$0x1] =	stream.indirect.gather [hbm4b:s5+s14], $0x20, s18, s14, $0xb8;
	[tilespmem:$0x19640] =	vst v63  }
0x135: {  	s0 =	sadd.s32 $0x460, s16;
	s1 =	simm.s32 $0xDA20  }
0x136: {  	[tilespmem:s1], [sflag:$0x1] =	stream.indirect.gather [hbm4b:s5+s14], $0x20, s0, s14, $0xb8;
	[tilespmem:$0x19640] =	vst v63  }
0x137: {  	s4 =	sadd.s32 $0x4B0, s16;
	s13 =	simm.s32 $0xE420  }
0x138: {  	[tilespmem:s13], [sflag:$0x1] =	stream.indirect.gather [hbm4b:s5+s14], $0x20, s4, s14, $0xb8;
	[tilespmem:$0x19640] =	vst v63  }
0x139: {  	s6 =	sadd.s32 $0x500, s16;
	s4 =	simm.s32 $0xEE20  }
0x13a: {  	[tilespmem:s4], [sflag:$0x1] =	stream.indirect.gather [hbm4b:s5+s14], $0x20, s6, s14, $0xb8;
	[tilespmem:$0x19640] =	vst v63  }
0x13b: {  	s7 =	sadd.s32 $0x550, s16;
	s6 =	simm.s32 $0xF820  }
0x13c: {  	[tilespmem:s6], [sflag:$0x1] =	stream.indirect.gather [hbm4b:s5+s14], $0x20, s7, s14, $0xb8;
	[tilespmem:$0x19640] =	vst v63  }
0x13d: {  	s8 =	sadd.s32 $0x5A0, s16;
	s7 =	simm.s32 $0x10220  }
0x13e: {  	[tilespmem:s7], [sflag:$0x1] =	stream.indirect.gather [hbm4b:s5+s14], $0x20, s8, s14, $0xb8;
	[tilespmem:$0x19640] =	vst v63  }
0x13f: {  	s9 =	sadd.s32 $0x5F0, s16;
	s8 =	simm.s32 $0x10C20  }
0x140: {  	[tilespmem:s8], [sflag:$0x1] =	stream.indirect.gather [hbm4b:s5+s14], $0x20, s9, s14, $0xb8;
	[tilespmem:$0x19640] =	vst v63  }
0x141: {  	s11 =	sadd.s32 $0x640, s16;
	s9 =	simm.s32 $0x11620  }
0x142: {  	[tilespmem:s9], [sflag:$0x1] =	stream.indirect.gather [hbm4b:s5+s14], $0x20, s11, s14, $0xb8;
	[tilespmem:$0x19640] =	vst v63  }
0x143: {  	s17 =	sadd.s32 $0x690, s16;
	s11 =	simm.s32 $0x12020  }
0x144: {  	[tilespmem:s11], [sflag:$0x1] =	stream.indirect.gather [hbm4b:s5+s14], $0x20, s17, s14, $0xb8;
	[tilespmem:$0x19640] =	vst v63  }
0x145: {  	s18 =	sadd.s32 $0x6E0, s16;
	s17 =	simm.s32 $0x12A20  }
0x146: {  	[tilespmem:s17], [sflag:$0x1] =	stream.indirect.gather [hbm4b:s5+s14], $0x20, s18, s14, $0xb8;
	[tilespmem:$0x19640] =	vst v63  }
0x147: {  	s12 =	smov.u32 s15;
	s0 =	sadd.s32 $0x730, s16;
	s18 =	simm.s32 $0x13420  }
0x148: {  	[tilespmem:s18], [sflag:$0x1] =	stream.indirect.gather [hbm4b:s5+s14], $0x20, s0, s14, $0xb8;
	[tilespmem:$0x19640] =	vst v63  }
0x149: {  	p1 =	sne.s32 s15, $0x7D00;
	s15 =	sadd.s32 $0x780, s16;
	s0 =	simm.s32 $0x13E20  }
0x14a: {  	[tilespmem:s0], [sflag:$0x1] =	stream.indirect.gather [hbm4b:s5+s14], $0x20, s15, s14, $0xb8;
	[tilespmem:$0x19640] =	vst v63  }
0x14b: {  	_ =	swait.ge [sflag:s25], $0xA00  }
0x14c: {  	[sflag:s25] =	ssyncset.done $0x0  }
0x14d: {  	[sflag:s25] =	ssyncadd.s32 $0xFFFFF600  }
0x14e: {  	_ =	swait.ge [sflag:s25], $0xA00  }
0x14f: {  	[sflag:s25] =	ssyncset.done $0x0  }
0x150: {  	[sflag:s25] =	ssyncadd.s32 $0xFFFFF600  }
0x151: {  	_ =	swait.ge [sflag:s25], $0xA00  }
0x152: {  	[sflag:s25] =	ssyncset.done $0x0  }
0x153: {  	[sflag:s25] =	ssyncadd.s32 $0xFFFFF600  }
0x154: {  	_ =	swait.ge [sflag:s25], $0xA00  }
0x155: {  	[sflag:s25] =	ssyncset.done $0x0  }
0x156: {  	[sflag:s25] =	ssyncadd.s32 $0xFFFFF600  }
0x157: {  	_ =	swait.ge [sflag:s25], $0xA00  }
0x158: {  	[sflag:s25] =	ssyncset.done $0x0  }
0x159: {  	[sflag:s25] =	ssyncadd.s32 $0xFFFFF600  }
0x15a: {  	_ =	swait.ge [sflag:s25], $0xA00  }
0x15b: {  	[sflag:s25] =	ssyncset.done $0x0  }
0x15c: {  	[sflag:s25] =	ssyncadd.s32 $0xFFFFF600  }
0x15d: {  	_ =	swait.ge [sflag:s25], $0xA00  }
0x15e: {  	[sflag:s25] =	ssyncset.done $0x0  }
0x15f: {  	[sflag:s25] =	ssyncadd.s32 $0xFFFFF600  }
0x160: {  	_ =	swait.ge [sflag:s25], $0xA00  }
0x161: {  	[sflag:s25] =	ssyncset.done $0x0  }
0x162: {  	[sflag:s25] =	ssyncadd.s32 $0xFFFFF600  }
0x163: {  	_ =	swait.ge [sflag:s25], $0xA00  }
0x164: {  	[sflag:s25] =	ssyncset.done $0x0  }
0x165: {  	[sflag:s25] =	ssyncadd.s32 $0xFFFFF600  }
0x166: {  	_ =	swait.ge [sflag:s25], $0xA00  }
0x167: {  	[sflag:s25] =	ssyncset.done $0x0  }
0x168: {  	[sflag:s25] =	ssyncadd.s32 $0xFFFFF600  }
0x169: {  	_ =	swait.ge [sflag:s25], $0xA00  }
0x16a: {  	[sflag:s25] =	ssyncset.done $0x0  }
0x16b: {  	[sflag:s25] =	ssyncadd.s32 $0xFFFFF600  }
0x16c: {  	_ =	swait.ge [sflag:s25], $0xA00  }
0x16d: {  	[sflag:s25] =	ssyncset.done $0x0  }
0x16e: {  	[sflag:s25] =	ssyncadd.s32 $0xFFFFF600  }
0x16f: {  	_ =	swait.ge [sflag:s25], $0xA00  }
0x170: {  	[sflag:s25] =	ssyncset.done $0x0  }
0x171: {  	[sflag:s25] =	ssyncadd.s32 $0xFFFFF600  }
0x172: {  	_ =	swait.ge [sflag:s25], $0xA00  }
0x173: {  	[sflag:s25] =	ssyncset.done $0x0  }
0x174: {  	[sflag:s25] =	ssyncadd.s32 $0xFFFFF600  }
0x175: {  	_ =	swait.ge [sflag:s25], $0xA00  }
0x176: {  	[sflag:s25] =	ssyncset.done $0x0  }
0x177: {  	[sflag:s25] =	ssyncadd.s32 $0xFFFFF600  }
0x178: {  	_ =	swait.ge [sflag:s25], $0xA00  }
0x179: {  	[sflag:s25] =	ssyncset.done $0x0  }
0x17a: {  	[sflag:s25] =	ssyncadd.s32 $0xFFFFF600  }
0x17b: {  	_ =	swait.ge [sflag:s25], $0xA00  }
0x17c: {  	[sflag:s25] =	ssyncset.done $0x0  }
0x17d: {  	[sflag:s25] =	ssyncadd.s32 $0xFFFFF600  }
0x17e: {  	_ =	swait.ge [sflag:s25], $0xA00  }
0x17f: {  	[sflag:s25] =	ssyncset.done $0x0  }
0x180: {  	[sflag:s25] =	ssyncadd.s32 $0xFFFFF600  }
0x181: {  	_ =	swait.ge [sflag:s25], $0xA00  }
0x182: {  	[sflag:s25] =	ssyncset.done $0x0  }
0x183: {  	[sflag:s25] =	ssyncadd.s32 $0xFFFFF600  }
0x184: {  	_ =	swait.ge [sflag:s25], $0xA00  }
0x185: {  	[sflag:s25] =	ssyncset.done $0x0  }
0x186: {  	[sflag:s25] =	ssyncadd.s32 $0xFFFFF600  }
0x187: {  	_ =	swait.ge [sflag:s25], $0xA00  }
0x188: {  	[sflag:s25] =	ssyncset.done $0x0  }
0x189: {  	[sflag:s25] =	ssyncadd.s32 $0xFFFFF600  }
0x18a: {  	_ =	swait.ge [sflag:s25], $0xA00  }
0x18b: {  	[sflag:s25] =	ssyncset.done $0x0  }
0x18c: {  	[sflag:s25] =	ssyncadd.s32 $0xFFFFF600  }
0x18d: {  	_ =	swait.ge [sflag:s25], $0xA00  }
0x18e: {  	[sflag:s25] =	ssyncset.done $0x0  }
0x18f: {  	[sflag:s25] =	ssyncadd.s32 $0xFFFFF600  }
0x190: {  	_ =	swait.ge [sflag:s25], $0xA00  }
0x191: {  	[sflag:s25] =	ssyncset.done $0x0  }
0x192: {  	[sflag:s25] =	ssyncadd.s32 $0xFFFFF600  }
0x193: {  	_ =	swait.ge [sflag:s25], $0xA00  }
0x194: {  	[sflag:s25] =	ssyncset.done $0x0  }
0x195: {  	s15 =	sadd.s32 $0x2710, s16;
	s0 =	simm.s32 $0x4E20;
	[sflag:s25] =	ssyncadd.s32 $0xFFFFF600  }
0x196: {  	[spmem:s2] =	stream.indirect.scatter.add.f32 [tilespmem:s0], [sflag:$0x2], $0x20, s15, s14, $0xb8;
	[tilespmem:$0x19640] =	vst v63  }
0x197: {  	s0 =	sadd.s32 $0x2760, s16  }
0x198: {  	[spmem:s2] =	stream.indirect.scatter.add.f32 [tilespmem:s19], [sflag:$0x2], $0x20, s0, s14, $0xb8;
	[tilespmem:$0x19640] =	vst v63  }
0x199: {  	s0 =	sadd.s32 $0x27B0, s16  }
0x19a: {  	[spmem:s2] =	stream.indirect.scatter.add.f32 [tilespmem:s20], [sflag:$0x2], $0x20, s0, s14, $0xb8;
	[tilespmem:$0x19640] =	vst v63  }
0x19b: {  	s19 =	sadd.s32 $0x2800, s16  }
0x19c: {  	[spmem:s2] =	stream.indirect.scatter.add.f32 [tilespmem:s21], [sflag:$0x2], $0x20, s19, s14, $0xb8;
	[tilespmem:$0x19640] =	vst v63  }
0x19d: {  	s20 =	sadd.s32 $0x2850, s16  }
0x19e: {  	[spmem:s2] =	stream.indirect.scatter.add.f32 [tilespmem:s22], [sflag:$0x2], $0x20, s20, s14, $0xb8;
	[tilespmem:$0x19640] =	vst v63  }
0x19f: {  	s21 =	sadd.s32 $0x28A0, s16  }
0x1a0: {  	[spmem:s2] =	stream.indirect.scatter.add.f32 [tilespmem:s23], [sflag:$0x2], $0x20, s21, s14, $0xb8;
	[tilespmem:$0x19640] =	vst v63  }
0x1a1: {  	s22 =	sadd.s32 $0x28F0, s16  }
0x1a2: {  	[spmem:s2] =	stream.indirect.scatter.add.f32 [tilespmem:s24], [sflag:$0x2], $0x20, s22, s14, $0xb8;
	[tilespmem:$0x19640] =	vst v63  }
0x1a3: {  	s23 =	sadd.s32 $0x2940, s16  }
0x1a4: {  	[spmem:s2] =	stream.indirect.scatter.add.f32 [tilespmem:s26], [sflag:$0x2], $0x20, s23, s14, $0xb8;
	[tilespmem:$0x19640] =	vst v63  }
0x1a5: {  	s24 =	sadd.s32 $0x2990, s16  }
0x1a6: {  	[spmem:s2] =	stream.indirect.scatter.add.f32 [tilespmem:s28], [sflag:$0x2], $0x20, s24, s14, $0xb8;
	[tilespmem:$0x19640] =	vst v63  }
0x1a7: {  	s26 =	sadd.s32 $0x29E0, s16  }
0x1a8: {  	[spmem:s2] =	stream.indirect.scatter.add.f32 [tilespmem:s29], [sflag:$0x2], $0x20, s26, s14, $0xb8;
	[tilespmem:$0x19640] =	vst v63  }
0x1a9: {  	s28 =	sadd.s32 $0x2A30, s16  }
0x1aa: {  	[spmem:s2] =	stream.indirect.scatter.add.f32 [tilespmem:s30], [sflag:$0x2], $0x20, s28, s14, $0xb8;
	[tilespmem:$0x19640] =	vst v63  }
0x1ab: {  	s29 =	sadd.s32 $0x2A80, s16  }
0x1ac: {  	[spmem:s2] =	stream.indirect.scatter.add.f32 [tilespmem:s31], [sflag:$0x2], $0x20, s29, s14, $0xb8;
	[tilespmem:$0x19640] =	vst v63  }
0x1ad: {  	s30 =	sadd.s32 $0x2AD0, s16;
	s31 =	simm.s32 $0xC620  }
0x1ae: {  	[spmem:s2] =	stream.indirect.scatter.add.f32 [tilespmem:s31], [sflag:$0x2], $0x20, s30, s14, $0xb8;
	[tilespmem:$0x19640] =	vst v63  }
0x1af: {  	s0 =	sadd.s32 $0x2B20, s16  }
0x1b0: {  	[spmem:s2] =	stream.indirect.scatter.add.f32 [tilespmem:s3], [sflag:$0x2], $0x20, s0, s14, $0xb8;
	[tilespmem:$0x19640] =	vst v63  }
0x1b1: {  	s3 =	sadd.s32 $0x2B70, s16  }
0x1b2: {  	[spmem:s2] =	stream.indirect.scatter.add.f32 [tilespmem:s1], [sflag:$0x2], $0x20, s3, s14, $0xb8;
	[tilespmem:$0x19640] =	vst v63  }
0x1b3: {  	s19 =	sadd.s32 $0x2BC0, s16  }
0x1b4: {  	[spmem:s2] =	stream.indirect.scatter.add.f32 [tilespmem:s13], [sflag:$0x2], $0x20, s19, s14, $0xb8;
	[tilespmem:$0x19640] =	vst v63  }
0x1b5: {  	s20 =	sadd.s32 $0x2C10, s16  }
0x1b6: {  	[spmem:s2] =	stream.indirect.scatter.add.f32 [tilespmem:s4], [sflag:$0x2], $0x20, s20, s14, $0xb8;
	[tilespmem:$0x19640] =	vst v63  }
0x1b7: {  	s21 =	sadd.s32 $0x2C60, s16  }
0x1b8: {  	[spmem:s2] =	stream.indirect.scatter.add.f32 [tilespmem:s6], [sflag:$0x2], $0x20, s21, s14, $0xb8;
	[tilespmem:$0x19640] =	vst v63  }
0x1b9: {  	s22 =	sadd.s32 $0x2CB0, s16  }
0x1ba: {  	[spmem:s2] =	stream.indirect.scatter.add.f32 [tilespmem:s7], [sflag:$0x2], $0x20, s22, s14, $0xb8;
	[tilespmem:$0x19640] =	vst v63  }
0x1bb: {  	s23 =	sadd.s32 $0x2D00, s16  }
0x1bc: {  	[spmem:s2] =	stream.indirect.scatter.add.f32 [tilespmem:s8], [sflag:$0x2], $0x20, s23, s14, $0xb8;
	[tilespmem:$0x19640] =	vst v63  }
0x1bd: {  	s24 =	sadd.s32 $0x2D50, s16  }
0x1be: {  	[spmem:s2] =	stream.indirect.scatter.add.f32 [tilespmem:s9], [sflag:$0x2], $0x20, s24, s14, $0xb8;
	[tilespmem:$0x19640] =	vst v63  }
0x1bf: {  	s26 =	sadd.s32 $0x2DA0, s16  }
0x1c0: {  	[spmem:s2] =	stream.indirect.scatter.add.f32 [tilespmem:s11], [sflag:$0x2], $0x20, s26, s14, $0xb8;
	[tilespmem:$0x19640] =	vst v63  }
0x1c1: {  	s28 =	sadd.s32 $0x2DF0, s16  }
0x1c2: {  	[spmem:s2] =	stream.indirect.scatter.add.f32 [tilespmem:s17], [sflag:$0x2], $0x20, s28, s14, $0xb8;
	[tilespmem:$0x19640] =	vst v63  }
0x1c3: {  	s29 =	sadd.s32 $0x2E40, s16  }
0x1c4: {  	[spmem:s2] =	stream.indirect.scatter.add.f32 [tilespmem:s18], [sflag:$0x2], $0x20, s29, s14, $0xb8;
	[tilespmem:$0x19640] =	vst v63  }
0x1c5: {  	s30 =	sadd.s32 $0x2E90, s16;
	s31 =	simm.s32 $0x13E20  }
0x1c6: {  	[spmem:s2] =	stream.indirect.scatter.add.f32 [tilespmem:s31], [sflag:$0x2], $0x20, s30, s14, $0xb8;
	[tilespmem:$0x19640] =	vst v63  }
0x1c7: {  	_ =	swait.ge [sflag:s10], $0xA00  }
0x1c8: {  	[sflag:s10] =	ssyncset.done $0x0  }
0x1c9: {  	[sflag:s10] =	ssyncadd.s32 $0xFFFFF600  }
0x1ca: {  	_ =	swait.ge [sflag:s10], $0xA00  }
0x1cb: {  	[sflag:s10] =	ssyncset.done $0x0  }
0x1cc: {  	[sflag:s10] =	ssyncadd.s32 $0xFFFFF600  }
0x1cd: {  	_ =	swait.ge [sflag:s10], $0xA00  }
0x1ce: {  	[sflag:s10] =	ssyncset.done $0x0  }
0x1cf: {  	[sflag:s10] =	ssyncadd.s32 $0xFFFFF600  }
0x1d0: {  	_ =	swait.ge [sflag:s10], $0xA00  }
0x1d1: {  	[sflag:s10] =	ssyncset.done $0x0  }
0x1d2: {  	[sflag:s10] =	ssyncadd.s32 $0xFFFFF600  }
0x1d3: {  	_ =	swait.ge [sflag:s10], $0xA00  }
0x1d4: {  	[sflag:s10] =	ssyncset.done $0x0  }
0x1d5: {  	[sflag:s10] =	ssyncadd.s32 $0xFFFFF600  }
0x1d6: {  	_ =	swait.ge [sflag:s10], $0xA00  }
0x1d7: {  	[sflag:s10] =	ssyncset.done $0x0  }
0x1d8: {  	[sflag:s10] =	ssyncadd.s32 $0xFFFFF600  }
0x1d9: {  	_ =	swait.ge [sflag:s10], $0xA00  }
0x1da: {  	[sflag:s10] =	ssyncset.done $0x0  }
0x1db: {  	[sflag:s10] =	ssyncadd.s32 $0xFFFFF600  }
0x1dc: {  	_ =	swait.ge [sflag:s10], $0xA00  }
0x1dd: {  	[sflag:s10] =	ssyncset.done $0x0  }
0x1de: {  	[sflag:s10] =	ssyncadd.s32 $0xFFFFF600  }
0x1df: {  	_ =	swait.ge [sflag:s10], $0xA00  }
0x1e0: {  	[sflag:s10] =	ssyncset.done $0x0  }
0x1e1: {  	[sflag:s10] =	ssyncadd.s32 $0xFFFFF600  }
0x1e2: {  	_ =	swait.ge [sflag:s10], $0xA00  }
0x1e3: {  	[sflag:s10] =	ssyncset.done $0x0  }
0x1e4: {  	[sflag:s10] =	ssyncadd.s32 $0xFFFFF600  }
0x1e5: {  	_ =	swait.ge [sflag:s10], $0xA00  }
0x1e6: {  	[sflag:s10] =	ssyncset.done $0x0  }
0x1e7: {  	[sflag:s10] =	ssyncadd.s32 $0xFFFFF600  }
0x1e8: {  	_ =	swait.ge [sflag:s10], $0xA00  }
0x1e9: {  	[sflag:s10] =	ssyncset.done $0x0  }
0x1ea: {  	[sflag:s10] =	ssyncadd.s32 $0xFFFFF600  }
0x1eb: {  	_ =	swait.ge [sflag:s10], $0xA00  }
0x1ec: {  	[sflag:s10] =	ssyncset.done $0x0  }
0x1ed: {  	[sflag:s10] =	ssyncadd.s32 $0xFFFFF600  }
0x1ee: {  	_ =	swait.ge [sflag:s10], $0xA00  }
0x1ef: {  	[sflag:s10] =	ssyncset.done $0x0  }
0x1f0: {  	[sflag:s10] =	ssyncadd.s32 $0xFFFFF600  }
0x1f1: {  	_ =	swait.ge [sflag:s10], $0xA00  }
0x1f2: {  	[sflag:s10] =	ssyncset.done $0x0  }
0x1f3: {  	[sflag:s10] =	ssyncadd.s32 $0xFFFFF600  }
0x1f4: {  	_ =	swait.ge [sflag:s10], $0xA00  }
0x1f5: {  	[sflag:s10] =	ssyncset.done $0x0  }
0x1f6: {  	[sflag:s10] =	ssyncadd.s32 $0xFFFFF600  }
0x1f7: {  	_ =	swait.ge [sflag:s10], $0xA00  }
0x1f8: {  	[sflag:s10] =	ssyncset.done $0x0  }
0x1f9: {  	[sflag:s10] =	ssyncadd.s32 $0xFFFFF600  }
0x1fa: {  	_ =	swait.ge [sflag:s10], $0xA00  }
0x1fb: {  	[sflag:s10] =	ssyncset.done $0x0  }
0x1fc: {  	[sflag:s10] =	ssyncadd.s32 $0xFFFFF600  }
0x1fd: {  	_ =	swait.ge [sflag:s10], $0xA00  }
0x1fe: {  	[sflag:s10] =	ssyncset.done $0x0  }
0x1ff: {  	[sflag:s10] =	ssyncadd.s32 $0xFFFFF600  }
0x200: {  	_ =	swait.ge [sflag:s10], $0xA00  }
0x201: {  	[sflag:s10] =	ssyncset.done $0x0  }
0x202: {  	[sflag:s10] =	ssyncadd.s32 $0xFFFFF600  }
0x203: {  	_ =	swait.ge [sflag:s10], $0xA00  }
0x204: {  	[sflag:s10] =	ssyncset.done $0x0  }
0x205: {  	[sflag:s10] =	ssyncadd.s32 $0xFFFFF600  }
0x206: {  	_ =	swait.ge [sflag:s10], $0xA00  }
0x207: {  	[sflag:s10] =	ssyncset.done $0x0  }
0x208: {  	[sflag:s10] =	ssyncadd.s32 $0xFFFFF600  }
0x209: {  	_ =	swait.ge [sflag:s10], $0xA00  }
0x20a: {  	[sflag:s10] =	ssyncset.done $0x0  }
0x20b: {  	[sflag:s10] =	ssyncadd.s32 $0xFFFFF600  }
.Ltmp0:
0x20c: {  	_ =	swait.ge [sflag:s10], $0xA00;
	(pc) =	sbr.rel @p1 .LBB2_2-.Ltmp0, $4  }
0x20d: {  	[sflag:s10] =	ssyncset.done $0x0  }
0x20e: {  	[sflag:s10] =	ssyncadd.s32 $0xFFFFF600  }
0x20f: {  	_ =	swait.ge [sflag:s10], $0xA00  }
0x210: {  	[sflag:s10] =	ssyncset.done $0x0;
	s15 =	rddreg [dreg:$0x4]  }
0x211: {  	s12 =	sshra.s32 s12, $0x2;
	[sflag:s10] =	ssyncadd.s32 $0xFFFFF600;
	s16 =	simm.s32 $0x4E20  }
0x212: {  	[tilespmem:s16], [sflag:$0x1] =	stream.indirect.gather [hbm4b:s5+s14], $0x20, s12, s14, $0xb8;
	[tilespmem:$0x19640] =	vst v63  }
0x213: {  	s17 =	simm.s32 $0x5820;
	s15 =	sadd.s32 $0x50, s12  }
0x214: {  	[tilespmem:s17], [sflag:$0x1] =	stream.indirect.gather [hbm4b:s5+s14], $0x20, s15, s14, $0xb8;
	[tilespmem:$0x19640] =	vst v63  }
0x215: {  	s18 =	simm.s32 $0x6220;
	s0 =	sadd.s32 $0xA0, s12  }
0x216: {  	[tilespmem:s18], [sflag:$0x1] =	stream.indirect.gather [hbm4b:s5+s14], $0x20, s0, s14, $0xb8;
	[tilespmem:$0x19640] =	vst v63  }
0x217: {  	s19 =	simm.s32 $0x6C20;
	s1 =	sadd.s32 $0xF0, s12  }
0x218: {  	[tilespmem:s19], [sflag:$0x1] =	stream.indirect.gather [hbm4b:s5+s14], $0x20, s1, s14, $0xb8;
	[tilespmem:$0x19640] =	vst v63  }
0x219: {  	s20 =	simm.s32 $0x7620;
	s3 =	sadd.s32 $0x140, s12  }
0x21a: {  	[tilespmem:s20], [sflag:$0x1] =	stream.indirect.gather [hbm4b:s5+s14], $0x20, s3, s14, $0xb8;
	[tilespmem:$0x19640] =	vst v63  }
0x21b: {  	s21 =	simm.s32 $0x8020;
	s4 =	sadd.s32 $0x190, s12  }
0x21c: {  	[tilespmem:s21], [sflag:$0x1] =	stream.indirect.gather [hbm4b:s5+s14], $0x20, s4, s14, $0xb8;
	[tilespmem:$0x19640] =	vst v63  }
0x21d: {  	s22 =	simm.s32 $0x8A20;
	s6 =	sadd.s32 $0x1E0, s12  }
0x21e: {  	[tilespmem:s22], [sflag:$0x1] =	stream.indirect.gather [hbm4b:s5+s14], $0x20, s6, s14, $0xb8;
	[tilespmem:$0x19640] =	vst v63  }
0x21f: {  	s23 =	simm.s32 $0x9420;
	s7 =	sadd.s32 $0x230, s12  }
0x220: {  	[tilespmem:s23], [sflag:$0x1] =	stream.indirect.gather [hbm4b:s5+s14], $0x20, s7, s14, $0xb8;
	[tilespmem:$0x19640] =	vst v63  }
0x221: {  	s24 =	simm.s32 $0x9E20;
	s8 =	sadd.s32 $0x280, s12  }
0x222: {  	[tilespmem:s24], [sflag:$0x1] =	stream.indirect.gather [hbm4b:s5+s14], $0x20, s8, s14, $0xb8;
	[tilespmem:$0x19640] =	vst v63  }
0x223: {  	s26 =	simm.s32 $0xA820;
	s9 =	sadd.s32 $0x2D0, s12  }
0x224: {  	[tilespmem:s26], [sflag:$0x1] =	stream.indirect.gather [hbm4b:s5+s14], $0x20, s9, s14, $0xb8;
	[tilespmem:$0x19640] =	vst v63  }
0x225: {  	s28 =	simm.s32 $0xB220;
	s11 =	sadd.s32 $0x320, s12  }
0x226: {  	[tilespmem:s28], [sflag:$0x1] =	stream.indirect.gather [hbm4b:s5+s14], $0x20, s11, s14, $0xb8;
	[tilespmem:$0x19640] =	vst v63  }
0x227: {  	s29 =	simm.s32 $0xBC20;
	s13 =	sadd.s32 $0x370, s12  }
0x228: {  	[tilespmem:s29], [sflag:$0x1] =	stream.indirect.gather [hbm4b:s5+s14], $0x20, s13, s14, $0xb8;
	[tilespmem:$0x19640] =	vst v63  }
0x229: {  	s30 =	sadd.s32 $0x3C0, s12;
	s0 =	simm.s32 $0xC620  }
0x22a: {  	[tilespmem:s0], [sflag:$0x1] =	stream.indirect.gather [hbm4b:s5+s14], $0x20, s30, s14, $0xb8;
	[tilespmem:$0x19640] =	vst v63  }
0x22b: {  	s31 =	sadd.s32 $0x410, s12;
	s3 =	simm.s32 $0xD020  }
0x22c: {  	[tilespmem:s3], [sflag:$0x1] =	stream.indirect.gather [hbm4b:s5+s14], $0x20, s31, s14, $0xb8;
	[tilespmem:$0x19640] =	vst v63  }
0x22d: {  	s1 =	simm.s32 $0xDA20;
	s0 =	sadd.s32 $0x460, s12  }
0x22e: {  	[tilespmem:s1], [sflag:$0x1] =	stream.indirect.gather [hbm4b:s5+s14], $0x20, s0, s14, $0xb8;
	[tilespmem:$0x19640] =	vst v63  }
0x22f: {  	s4 =	sadd.s32 $0x4B0, s12;
	s13 =	simm.s32 $0xE420  }
0x230: {  	[tilespmem:s13], [sflag:$0x1] =	stream.indirect.gather [hbm4b:s5+s14], $0x20, s4, s14, $0xb8;
	[tilespmem:$0x19640] =	vst v63  }
0x231: {  	s6 =	sadd.s32 $0x500, s12;
	s4 =	simm.s32 $0xEE20  }
0x232: {  	[tilespmem:s4], [sflag:$0x1] =	stream.indirect.gather [hbm4b:s5+s14], $0x20, s6, s14, $0xb8;
	[tilespmem:$0x19640] =	vst v63  }
0x233: {  	s7 =	sadd.s32 $0x550, s12;
	s6 =	simm.s32 $0xF820  }
0x234: {  	[tilespmem:s6], [sflag:$0x1] =	stream.indirect.gather [hbm4b:s5+s14], $0x20, s7, s14, $0xb8;
	[tilespmem:$0x19640] =	vst v63  }
0x235: {  	s8 =	sadd.s32 $0x5A0, s12;
	s7 =	simm.s32 $0x10220  }
0x236: {  	[tilespmem:s7], [sflag:$0x1] =	stream.indirect.gather [hbm4b:s5+s14], $0x20, s8, s14, $0xb8;
	[tilespmem:$0x19640] =	vst v63  }
0x237: {  	s9 =	sadd.s32 $0x5F0, s12;
	s8 =	simm.s32 $0x10C20  }
0x238: {  	[tilespmem:s8], [sflag:$0x1] =	stream.indirect.gather [hbm4b:s5+s14], $0x20, s9, s14, $0xb8;
	[tilespmem:$0x19640] =	vst v63  }
0x239: {  	s11 =	sadd.s32 $0x640, s12;
	s9 =	simm.s32 $0x11620  }
0x23a: {  	[tilespmem:s9], [sflag:$0x1] =	stream.indirect.gather [hbm4b:s5+s14], $0x20, s11, s14, $0xb8;
	[tilespmem:$0x19640] =	vst v63  }
0x23b: {  	s30 =	sadd.s32 $0x690, s12;
	s11 =	simm.s32 $0x12020  }
0x23c: {  	[tilespmem:s11], [sflag:$0x1] =	stream.indirect.gather [hbm4b:s5+s14], $0x20, s30, s14, $0xb8;
	[tilespmem:$0x19640] =	vst v63  }
0x23d: {  	s31 =	sadd.s32 $0x6E0, s12;
	s30 =	simm.s32 $0x12A20  }
0x23e: {  	[tilespmem:s30], [sflag:$0x1] =	stream.indirect.gather [hbm4b:s5+s14], $0x20, s31, s14, $0xb8;
	[tilespmem:$0x19640] =	vst v63  }
0x23f: {  	s0 =	sadd.s32 $0x730, s12;
	s31 =	simm.s32 $0x13420  }
0x240: {  	[tilespmem:s31], [sflag:$0x1] =	stream.indirect.gather [hbm4b:s5+s14], $0x20, s0, s14, $0xb8;
	[tilespmem:$0x19640] =	vst v63  }
0x241: {  	s15 =	sadd.s32 $0x780, s12;
	s0 =	simm.s32 $0x13E20  }
0x242: {  	[tilespmem:s0], [sflag:$0x1] =	stream.indirect.gather [hbm4b:s5+s14], $0x20, s15, s14, $0xb8;
	[tilespmem:$0x19640] =	vst v63  }
0x243: {  	_ =	swait.ge [sflag:s25], $0xA00  }
0x244: {  	[sflag:s25] =	ssyncset.done $0x0  }
0x245: {  	[sflag:s25] =	ssyncadd.s32 $0xFFFFF600  }
0x246: {  	_ =	swait.ge [sflag:s25], $0xA00  }
0x247: {  	[sflag:s25] =	ssyncset.done $0x0  }
0x248: {  	[sflag:s25] =	ssyncadd.s32 $0xFFFFF600  }
0x249: {  	_ =	swait.ge [sflag:s25], $0xA00  }
0x24a: {  	[sflag:s25] =	ssyncset.done $0x0  }
0x24b: {  	[sflag:s25] =	ssyncadd.s32 $0xFFFFF600  }
0x24c: {  	_ =	swait.ge [sflag:s25], $0xA00  }
0x24d: {  	[sflag:s25] =	ssyncset.done $0x0  }
0x24e: {  	[sflag:s25] =	ssyncadd.s32 $0xFFFFF600  }
0x24f: {  	_ =	swait.ge [sflag:s25], $0xA00  }
0x250: {  	[sflag:s25] =	ssyncset.done $0x0  }
0x251: {  	[sflag:s25] =	ssyncadd.s32 $0xFFFFF600  }
0x252: {  	_ =	swait.ge [sflag:s25], $0xA00  }
0x253: {  	[sflag:s25] =	ssyncset.done $0x0  }
0x254: {  	[sflag:s25] =	ssyncadd.s32 $0xFFFFF600  }
0x255: {  	_ =	swait.ge [sflag:s25], $0xA00  }
0x256: {  	[sflag:s25] =	ssyncset.done $0x0  }
0x257: {  	[sflag:s25] =	ssyncadd.s32 $0xFFFFF600  }
0x258: {  	_ =	swait.ge [sflag:s25], $0xA00  }
0x259: {  	[sflag:s25] =	ssyncset.done $0x0  }
0x25a: {  	[sflag:s25] =	ssyncadd.s32 $0xFFFFF600  }
0x25b: {  	_ =	swait.ge [sflag:s25], $0xA00  }
0x25c: {  	[sflag:s25] =	ssyncset.done $0x0  }
0x25d: {  	[sflag:s25] =	ssyncadd.s32 $0xFFFFF600  }
0x25e: {  	_ =	swait.ge [sflag:s25], $0xA00  }
0x25f: {  	[sflag:s25] =	ssyncset.done $0x0  }
0x260: {  	[sflag:s25] =	ssyncadd.s32 $0xFFFFF600  }
0x261: {  	_ =	swait.ge [sflag:s25], $0xA00  }
0x262: {  	[sflag:s25] =	ssyncset.done $0x0  }
0x263: {  	[sflag:s25] =	ssyncadd.s32 $0xFFFFF600  }
0x264: {  	_ =	swait.ge [sflag:s25], $0xA00  }
0x265: {  	[sflag:s25] =	ssyncset.done $0x0  }
0x266: {  	[sflag:s25] =	ssyncadd.s32 $0xFFFFF600  }
0x267: {  	_ =	swait.ge [sflag:s25], $0xA00  }
0x268: {  	[sflag:s25] =	ssyncset.done $0x0  }
0x269: {  	[sflag:s25] =	ssyncadd.s32 $0xFFFFF600  }
0x26a: {  	_ =	swait.ge [sflag:s25], $0xA00  }
0x26b: {  	[sflag:s25] =	ssyncset.done $0x0  }
0x26c: {  	[sflag:s25] =	ssyncadd.s32 $0xFFFFF600  }
0x26d: {  	_ =	swait.ge [sflag:s25], $0xA00  }
0x26e: {  	[sflag:s25] =	ssyncset.done $0x0  }
0x26f: {  	[sflag:s25] =	ssyncadd.s32 $0xFFFFF600  }
0x270: {  	_ =	swait.ge [sflag:s25], $0xA00  }
0x271: {  	[sflag:s25] =	ssyncset.done $0x0  }
0x272: {  	[sflag:s25] =	ssyncadd.s32 $0xFFFFF600  }
0x273: {  	_ =	swait.ge [sflag:s25], $0xA00  }
0x274: {  	[sflag:s25] =	ssyncset.done $0x0  }
0x275: {  	[sflag:s25] =	ssyncadd.s32 $0xFFFFF600  }
0x276: {  	_ =	swait.ge [sflag:s25], $0xA00  }
0x277: {  	[sflag:s25] =	ssyncset.done $0x0  }
0x278: {  	[sflag:s25] =	ssyncadd.s32 $0xFFFFF600  }
0x279: {  	_ =	swait.ge [sflag:s25], $0xA00  }
0x27a: {  	[sflag:s25] =	ssyncset.done $0x0  }
0x27b: {  	[sflag:s25] =	ssyncadd.s32 $0xFFFFF600  }
0x27c: {  	_ =	swait.ge [sflag:s25], $0xA00  }
0x27d: {  	[sflag:s25] =	ssyncset.done $0x0  }
0x27e: {  	[sflag:s25] =	ssyncadd.s32 $0xFFFFF600  }
0x27f: {  	_ =	swait.ge [sflag:s25], $0xA00  }
0x280: {  	[sflag:s25] =	ssyncset.done $0x0  }
0x281: {  	[sflag:s25] =	ssyncadd.s32 $0xFFFFF600  }
0x282: {  	_ =	swait.ge [sflag:s25], $0xA00  }
0x283: {  	[sflag:s25] =	ssyncset.done $0x0  }
0x284: {  	[sflag:s25] =	ssyncadd.s32 $0xFFFFF600  }
0x285: {  	_ =	swait.ge [sflag:s25], $0xA00  }
0x286: {  	[sflag:s25] =	ssyncset.done $0x0  }
0x287: {  	[sflag:s25] =	ssyncadd.s32 $0xFFFFF600  }
0x288: {  	_ =	swait.ge [sflag:s25], $0xA00  }
0x289: {  	[sflag:s25] =	ssyncset.done $0x0  }
0x28a: {  	[sflag:s25] =	ssyncadd.s32 $0xFFFFF600  }
0x28b: {  	_ =	swait.ge [sflag:s25], $0xA00  }
0x28c: {  	[sflag:s25] =	ssyncset.done $0x0  }
0x28d: {  	s15 =	sadd.s32 $0x2710, s12;
	[sflag:s25] =	ssyncadd.s32 $0xFFFFF600  }
0x28e: {  	[spmem:s2] =	stream.indirect.scatter.add.f32 [tilespmem:s16], [sflag:$0x2], $0x20, s15, s14, $0xb8;
	[tilespmem:$0x19640] =	vst v63  }
0x28f: {  	s16 =	sadd.s32 $0x2760, s12  }
0x290: {  	[spmem:s2] =	stream.indirect.scatter.add.f32 [tilespmem:s17], [sflag:$0x2], $0x20, s16, s14, $0xb8;
	[tilespmem:$0x19640] =	vst v63  }
0x291: {  	s16 =	sadd.s32 $0x27B0, s12  }
0x292: {  	[spmem:s2] =	stream.indirect.scatter.add.f32 [tilespmem:s18], [sflag:$0x2], $0x20, s16, s14, $0xb8;
	[tilespmem:$0x19640] =	vst v63  }
0x293: {  	s17 =	sadd.s32 $0x2800, s12  }
0x294: {  	[spmem:s2] =	stream.indirect.scatter.add.f32 [tilespmem:s19], [sflag:$0x2], $0x20, s17, s14, $0xb8;
	[tilespmem:$0x19640] =	vst v63  }
0x295: {  	s18 =	sadd.s32 $0x2850, s12  }
0x296: {  	[spmem:s2] =	stream.indirect.scatter.add.f32 [tilespmem:s20], [sflag:$0x2], $0x20, s18, s14, $0xb8;
	[tilespmem:$0x19640] =	vst v63  }
0x297: {  	s19 =	sadd.s32 $0x28A0, s12  }
0x298: {  	[spmem:s2] =	stream.indirect.scatter.add.f32 [tilespmem:s21], [sflag:$0x2], $0x20, s19, s14, $0xb8;
	[tilespmem:$0x19640] =	vst v63  }
0x299: {  	s20 =	sadd.s32 $0x28F0, s12  }
0x29a: {  	[spmem:s2] =	stream.indirect.scatter.add.f32 [tilespmem:s22], [sflag:$0x2], $0x20, s20, s14, $0xb8;
	[tilespmem:$0x19640] =	vst v63  }
0x29b: {  	s21 =	sadd.s32 $0x2940, s12  }
0x29c: {  	[spmem:s2] =	stream.indirect.scatter.add.f32 [tilespmem:s23], [sflag:$0x2], $0x20, s21, s14, $0xb8;
	[tilespmem:$0x19640] =	vst v63  }
0x29d: {  	s22 =	sadd.s32 $0x2990, s12  }
0x29e: {  	[spmem:s2] =	stream.indirect.scatter.add.f32 [tilespmem:s24], [sflag:$0x2], $0x20, s22, s14, $0xb8;
	[tilespmem:$0x19640] =	vst v63  }
0x29f: {  	s23 =	sadd.s32 $0x29E0, s12  }
0x2a0: {  	[spmem:s2] =	stream.indirect.scatter.add.f32 [tilespmem:s26], [sflag:$0x2], $0x20, s23, s14, $0xb8;
	[tilespmem:$0x19640] =	vst v63  }
0x2a1: {  	s24 =	sadd.s32 $0x2A30, s12  }
0x2a2: {  	[spmem:s2] =	stream.indirect.scatter.add.f32 [tilespmem:s28], [sflag:$0x2], $0x20, s24, s14, $0xb8;
	[tilespmem:$0x19640] =	vst v63  }
0x2a3: {  	s26 =	sadd.s32 $0x2A80, s12  }
0x2a4: {  	[spmem:s2] =	stream.indirect.scatter.add.f32 [tilespmem:s29], [sflag:$0x2], $0x20, s26, s14, $0xb8;
	[tilespmem:$0x19640] =	vst v63  }
0x2a5: {  	s28 =	sadd.s32 $0x2AD0, s12;
	s29 =	simm.s32 $0xC620  }
0x2a6: {  	[spmem:s2] =	stream.indirect.scatter.add.f32 [tilespmem:s29], [sflag:$0x2], $0x20, s28, s14, $0xb8;
	[tilespmem:$0x19640] =	vst v63  }
0x2a7: {  	s17 =	sadd.s32 $0x2B20, s12  }
0x2a8: {  	[spmem:s2] =	stream.indirect.scatter.add.f32 [tilespmem:s3], [sflag:$0x2], $0x20, s17, s14, $0xb8;
	[tilespmem:$0x19640] =	vst v63  }
0x2a9: {  	s18 =	sadd.s32 $0x2B70, s12  }
0x2aa: {  	[spmem:s2] =	stream.indirect.scatter.add.f32 [tilespmem:s1], [sflag:$0x2], $0x20, s18, s14, $0xb8;
	[tilespmem:$0x19640] =	vst v63  }
0x2ab: {  	s19 =	sadd.s32 $0x2BC0, s12  }
0x2ac: {  	[spmem:s2] =	stream.indirect.scatter.add.f32 [tilespmem:s13], [sflag:$0x2], $0x20, s19, s14, $0xb8;
	[tilespmem:$0x19640] =	vst v63  }
0x2ad: {  	s20 =	sadd.s32 $0x2C10, s12  }
0x2ae: {  	[spmem:s2] =	stream.indirect.scatter.add.f32 [tilespmem:s4], [sflag:$0x2], $0x20, s20, s14, $0xb8;
	[tilespmem:$0x19640] =	vst v63  }
0x2af: {  	s21 =	sadd.s32 $0x2C60, s12  }
0x2b0: {  	[spmem:s2] =	stream.indirect.scatter.add.f32 [tilespmem:s6], [sflag:$0x2], $0x20, s21, s14, $0xb8;
	[tilespmem:$0x19640] =	vst v63  }
0x2b1: {  	s22 =	sadd.s32 $0x2CB0, s12  }
0x2b2: {  	[spmem:s2] =	stream.indirect.scatter.add.f32 [tilespmem:s7], [sflag:$0x2], $0x20, s22, s14, $0xb8;
	[tilespmem:$0x19640] =	vst v63  }
0x2b3: {  	s23 =	sadd.s32 $0x2D00, s12  }
0x2b4: {  	[spmem:s2] =	stream.indirect.scatter.add.f32 [tilespmem:s8], [sflag:$0x2], $0x20, s23, s14, $0xb8;
	[tilespmem:$0x19640] =	vst v63  }
0x2b5: {  	s24 =	sadd.s32 $0x2D50, s12  }
0x2b6: {  	[spmem:s2] =	stream.indirect.scatter.add.f32 [tilespmem:s9], [sflag:$0x2], $0x20, s24, s14, $0xb8;
	[tilespmem:$0x19640] =	vst v63  }
0x2b7: {  	s26 =	sadd.s32 $0x2DA0, s12  }
0x2b8: {  	[spmem:s2] =	stream.indirect.scatter.add.f32 [tilespmem:s11], [sflag:$0x2], $0x20, s26, s14, $0xb8;
	[tilespmem:$0x19640] =	vst v63  }
0x2b9: {  	s28 =	sadd.s32 $0x2DF0, s12  }
0x2ba: {  	[spmem:s2] =	stream.indirect.scatter.add.f32 [tilespmem:s30], [sflag:$0x2], $0x20, s28, s14, $0xb8;
	[tilespmem:$0x19640] =	vst v63  }
0x2bb: {  	s29 =	sadd.s32 $0x2E40, s12  }
0x2bc: {  	[spmem:s2] =	stream.indirect.scatter.add.f32 [tilespmem:s31], [sflag:$0x2], $0x20, s29, s14, $0xb8;
	[tilespmem:$0x19640] =	vst v63  }
0x2bd: {  	s0 =	simm.s32 $0x13E20;
	s12 =	sadd.s32 $0x2E90, s12  }
0x2be: {  	[spmem:s2] =	stream.indirect.scatter.add.f32 [tilespmem:s0], [sflag:$0x2], $0x20, s12, s14, $0xb8;
	[tilespmem:$0x19640] =	vst v63  }
0x2bf: {  	_ =	swait.ge [sflag:s10], $0xA00  }
0x2c0: {  	[sflag:s10] =	ssyncset.done $0x0  }
0x2c1: {  	[sflag:s10] =	ssyncadd.s32 $0xFFFFF600  }
0x2c2: {  	_ =	swait.ge [sflag:s10], $0xA00  }
0x2c3: {  	[sflag:s10] =	ssyncset.done $0x0  }
0x2c4: {  	[sflag:s10] =	ssyncadd.s32 $0xFFFFF600  }
0x2c5: {  	_ =	swait.ge [sflag:s10], $0xA00  }
0x2c6: {  	[sflag:s10] =	ssyncset.done $0x0  }
0x2c7: {  	[sflag:s10] =	ssyncadd.s32 $0xFFFFF600  }
0x2c8: {  	_ =	swait.ge [sflag:s10], $0xA00  }
0x2c9: {  	[sflag:s10] =	ssyncset.done $0x0  }
0x2ca: {  	[sflag:s10] =	ssyncadd.s32 $0xFFFFF600  }
0x2cb: {  	_ =	swait.ge [sflag:s10], $0xA00  }
0x2cc: {  	[sflag:s10] =	ssyncset.done $0x0  }
0x2cd: {  	[sflag:s10] =	ssyncadd.s32 $0xFFFFF600  }
0x2ce: {  	_ =	swait.ge [sflag:s10], $0xA00  }
0x2cf: {  	[sflag:s10] =	ssyncset.done $0x0  }
0x2d0: {  	[sflag:s10] =	ssyncadd.s32 $0xFFFFF600  }
0x2d1: {  	_ =	swait.ge [sflag:s10], $0xA00  }
0x2d2: {  	[sflag:s10] =	ssyncset.done $0x0  }
0x2d3: {  	[sflag:s10] =	ssyncadd.s32 $0xFFFFF600  }
0x2d4: {  	_ =	swait.ge [sflag:s10], $0xA00  }
0x2d5: {  	[sflag:s10] =	ssyncset.done $0x0  }
0x2d6: {  	[sflag:s10] =	ssyncadd.s32 $0xFFFFF600  }
0x2d7: {  	_ =	swait.ge [sflag:s10], $0xA00  }
0x2d8: {  	[sflag:s10] =	ssyncset.done $0x0  }
0x2d9: {  	[sflag:s10] =	ssyncadd.s32 $0xFFFFF600  }
0x2da: {  	_ =	swait.ge [sflag:s10], $0xA00  }
0x2db: {  	[sflag:s10] =	ssyncset.done $0x0  }
0x2dc: {  	[sflag:s10] =	ssyncadd.s32 $0xFFFFF600  }
0x2dd: {  	_ =	swait.ge [sflag:s10], $0xA00  }
0x2de: {  	[sflag:s10] =	ssyncset.done $0x0  }
0x2df: {  	[sflag:s10] =	ssyncadd.s32 $0xFFFFF600  }
0x2e0: {  	_ =	swait.ge [sflag:s10], $0xA00  }
0x2e1: {  	[sflag:s10] =	ssyncset.done $0x0  }
0x2e2: {  	[sflag:s10] =	ssyncadd.s32 $0xFFFFF600  }
0x2e3: {  	_ =	swait.ge [sflag:s10], $0xA00  }
0x2e4: {  	[sflag:s10] =	ssyncset.done $0x0  }
0x2e5: {  	[sflag:s10] =	ssyncadd.s32 $0xFFFFF600  }
0x2e6: {  	_ =	swait.ge [sflag:s10], $0xA00  }
0x2e7: {  	[sflag:s10] =	ssyncset.done $0x0  }
0x2e8: {  	[sflag:s10] =	ssyncadd.s32 $0xFFFFF600  }
0x2e9: {  	_ =	swait.ge [sflag:s10], $0xA00  }
0x2ea: {  	[sflag:s10] =	ssyncset.done $0x0  }
0x2eb: {  	[sflag:s10] =	ssyncadd.s32 $0xFFFFF600  }
0x2ec: {  	_ =	swait.ge [sflag:s10], $0xA00  }
0x2ed: {  	[sflag:s10] =	ssyncset.done $0x0  }
0x2ee: {  	[sflag:s10] =	ssyncadd.s32 $0xFFFFF600  }
0x2ef: {  	_ =	swait.ge [sflag:s10], $0xA00  }
0x2f0: {  	[sflag:s10] =	ssyncset.done $0x0  }
0x2f1: {  	[sflag:s10] =	ssyncadd.s32 $0xFFFFF600  }
0x2f2: {  	_ =	swait.ge [sflag:s10], $0xA00  }
0x2f3: {  	[sflag:s10] =	ssyncset.done $0x0  }
0x2f4: {  	[sflag:s10] =	ssyncadd.s32 $0xFFFFF600  }
0x2f5: {  	_ =	swait.ge [sflag:s10], $0xA00  }
0x2f6: {  	[sflag:s10] =	ssyncset.done $0x0  }
0x2f7: {  	[sflag:s10] =	ssyncadd.s32 $0xFFFFF600  }
0x2f8: {  	_ =	swait.ge [sflag:s10], $0xA00  }
0x2f9: {  	[sflag:s10] =	ssyncset.done $0x0  }
0x2fa: {  	[sflag:s10] =	ssyncadd.s32 $0xFFFFF600  }
0x2fb: {  	_ =	swait.ge [sflag:s10], $0xA00  }
0x2fc: {  	[sflag:s10] =	ssyncset.done $0x0  }
0x2fd: {  	[sflag:s10] =	ssyncadd.s32 $0xFFFFF600  }
0x2fe: {  	_ =	swait.ge [sflag:s10], $0xA00  }
0x2ff: {  	[sflag:s10] =	ssyncset.done $0x0  }
0x300: {  	[sflag:s10] =	ssyncadd.s32 $0xFFFFF600  }
0x301: {  	_ =	swait.ge [sflag:s10], $0xA00  }
0x302: {  	[sflag:s10] =	ssyncset.done $0x0  }
0x303: {  	[sflag:s10] =	ssyncadd.s32 $0xFFFFF600  }
0x304: {  	_ =	swait.ge [sflag:s10], $0xA00  }
0x305: {  	[sflag:s10] =	ssyncset.done $0x0  }
0x306: {  	[sflag:s10] =	ssyncadd.s32 $0xFFFFF600  }
0x307: {  	_ =	swait.ge [sflag:s10], $0xA00  }
0x308: {  	[sflag:s10] =	ssyncset.done $0x0  }
0x309: {  	[sflag:s10] =	ssyncadd.s32 $0xFFFFF600  }
0x30a: {  	[bflag:$0x0] =	sbarrier.arrive $0xFFFF  }
0x30b: {  	s12 =	rddreg [dreg:$0x7]  }
0x30c: {  	s16 =	rddreg [dreg:$0x9]  }
0x30d: {  	s15 =	rddreg [dreg:$0xb]  }
0x30e: {  	[hbm:s12], [sflag:s16] =	dma.local @!p0 [spmem:s15], $0xFA0  }
0x30f: {  	s12 =	simm.s32 @!p0 $0x3  }
0x310: {  	_ =	swait.ge @!p0 [sflag:s12], $0xFA0  }
0x311: {  	s30 =	rddreg [dreg:$0xc]  }
0x312: {  	s31 =	rddreg [dreg:$0x8];
	s0 =	sadd.s32 $0x1, s30  }
0x313: {  	p1 =	sne.s32 s0, s31  }
.Ltmp1:
0x314: {  	_ = 	snop;
	(pc) =	sbr.rel @p1 .LBB2_1-.Ltmp1, $3  }
0x315: {  	_ =	sdelay $0x1  }
0x316: {  	[sflag:s12] =	ssyncset.done @!p0 $0x0  }
0x317: {  	[sflag:s12] =	ssyncadd.s32 @!p0 $0xFFFFF060  }
0x318: {  	_ =	sfence.sel $0x180000  }
0x319: {  	[bflag:$0x0] =	sbarrier.arrive $0xFFFF  }
0x31a: {  	_ =	strace $0x9000004A  }
0x31b: {  	s0 =	stileid.u32;
	[bflag:$0x2] =	sbarrier.arrive $0xFFFF  }
0x31c: {  	p0 =	sne.s32 s0, $0x0;
	s0 =	rddreg [dreg:$0x3]  }
0x31d: {  	s0 =	sadd.s32 @!p0 $0x100000, s0  }
0x31e: {  	[sflag:s0] =	ssyncadd.tile.s32 @!p0 $0x1;
	_ =	shalt  }
.Lfunc_end2:
_tile_overlayer_lowered:
.L_overlay_start_2:
0x31f: {  	(tag) =	ssettag $0x2  }
0x320: {  	s0 =	rddreg [dreg:$0x0];
	s2 =	stileid.u32  }
0x321: {  	s1 =	rddreg [dreg:$0x1];
	p0 =	sne.s32 s2, $0x0  }
0x322: {  	s3 =	rddreg [dreg:$0x2];
	[bflag:$0x3] =	sbarrier.arrive $0xFFFF;
	s2 =	simm.s32 @!p0 $0x1C03  }
0x323: {  	[timem:s3], [sflag:s2] =	dma.local @!p0 [hbm:s0], s1  }
0x324: {  	s0 =	simm.s32 @!p0 $0x3  }
0x325: {  	_ =	swait.ge @!p0 [sflag:s0], s1  }
0x326: {  	s1 =	ssub.s32 @!p0 $0x0, s1;
	[sflag:s0] =	ssyncset.done @!p0 $0x0  }
0x327: {  	[sflag:s0] =	ssyncadd.s32 @!p0 s1  }
0x328: {  	[bflag:$0x3] =	sbarrier.arrive $0xFFFF  }
0x329: {  	_ =	shalt  }

// kernel: kernel.14.cloned.1.call-start
scs
__scs_entry_jumppad:
0x0: {  	(pc) =	sbr.rel $0x88, $3  }
0x1: {  	(tag) =	ssettag $0x0;
	lr =	simm.s32 $0x1  }
0x2: {  	[smem:$0x3F9B] =	sst lr;
	_ =	strace $0xD0000000  }
0x3: {  	_ = 	snop  }
0x4: {  	_ = 	snop  }
0x5: {  	_ = 	snop  }
0x6: {  	_ = 	snop  }
0x7: {  	_ = 	snop  }
__scs_overlays_trampoline_lowered:
0x8: {  	[smem:$0x3FAA] =	sst s0  }
0x9: {  	[smem:$0x3FAB] =	sst s1  }
0xa: {  	[smem:$0x3FAC] =	sst s2  }
0xb: {  	[smem:$0x3FAD] =	sst s3  }
0xc: {  	[smem:$0x3FAE] =	sst s4  }
0xd: {  	[smem:$0x3FAF] =	sst s5  }
0xe: {  	[smem:$0x3FB0] =	sst s6  }
0xf: {  	[smem:$0x3FB1] =	sst s7  }
0x10: {  	[smem:$0x3FB2] =	sst s8  }
0x11: {  	[smem:$0x3FB3] =	sst s9;
	s0 =	simm.s32 @!p0 $0x0  }
0x12: {  	s1 =	sld [smem:$0x3F99];
	s0 =	simm.s32 @p0 $0x1  }
0x13: {  	[smem:$0x3FB4] =	sst s0;
	s0 =	simm.s32 @!p1 $0x0  }
0x14: {  	s2 =	sld [smem:$0x3F98];
	s0 =	simm.s32 @p1 $0x1  }
0x15: {  	[smem:$0x3FB5] =	sst s0;
	s0 =	simm.s32 @!p2 $0x0  }
0x16: {  	s3 =	sld [smem:$0x3FDB];
	s0 =	simm.s32 @p2 $0x1  }
0x17: {  	s4 =	simm.s32 $0x1BF5;
	[smem:$0x3FB7] =	sst s0  }
0x18: {  	s0 =	sld [smem:$0x3F9A];
	_ =	swait.ge [sflag:s4], $0x0  }
0x19: {  	s7 =	sld [smem:$0x3F9B]  }
0x1a: {  	s8 =	sadd.s32 $0xFFFFE003, lr  }
0x1b: {  	s9 =	sadd.s32 $0xFFFFFEF7, lr;
	s5 =	simm.s32 $0xFFFFFFFF;
	p2 =	slt.u32 s8, $0xFFFFF086  }
0x1c: {  	p1 =	slt.u32 s9, $0xF7A;
	s5 =	simm.s32 @!p2 $0x0  }
0x1d: {  	s5 =	simm.s32 @p1 $0x1;
	p0 =	seq.s32 s7, s2  }
0x1e: {  	s7 =	smul.u32 @!p0 $0xF7A, s2;
	p2 =	seq.s32 @!p0 s5, $0x0  }
0x1f: {  	s9 =	smul.u32 $0xF7A, s1;
	s8 =	simm.s32 @!p0 $0x1BF5;
	p2 =	por !p2, p0  }
0x20: {  	[sflag:s8] =	ssyncset.s32 @!p0 $0xFFFFF086;
	s6 =	sadd.s32 @!p0 s3, s7;
	s7 =	simm.s32 @!p0 $0x108  }
0x21: {  	s3 =	sadd.s32 s3, s9;
	s6 =	sadd.s32 @!p0 $0x88, s6;
	s7 =	simm.s32 @p2 $0x1082  }
0x22: {  	[simem:s7], [sflag:s8] =	dma.local @!p0 [hbm:s6], $0xF7A  }
0x23: {  	s9 =	sor.u32 $0xD0000000, s2;
	s6 =	simm.s32 $0x108;
	_ =	swait.ge @!p0 [sflag:s8], $0x0  }
0x24: {  	s3 =	sadd.s32 $0x88, s3;
	s6 =	simm.s32 @!p1 $0x1082;
	[sflag:s4] =	ssyncset.s32 $0xFFFFF086  }
0x25: {  	[simem:s6], [sflag:s4] =	dma.local [hbm:s3], $0xF7A  }
0x26: {  	[smem:$0x3F9B] =	sst s1;
	(tag) =	ssettag s2;
	_ =	strace s9  }
0x27: {  	s1 =	sld [smem:$0x3FAB]  }
0x28: {  	s2 =	sld [smem:$0x3FAC]  }
0x29: {  	s4 =	sld [smem:$0x3FAE]  }
0x2a: {  	p0 =	seq.s32 s5, $0x0;
	s5 =	sld [smem:$0x3FAF]  }
0x2b: {  	s6 =	sld [smem:$0x3FB0]  }
0x2c: {  	s7 =	sld [smem:$0x3FB1]  }
0x2d: {  	s3 =	simm.s32 $0x108;
	s8 =	sld [smem:$0x3FB2]  }
0x2e: {  	s3 =	simm.s32 @!p0 $0x1082;
	s9 =	sld [smem:$0x3FB3]  }
0x2f: {  	lr =	sadd.s32 s0, s3;
	s0 =	sld [smem:$0x3FAA]  }
0x30: {  	s3 =	sld [smem:$0x3FAD]  }
0x31: {  	[smem:$0x3FB6] =	sst s10  }
0x32: {  	s10 =	sld [smem:$0x3FB4];
	_ =	sdelay $0x3  }
0x33: {  	p0 =	seq.s32 s10, $0x1;
	s10 =	sld [smem:$0x3FB6];
	_ =	sdelay $0x3  }
0x34: {  	[smem:$0x3FB6] =	sst s10  }
0x35: {  	s10 =	sld [smem:$0x3FB5];
	_ =	sdelay $0x3  }
0x36: {  	p1 =	seq.s32 s10, $0x1;
	s10 =	sld [smem:$0x3FB6];
	_ =	sdelay $0x3  }
0x37: {  	[smem:$0x3FB6] =	sst s10  }
0x38: {  	s10 =	sld [smem:$0x3FB7]  }
0x39: {  	_ = 	snop;
	(pc) =	sbr.ind lr, $3  }
0x3a: {  	_ = 	snop  }
0x3b: {  	_ = 	snop  }
0x3c: {  	p2 =	seq.s32 s10, $0x1;
	s10 =	sld [smem:$0x3FB6]  }
0x3d: {  	_ =	shalt  }
0x3e: {  	_ =	shalt  }
0x3f: {  	_ =	shalt  }
0x40: {  	_ =	shalt  }
0x41: {  	_ =	shalt  }
0x42: {  	_ =	shalt  }
0x43: {  	_ =	shalt  }
0x44: {  	_ =	shalt  }
0x45: {  	_ =	shalt  }
0x46: {  	_ =	shalt  }
0x47: {  	_ =	shalt  }
0x48: {  	_ =	shalt  }
0x49: {  	_ =	shalt  }
0x4a: {  	_ =	shalt  }
0x4b: {  	_ =	shalt  }
0x4c: {  	_ =	shalt  }
0x4d: {  	_ =	shalt  }
0x4e: {  	_ =	shalt  }
0x4f: {  	_ =	shalt  }
0x50: {  	_ =	shalt  }
0x51: {  	_ =	shalt  }
0x52: {  	_ =	shalt  }
0x53: {  	_ =	shalt  }
0x54: {  	_ =	shalt  }
0x55: {  	_ =	shalt  }
0x56: {  	_ =	shalt  }
0x57: {  	_ =	shalt  }
0x58: {  	_ =	shalt  }
0x59: {  	_ =	shalt  }
0x5a: {  	_ =	shalt  }
0x5b: {  	_ =	shalt  }
0x5c: {  	_ =	shalt  }
0x5d: {  	_ =	shalt  }
0x5e: {  	_ =	shalt  }
0x5f: {  	_ =	shalt  }
0x60: {  	_ =	shalt  }
0x61: {  	_ =	shalt  }
0x62: {  	_ =	shalt  }
0x63: {  	_ =	shalt  }
0x64: {  	_ =	shalt  }
0x65: {  	_ =	shalt  }
0x66: {  	_ =	shalt  }
0x67: {  	_ =	shalt  }
0x68: {  	_ =	shalt  }
0x69: {  	_ =	shalt  }
0x6a: {  	_ =	shalt  }
0x6b: {  	_ =	shalt  }
0x6c: {  	_ =	shalt  }
0x6d: {  	_ =	shalt  }
0x6e: {  	_ =	shalt  }
0x6f: {  	_ =	shalt  }
0x70: {  	_ =	shalt  }
0x71: {  	_ =	shalt  }
0x72: {  	_ =	shalt  }
0x73: {  	_ =	shalt  }
0x74: {  	_ =	shalt  }
0x75: {  	_ =	shalt  }
0x76: {  	_ =	shalt  }
0x77: {  	_ =	shalt  }
0x78: {  	_ =	shalt  }
0x79: {  	_ =	shalt  }
0x7a: {  	_ =	shalt  }
0x7b: {  	_ =	shalt  }
0x7c: {  	_ =	shalt  }
0x7d: {  	_ =	shalt  }
0x7e: {  	_ =	shalt  }
0x7f: {  	_ =	shalt  }
0x80: {  	_ =	shalt  }
0x81: {  	_ =	shalt  }
0x82: {  	_ =	shalt  }
0x83: {  	_ =	shalt  }
0x84: {  	_ =	shalt  }
0x85: {  	_ =	shalt  }
0x86: {  	_ =	shalt  }
0x87: {  	_ =	shalt  }
.Lfunc_end0:
.L_simem_size_0:
called_computation.2_lowered:
.L_overlay_start_0:
0x88: {  	s2 =	sld [smem:$0x3FD9]  }
0x89: {  	s3 =	sld [smem:$0x3FFE];
	_ =	sdelay $0x1  }
0x8a: {  	s1 =	srdreg.scid  }
0x8b: {  	s0 =	sand.u32 $0x1, s1  }
0x8c: {  	s17 =	sshll.u32 s0, $0xA;
	s2 =	sadd.s32 s3, s2  }
0x8d: {  	s2 =	sadd.s32 s2, s17  }
0x8e: {  	[smem:$0x3FC2] =	sst s2  }
0x8f: {  	_ = 	snop  }
0x90: {  	s2 =	sld [smem:$0x3FD0];
	(tm) =	ssettm $0x1  }
0x91: {  	s18 =	sld [smem:$0x3FFB];
	_ =	sdelay $0x3  }
0x92: {  	_ =	strace s18  }
0x93: {  	s3 =	sld [smem:$0x3FFC];
	_ =	sdelay $0x3  }
0x94: {  	_ =	strace s3  }
0x95: {  	s3 =	sld [smem:$0x3FFD];
	_ =	sdelay $0x3  }
0x96: {  	_ =	strace s3  }
0x97: {  	_ =	strace $0x8FFFFFFF  }
0x98: {  	s19 =	sld [smem:$0x3FDB];
	_ =	sdelay $0x1  }
0x99: {  	s4 =	simm.s32 $_scs_section_size  }
0x9a: {  	s5 =	simm.s32 $_size__tile_overlayer_lowered;
	s6 =	simm.s32 $_tile_overlayer_lowered  }
0x9b: {  	s22 =	simm.s32 $0x1BFF;
	s21 =	sshll.u32 s6, $0x1;
	s3 =	sadd.s32 s4, s19  }
0x9c: {  	s7 =	simm.s32 $0x0;
	s20 =	sshll.u32 s5, $0x1;
	s5 =	sadd.s32 s21, s3  }
0x9d: {  	[timem:s7], [sflag:s22] =	dma.local [hbm:s5], s20  }
0x9e: {  	_ =	swait.ge [sflag:s22], s20  }
0x9f: {  	s4 =	ssub.s32 $0x0, s20;
	[sflag:s22] =	ssyncset.done $0x0  }
0xa0: {  	[sflag:s22] =	ssyncadd.s32 s4;
	_ =	sdelay $0x1  }
0xa1: {  	s23 =	simm.s32 $0x1B8B  }
0xa2: {  	_ =	swait.ge [sflag:s23], $0x1  }
0xa3: {  	[sflag:s23] =	ssyncset.done $0x0  }
0xa4: {  	s25 =	simm.s32 $0x1B8E;
	s24 =	sld [smem:$0x3FFE];
	[sflag:s23] =	ssyncadd.s32 $0xFFFFFFFF  }
0xa5: {  	s26 =	simm.s32 $execute0_lowered;
	[smem:$0x3FD2] =	sst s25  }
0xa6: {  	s5 =	sshll.u32 s26, $0x1;
	_ =	strace $0x8000004C;
	[dreg:$0x1] =	wrdreg $0xFFFFFFFF  }
0xa7: {  	s28 =	simm.s32 $_size_execute0_lowered;
	s3 =	sadd.s32 s3, s5;
	[dreg:$0x0] =	wrdreg $0x0  }
0xa8: {  	s5 =	sshll.u32 s28, $0x1;
	[dreg:$0x2] =	wrdreg s3  }
0xa9: {  	[dreg:$0x3] =	wrdreg s5  }
0xaa: {  	[dreg:$0x4] =	wrdreg $0xC0  }
0xab: {  	_ =	task [dreg:s7], $0x5FFFF  }
0xac: {  	[dreg:$0x1] =	wrdreg $0xFFFFFFFF  }
0xad: {  	[dreg:$0x0] =	wrdreg $0x60  }
0xae: {  	[dreg:$0x2] =	wrdreg s2  }
0xaf: {  	[dreg:$0x3] =	wrdreg s24  }
0xb0: {  	[dreg:$0x4] =	wrdreg $0xCB200  }
0xb1: {  	[dreg:$0x5] =	wrdreg $0x9  }
0xb2: {  	_ =	task.clear_ibuf [dreg:s7], $0x6FFFF;
	_ =	strace $0x9000004C  }
0xb3: {  	s29 =	simm.s32 $0x9;
	_ =	strace $0x8000004E  }
0xb4: {  	_ =	swait.ge [sflag:s29], $0x1  }
0xb5: {  	[sflag:s29] =	ssyncadd.s32 $0xFFFFFFFF  }
0xb6: {  	_ =	strace $0x9000004E  }
0xb7: {  	_ =	sfence  }
0xb8: {  	s30 =	sld [smem:$0x0];
	_ =	sdelay $0x2  }
0xb9: {  	s31 =	sshll.u32 s1, $0xD;
	s1 =	sshrl.u32 s1, $0x2  }
0xba: {  	s3 =	sand.u32 $0x4000, s31;
	s1 =	sadd.s32 s1, s30  }
0xbb: {  	s0 =	sor.u32 s3, s0;
	s1 =	sshll.u32 s1, $0x11  }
0xbc: {  	s0 =	sor.u32 s1, s0  }
0xbd: {  	s0 =	sadd.s32 $0x8F2B, s0  }
0xbe: {  	[sflag:s0] =	ssyncadd.remote.s32 $0x1  }
0xbf: {  	_ =	sfence.sel $0xFFFF  }
0xc0: {  	[dreg:$0x0] =	wrdreg $0xFFFFFFFF;
	(pc) =	sbr.abs _section_cstart, $3  }
0xc1: {  	[dreg:$0x1] =	wrdreg $0xFFFFFFFF  }
0xc2: {  	_ =	task.clear_ibuf [dreg:s7], $0x2FFFF;
	_ =	strace $0x9FFFFFFF  }
0xc3: {  	(tm) =	ssettm $0x7FFFFFFF  }
tec
execute0_lowered:
.L_overlay_start_1:
0x0: {  	(tag) =	ssettag $0x1  }
0x1: {  	s1 =	rddreg [dreg:$0x0]  }
0x2: {  	s0 =	srdreg.scid;
	s4 =	rddreg [dreg:$0x1]  }
0x3: {  	s9 =	stileid.u32;
	s3 =	rddreg [dreg:$0x2]  }
0x4: {  	s6 =	simm.s32 $0x0;
	s14 =	simm.s32 $0x50;
	s26 =	smul.u32 $0x3E80, s9  }
0x5: {  	s0 =	sand.u32 $0x1, s0;
	[smem:$0x7FF] =	sst s6;
	s7 =	smul.u32 $0xFA00, s9  }
0x6: {  	s8 =	sadd.s32 $0x15200, s4;
	p0 =	sgt.u32 s9, $0x9;
	s2 =	sshll.u32 s0, $0x4  }
0x7: {  	s5 =	smul.u32 $0x27100, s0;
	s0 =	ssub.s32 $0x2, s0;
	s2 =	sor.u32 s9, s2  }
0x8: {  	_ =	strace $0x8000004D;
	s28 =	sshrl.u32 s0, $0x1;
	s2 =	smul.u32 $0x4E2, s2  }
0x9: {  	[dreg:$0x5] =	wrdreg s8;
	s29 =	sshrl.u32 s7, $0x2;
	s0 =	ssub.s32 s0, s28  }
0xa: {  	s5 =	sadd.s32 s26, s5;
	s0 =	smax.u32 s0, $0x1;
	s2 =	sadd.s32 s2, s4  }
0xb: {  	s5 =	sshrl.u32 s5, $0x3;
	[dreg:$0x9] =	wrdreg s0;
	s30 =	sadd.s32 $0x1600, s2  }
0xc: {  	s4 =	sadd.s32 s5, s4;
	s2 =	sadd.s32 $0xB400, s2;
	[dreg:$0x6] =	wrdreg s30  }
0xd: {  	s5 =	sadd.s32 s29, s3;
	s31 =	sadd.s32 $0x15A00, s4;
	[dreg:$0x7] =	wrdreg s2  }
0xe: {  	s4 =	sadd.s32 s26, s3;
	s0 =	sshrl.u32 @!p0 s5, $0x3;
	[dreg:$0x8] =	wrdreg s31  }
0xf: {  	s2 =	sshll.u32 @!p0 s9, $0x6;
	[dreg:$0xb] =	wrdreg s0;
	s0 =	sshrl.u32 @!p0 s4, $0x3  }
0x10: {  	s25 =	simm.s32 $0x1;
	s16 =	sor.u32 @!p0 $0x1C03, s2;
	[dreg:$0xc] =	wrdreg s0  }
0x11: {  	s10 =	simm.s32 $0x2;
	s0 =	simm.s32 $0x0;
	[dreg:$0xa] =	wrdreg s16  }
.LBB2_1:
0x12: {  	[dreg:$0xd] =	wrdreg s0  }
0x13: {  	s12 =	rddreg [dreg:$0x5]  }
0x14: {  	s15 =	rddreg [dreg:$0xb]  }
0x15: {  	[spmem:s15], [sflag:s16] =	dma.local @!p0 [hbm:s12], $0x7D0  }
0x16: {  	s12 =	simm.s32 @!p0 $0x3  }
0x17: {  	_ =	swait.ge @!p0 [sflag:s12], $0x7D0  }
0x18: {  	s8 =	simm.s32 $0x0;
	[sflag:s12] =	ssyncset.done @!p0 $0x0  }
0x19: {  	s11 =	simm.s32 $0x3;
	s9 =	rddreg [dreg:$0x6];
	[sflag:s12] =	ssyncadd.s32 @!p0 $0xFFFFF830  }
0x1a: {  	[tilespmem:s8], [sflag:$0x3] =	stream.linear.gather [hbm4b:s9+s8], $0x2710, $0x38;
	[tilespmem:$0xF230] =	vst v63  }
0x1b: {  	_ =	swait.ge [sflag:s11], $0x2710  }
0x1c: {  	[sflag:s11] =	ssyncset.done $0x0  }
0x1d: {  	s17 =	simm.s32 $0x2710;
	s13 =	rddreg [dreg:$0x7];
	[sflag:s11] =	ssyncadd.s32 $0xFFFFD8F0  }
0x1e: {  	[tilespmem:s17], [sflag:$0x3] =	stream.linear.gather [hbm4b:s13+s8], $0x2710, $0x38;
	[tilespmem:$0xF230] =	vst v63  }
0x1f: {  	_ =	swait.ge [sflag:s11], $0x2710  }
0x20: {  	[sflag:s11] =	ssyncset.done $0x0  }
0x21: {  	[sflag:s11] =	ssyncadd.s32 $0xFFFFD8F0  }
0x22: {  	s16 =	simm.s32 $0x0;
	s15 =	simm.s32 $0x4E20;
	[bflag:$0x0] =	sbarrier.arrive $0xFFFF  }
0x23: {  	[tilespmem:s15], [sflag:$0x1] =	stream.indirect.gather [hbm4b:s1+s14], $0x10, s16, s14, $0xb8;
	[tilespmem:$0xF230] =	vst v63  }
0x24: {  	s17 =	simm.s32 $0x50;
	s16 =	simm.s32 $0x5320  }
0x25: {  	[tilespmem:s16], [sflag:$0x1] =	stream.indirect.gather [hbm4b:s1+s14], $0x10, s17, s14, $0xb8;
	[tilespmem:$0xF230] =	vst v63  }
0x26: {  	s18 =	simm.s32 $0xA0;
	s17 =	simm.s32 $0x5820  }
0x27: {  	[tilespmem:s17], [sflag:$0x1] =	stream.indirect.gather [hbm4b:s1+s14], $0x10, s18, s14, $0xb8;
	[tilespmem:$0xF230] =	vst v63  }
0x28: {  	s19 =	simm.s32 $0xF0;
	s18 =	simm.s32 $0x5D20  }
0x29: {  	[tilespmem:s18], [sflag:$0x1] =	stream.indirect.gather [hbm4b:s1+s14], $0x10, s19, s14, $0xb8;
	[tilespmem:$0xF230] =	vst v63  }
0x2a: {  	s20 =	simm.s32 $0x140;
	s19 =	simm.s32 $0x6220  }
0x2b: {  	[tilespmem:s19], [sflag:$0x1] =	stream.indirect.gather [hbm4b:s1+s14], $0x10, s20, s14, $0xb8;
	[tilespmem:$0xF230] =	vst v63  }
0x2c: {  	s21 =	simm.s32 $0x190;
	s20 =	simm.s32 $0x6720  }
0x2d: {  	[tilespmem:s20], [sflag:$0x1] =	stream.indirect.gather [hbm4b:s1+s14], $0x10, s21, s14, $0xb8;
	[tilespmem:$0xF230] =	vst v63  }
0x2e: {  	s22 =	simm.s32 $0x1E0;
	s21 =	simm.s32 $0x6C20  }
0x2f: {  	[tilespmem:s21], [sflag:$0x1] =	stream.indirect.gather [hbm4b:s1+s14], $0x10, s22, s14, $0xb8;
	[tilespmem:$0xF230] =	vst v63  }
0x30: {  	s23 =	simm.s32 $0x230;
	s22 =	simm.s32 $0x7120  }
0x31: {  	[tilespmem:s22], [sflag:$0x1] =	stream.indirect.gather [hbm4b:s1+s14], $0x10, s23, s14, $0xb8;
	[tilespmem:$0xF230] =	vst v63  }
0x32: {  	s24 =	simm.s32 $0x280;
	s23 =	simm.s32 $0x7620  }
0x33: {  	[tilespmem:s23], [sflag:$0x1] =	stream.indirect.gather [hbm4b:s1+s14], $0x10, s24, s14, $0xb8;
	[tilespmem:$0xF230] =	vst v63  }
0x34: {  	s26 =	simm.s32 $0x2D0;
	s24 =	simm.s32 $0x7B20  }
0x35: {  	[tilespmem:s24], [sflag:$0x1] =	stream.indirect.gather [hbm4b:s1+s14], $0x10, s26, s14, $0xb8;
	[tilespmem:$0xF230] =	vst v63  }
0x36: {  	s28 =	simm.s32 $0x320;
	s26 =	simm.s32 $0x8020  }
0x37: {  	[tilespmem:s26], [sflag:$0x1] =	stream.indirect.gather [hbm4b:s1+s14], $0x10, s28, s14, $0xb8;
	[tilespmem:$0xF230] =	vst v63  }
0x38: {  	s29 =	simm.s32 $0x370;
	s28 =	simm.s32 $0x8520  }
0x39: {  	[tilespmem:s28], [sflag:$0x1] =	stream.indirect.gather [hbm4b:s1+s14], $0x10, s29, s14, $0xb8;
	[tilespmem:$0xF230] =	vst v63  }
0x3a: {  	s30 =	simm.s32 $0x3C0;
	s2 =	simm.s32 $0x8A20  }
0x3b: {  	[tilespmem:s2], [sflag:$0x1] =	stream.indirect.gather [hbm4b:s1+s14], $0x10, s30, s14, $0xb8;
	[tilespmem:$0xF230] =	vst v63  }
0x3c: {  	s31 =	simm.s32 $0x410;
	s0 =	simm.s32 $0x8F20  }
0x3d: {  	[tilespmem:s0], [sflag:$0x1] =	stream.indirect.gather [hbm4b:s1+s14], $0x10, s31, s14, $0xb8;
	[tilespmem:$0xF230] =	vst v63  }
0x3e: {  	s4 =	simm.s32 $0x460;
	s13 =	simm.s32 $0x9420  }
0x3f: {  	[tilespmem:s13], [sflag:$0x1] =	stream.indirect.gather [hbm4b:s1+s14], $0x10, s4, s14, $0xb8;
	[tilespmem:$0xF230] =	vst v63  }
0x40: {  	s5 =	simm.s32 $0x4B0;
	s4 =	simm.s32 $0x9920  }
0x41: {  	[tilespmem:s4], [sflag:$0x1] =	stream.indirect.gather [hbm4b:s1+s14], $0x10, s5, s14, $0xb8;
	[tilespmem:$0xF230] =	vst v63  }
0x42: {  	s6 =	simm.s32 $0x500;
	s5 =	simm.s32 $0x9E20  }
0x43: {  	[tilespmem:s5], [sflag:$0x1] =	stream.indirect.gather [hbm4b:s1+s14], $0x10, s6, s14, $0xb8;
	[tilespmem:$0xF230] =	vst v63  }
0x44: {  	s7 =	simm.s32 $0x550;
	s6 =	simm.s32 $0xA320  }
0x45: {  	[tilespmem:s6], [sflag:$0x1] =	stream.indirect.gather [hbm4b:s1+s14], $0x10, s7, s14, $0xb8;
	[tilespmem:$0xF230] =	vst v63  }
0x46: {  	s8 =	simm.s32 $0x5A0;
	s7 =	simm.s32 $0xA820  }
0x47: {  	[tilespmem:s7], [sflag:$0x1] =	stream.indirect.gather [hbm4b:s1+s14], $0x10, s8, s14, $0xb8;
	[tilespmem:$0xF230] =	vst v63  }
0x48: {  	s9 =	simm.s32 $0x5F0;
	s8 =	simm.s32 $0xAD20  }
0x49: {  	[tilespmem:s8], [sflag:$0x1] =	stream.indirect.gather [hbm4b:s1+s14], $0x10, s9, s14, $0xb8;
	[tilespmem:$0xF230] =	vst v63  }
0x4a: {  	s11 =	simm.s32 $0x640;
	s9 =	simm.s32 $0xB220  }
0x4b: {  	[tilespmem:s9], [sflag:$0x1] =	stream.indirect.gather [hbm4b:s1+s14], $0x10, s11, s14, $0xb8;
	[tilespmem:$0xF230] =	vst v63  }
0x4c: {  	s29 =	simm.s32 $0x690;
	s11 =	simm.s32 $0xB720  }
0x4d: {  	[tilespmem:s11], [sflag:$0x1] =	stream.indirect.gather [hbm4b:s1+s14], $0x10, s29, s14, $0xb8;
	[tilespmem:$0xF230] =	vst v63  }
0x4e: {  	s30 =	simm.s32 $0x6E0;
	s29 =	simm.s32 $0xBC20  }
0x4f: {  	[tilespmem:s29], [sflag:$0x1] =	stream.indirect.gather [hbm4b:s1+s14], $0x10, s30, s14, $0xb8;
	[tilespmem:$0xF230] =	vst v63  }
0x50: {  	s31 =	simm.s32 $0x730;
	s30 =	simm.s32 $0xC120  }
0x51: {  	[tilespmem:s30], [sflag:$0x1] =	stream.indirect.gather [hbm4b:s1+s14], $0x10, s31, s14, $0xb8;
	[tilespmem:$0xF230] =	vst v63  }
0x52: {  	s12 =	simm.s32 $0x780;
	s31 =	simm.s32 $0xC620  }
0x53: {  	[tilespmem:s31], [sflag:$0x1] =	stream.indirect.gather [hbm4b:s1+s14], $0x10, s12, s14, $0xb8;
	[tilespmem:$0xF230] =	vst v63  }
0x54: {  	_ =	swait.ge [sflag:s25], $0x500  }
0x55: {  	[sflag:s25] =	ssyncset.done $0x0  }
0x56: {  	[sflag:s25] =	ssyncadd.s32 $0xFFFFFB00  }
0x57: {  	_ =	swait.ge [sflag:s25], $0x500  }
0x58: {  	[sflag:s25] =	ssyncset.done $0x0  }
0x59: {  	[sflag:s25] =	ssyncadd.s32 $0xFFFFFB00  }
0x5a: {  	_ =	swait.ge [sflag:s25], $0x500  }
0x5b: {  	[sflag:s25] =	ssyncset.done $0x0  }
0x5c: {  	[sflag:s25] =	ssyncadd.s32 $0xFFFFFB00  }
0x5d: {  	_ =	swait.ge [sflag:s25], $0x500  }
0x5e: {  	[sflag:s25] =	ssyncset.done $0x0  }
0x5f: {  	[sflag:s25] =	ssyncadd.s32 $0xFFFFFB00  }
0x60: {  	_ =	swait.ge [sflag:s25], $0x500  }
0x61: {  	[sflag:s25] =	ssyncset.done $0x0  }
0x62: {  	[sflag:s25] =	ssyncadd.s32 $0xFFFFFB00  }
0x63: {  	_ =	swait.ge [sflag:s25], $0x500  }
0x64: {  	[sflag:s25] =	ssyncset.done $0x0  }
0x65: {  	[sflag:s25] =	ssyncadd.s32 $0xFFFFFB00  }
0x66: {  	_ =	swait.ge [sflag:s25], $0x500  }
0x67: {  	[sflag:s25] =	ssyncset.done $0x0  }
0x68: {  	[sflag:s25] =	ssyncadd.s32 $0xFFFFFB00  }
0x69: {  	_ =	swait.ge [sflag:s25], $0x500  }
0x6a: {  	[sflag:s25] =	ssyncset.done $0x0  }
0x6b: {  	[sflag:s25] =	ssyncadd.s32 $0xFFFFFB00  }
0x6c: {  	_ =	swait.ge [sflag:s25], $0x500  }
0x6d: {  	[sflag:s25] =	ssyncset.done $0x0  }
0x6e: {  	[sflag:s25] =	ssyncadd.s32 $0xFFFFFB00  }
0x6f: {  	_ =	swait.ge [sflag:s25], $0x500  }
0x70: {  	[sflag:s25] =	ssyncset.done $0x0  }
0x71: {  	[sflag:s25] =	ssyncadd.s32 $0xFFFFFB00  }
0x72: {  	_ =	swait.ge [sflag:s25], $0x500  }
0x73: {  	[sflag:s25] =	ssyncset.done $0x0  }
0x74: {  	[sflag:s25] =	ssyncadd.s32 $0xFFFFFB00  }
0x75: {  	_ =	swait.ge [sflag:s25], $0x500  }
0x76: {  	[sflag:s25] =	ssyncset.done $0x0  }
0x77: {  	[sflag:s25] =	ssyncadd.s32 $0xFFFFFB00  }
0x78: {  	_ =	swait.ge [sflag:s25], $0x500  }
0x79: {  	[sflag:s25] =	ssyncset.done $0x0  }
0x7a: {  	[sflag:s25] =	ssyncadd.s32 $0xFFFFFB00  }
0x7b: {  	_ =	swait.ge [sflag:s25], $0x500  }
0x7c: {  	[sflag:s25] =	ssyncset.done $0x0  }
0x7d: {  	[sflag:s25] =	ssyncadd.s32 $0xFFFFFB00  }
0x7e: {  	_ =	swait.ge [sflag:s25], $0x500  }
0x7f: {  	[sflag:s25] =	ssyncset.done $0x0  }
0x80: {  	[sflag:s25] =	ssyncadd.s32 $0xFFFFFB00  }
0x81: {  	_ =	swait.ge [sflag:s25], $0x500  }
0x82: {  	[sflag:s25] =	ssyncset.done $0x0  }
0x83: {  	[sflag:s25] =	ssyncadd.s32 $0xFFFFFB00  }
0x84: {  	_ =	swait.ge [sflag:s25], $0x500  }
0x85: {  	[sflag:s25] =	ssyncset.done $0x0  }
0x86: {  	[sflag:s25] =	ssyncadd.s32 $0xFFFFFB00  }
0x87: {  	_ =	swait.ge [sflag:s25], $0x500  }
0x88: {  	[sflag:s25] =	ssyncset.done $0x0  }
0x89: {  	[sflag:s25] =	ssyncadd.s32 $0xFFFFFB00  }
0x8a: {  	_ =	swait.ge [sflag:s25], $0x500  }
0x8b: {  	[sflag:s25] =	ssyncset.done $0x0  }
0x8c: {  	[sflag:s25] =	ssyncadd.s32 $0xFFFFFB00  }
0x8d: {  	_ =	swait.ge [sflag:s25], $0x500  }
0x8e: {  	[sflag:s25] =	ssyncset.done $0x0  }
0x8f: {  	[sflag:s25] =	ssyncadd.s32 $0xFFFFFB00  }
0x90: {  	_ =	swait.ge [sflag:s25], $0x500  }
0x91: {  	[sflag:s25] =	ssyncset.done $0x0  }
0x92: {  	[sflag:s25] =	ssyncadd.s32 $0xFFFFFB00  }
0x93: {  	_ =	swait.ge [sflag:s25], $0x500  }
0x94: {  	[sflag:s25] =	ssyncset.done $0x0  }
0x95: {  	[sflag:s25] =	ssyncadd.s32 $0xFFFFFB00  }
0x96: {  	_ =	swait.ge [sflag:s25], $0x500  }
0x97: {  	[sflag:s25] =	ssyncset.done $0x0  }
0x98: {  	[sflag:s25] =	ssyncadd.s32 $0xFFFFFB00  }
0x99: {  	_ =	swait.ge [sflag:s25], $0x500  }
0x9a: {  	[sflag:s25] =	ssyncset.done $0x0  }
0x9b: {  	[sflag:s25] =	ssyncadd.s32 $0xFFFFFB00  }
0x9c: {  	_ =	swait.ge [sflag:s25], $0x500  }
0x9d: {  	[sflag:s25] =	ssyncset.done $0x0  }
0x9e: {  	s12 =	simm.s32 $0x2710;
	[sflag:s25] =	ssyncadd.s32 $0xFFFFFB00  }
0x9f: {  	[spmem:s3] =	stream.indirect.scatter.add.f32 [tilespmem:s15], [sflag:$0x2], $0x10, s12, s14, $0xb8;
	[tilespmem:$0xF230] =	vst v63  }
0xa0: {  	s15 =	simm.s32 $0x2760  }
0xa1: {  	[spmem:s3] =	stream.indirect.scatter.add.f32 [tilespmem:s16], [sflag:$0x2], $0x10, s15, s14, $0xb8;
	[tilespmem:$0xF230] =	vst v63  }
0xa2: {  	s16 =	simm.s32 $0x27B0  }
0xa3: {  	[spmem:s3] =	stream.indirect.scatter.add.f32 [tilespmem:s17], [sflag:$0x2], $0x10, s16, s14, $0xb8;
	[tilespmem:$0xF230] =	vst v63  }
0xa4: {  	s17 =	simm.s32 $0x2800  }
0xa5: {  	[spmem:s3] =	stream.indirect.scatter.add.f32 [tilespmem:s18], [sflag:$0x2], $0x10, s17, s14, $0xb8;
	[tilespmem:$0xF230] =	vst v63  }
0xa6: {  	s18 =	simm.s32 $0x2850  }
0xa7: {  	[spmem:s3] =	stream.indirect.scatter.add.f32 [tilespmem:s19], [sflag:$0x2], $0x10, s18, s14, $0xb8;
	[tilespmem:$0xF230] =	vst v63  }
0xa8: {  	s19 =	simm.s32 $0x28A0  }
0xa9: {  	[spmem:s3] =	stream.indirect.scatter.add.f32 [tilespmem:s20], [sflag:$0x2], $0x10, s19, s14, $0xb8;
	[tilespmem:$0xF230] =	vst v63  }
0xaa: {  	s20 =	simm.s32 $0x28F0  }
0xab: {  	[spmem:s3] =	stream.indirect.scatter.add.f32 [tilespmem:s21], [sflag:$0x2], $0x10, s20, s14, $0xb8;
	[tilespmem:$0xF230] =	vst v63  }
0xac: {  	s21 =	simm.s32 $0x2940  }
0xad: {  	[spmem:s3] =	stream.indirect.scatter.add.f32 [tilespmem:s22], [sflag:$0x2], $0x10, s21, s14, $0xb8;
	[tilespmem:$0xF230] =	vst v63  }
0xae: {  	s22 =	simm.s32 $0x2990  }
0xaf: {  	[spmem:s3] =	stream.indirect.scatter.add.f32 [tilespmem:s23], [sflag:$0x2], $0x10, s22, s14, $0xb8;
	[tilespmem:$0xF230] =	vst v63  }
0xb0: {  	s23 =	simm.s32 $0x29E0  }
0xb1: {  	[spmem:s3] =	stream.indirect.scatter.add.f32 [tilespmem:s24], [sflag:$0x2], $0x10, s23, s14, $0xb8;
	[tilespmem:$0xF230] =	vst v63  }
0xb2: {  	s24 =	simm.s32 $0x2A30  }
0xb3: {  	[spmem:s3] =	stream.indirect.scatter.add.f32 [tilespmem:s26], [sflag:$0x2], $0x10, s24, s14, $0xb8;
	[tilespmem:$0xF230] =	vst v63  }
0xb4: {  	s15 =	simm.s32 $0x2A80  }
0xb5: {  	[spmem:s3] =	stream.indirect.scatter.add.f32 [tilespmem:s28], [sflag:$0x2], $0x10, s15, s14, $0xb8;
	[tilespmem:$0xF230] =	vst v63  }
0xb6: {  	s16 =	simm.s32 $0x2AD0  }
0xb7: {  	[spmem:s3] =	stream.indirect.scatter.add.f32 [tilespmem:s2], [sflag:$0x2], $0x10, s16, s14, $0xb8;
	[tilespmem:$0xF230] =	vst v63  }
0xb8: {  	s17 =	simm.s32 $0x2B20  }
0xb9: {  	[spmem:s3] =	stream.indirect.scatter.add.f32 [tilespmem:s0], [sflag:$0x2], $0x10, s17, s14, $0xb8;
	[tilespmem:$0xF230] =	vst v63  }
0xba: {  	s18 =	simm.s32 $0x2B70  }
0xbb: {  	[spmem:s3] =	stream.indirect.scatter.add.f32 [tilespmem:s13], [sflag:$0x2], $0x10, s18, s14, $0xb8;
	[tilespmem:$0xF230] =	vst v63  }
0xbc: {  	s19 =	simm.s32 $0x2BC0  }
0xbd: {  	[spmem:s3] =	stream.indirect.scatter.add.f32 [tilespmem:s4], [sflag:$0x2], $0x10, s19, s14, $0xb8;
	[tilespmem:$0xF230] =	vst v63  }
0xbe: {  	s20 =	simm.s32 $0x2C10  }
0xbf: {  	[spmem:s3] =	stream.indirect.scatter.add.f32 [tilespmem:s5], [sflag:$0x2], $0x10, s20, s14, $0xb8;
	[tilespmem:$0xF230] =	vst v63  }
0xc0: {  	s21 =	simm.s32 $0x2C60  }
0xc1: {  	[spmem:s3] =	stream.indirect.scatter.add.f32 [tilespmem:s6], [sflag:$0x2], $0x10, s21, s14, $0xb8;
	[tilespmem:$0xF230] =	vst v63  }
0xc2: {  	s22 =	simm.s32 $0x2CB0  }
0xc3: {  	[spmem:s3] =	stream.indirect.scatter.add.f32 [tilespmem:s7], [sflag:$0x2], $0x10, s22, s14, $0xb8;
	[tilespmem:$0xF230] =	vst v63  }
0xc4: {  	s23 =	simm.s32 $0x2D00  }
0xc5: {  	[spmem:s3] =	stream.indirect.scatter.add.f32 [tilespmem:s8], [sflag:$0x2], $0x10, s23, s14, $0xb8;
	[tilespmem:$0xF230] =	vst v63  }
0xc6: {  	s24 =	simm.s32 $0x2D50  }
0xc7: {  	[spmem:s3] =	stream.indirect.scatter.add.f32 [tilespmem:s9], [sflag:$0x2], $0x10, s24, s14, $0xb8;
	[tilespmem:$0xF230] =	vst v63  }
0xc8: {  	s26 =	simm.s32 $0x2DA0  }
0xc9: {  	[spmem:s3] =	stream.indirect.scatter.add.f32 [tilespmem:s11], [sflag:$0x2], $0x10, s26, s14, $0xb8;
	[tilespmem:$0xF230] =	vst v63  }
0xca: {  	s28 =	simm.s32 $0x2DF0  }
0xcb: {  	[spmem:s3] =	stream.indirect.scatter.add.f32 [tilespmem:s29], [sflag:$0x2], $0x10, s28, s14, $0xb8;
	[tilespmem:$0xF230] =	vst v63  }
0xcc: {  	s29 =	simm.s32 $0x2E40  }
0xcd: {  	[spmem:s3] =	stream.indirect.scatter.add.f32 [tilespmem:s30], [sflag:$0x2], $0x10, s29, s14, $0xb8;
	[tilespmem:$0xF230] =	vst v63  }
0xce: {  	s30 =	simm.s32 $0x2E90  }
0xcf: {  	[spmem:s3] =	stream.indirect.scatter.add.f32 [tilespmem:s31], [sflag:$0x2], $0x10, s30, s14, $0xb8;
	[tilespmem:$0xF230] =	vst v63  }
0xd0: {  	_ =	swait.ge [sflag:s10], $0x500  }
0xd1: {  	[sflag:s10] =	ssyncset.done $0x0  }
0xd2: {  	[sflag:s10] =	ssyncadd.s32 $0xFFFFFB00  }
0xd3: {  	_ =	swait.ge [sflag:s10], $0x500  }
0xd4: {  	[sflag:s10] =	ssyncset.done $0x0  }
0xd5: {  	[sflag:s10] =	ssyncadd.s32 $0xFFFFFB00  }
0xd6: {  	_ =	swait.ge [sflag:s10], $0x500  }
0xd7: {  	[sflag:s10] =	ssyncset.done $0x0  }
0xd8: {  	[sflag:s10] =	ssyncadd.s32 $0xFFFFFB00  }
0xd9: {  	_ =	swait.ge [sflag:s10], $0x500  }
0xda: {  	[sflag:s10] =	ssyncset.done $0x0  }
0xdb: {  	[sflag:s10] =	ssyncadd.s32 $0xFFFFFB00  }
0xdc: {  	_ =	swait.ge [sflag:s10], $0x500  }
0xdd: {  	[sflag:s10] =	ssyncset.done $0x0  }
0xde: {  	[sflag:s10] =	ssyncadd.s32 $0xFFFFFB00  }
0xdf: {  	_ =	swait.ge [sflag:s10], $0x500  }
0xe0: {  	[sflag:s10] =	ssyncset.done $0x0  }
0xe1: {  	[sflag:s10] =	ssyncadd.s32 $0xFFFFFB00  }
0xe2: {  	_ =	swait.ge [sflag:s10], $0x500  }
0xe3: {  	[sflag:s10] =	ssyncset.done $0x0  }
0xe4: {  	[sflag:s10] =	ssyncadd.s32 $0xFFFFFB00  }
0xe5: {  	_ =	swait.ge [sflag:s10], $0x500  }
0xe6: {  	[sflag:s10] =	ssyncset.done $0x0  }
0xe7: {  	[sflag:s10] =	ssyncadd.s32 $0xFFFFFB00  }
0xe8: {  	_ =	swait.ge [sflag:s10], $0x500  }
0xe9: {  	[sflag:s10] =	ssyncset.done $0x0  }
0xea: {  	[sflag:s10] =	ssyncadd.s32 $0xFFFFFB00  }
0xeb: {  	_ =	swait.ge [sflag:s10], $0x500  }
0xec: {  	[sflag:s10] =	ssyncset.done $0x0  }
0xed: {  	[sflag:s10] =	ssyncadd.s32 $0xFFFFFB00  }
0xee: {  	_ =	swait.ge [sflag:s10], $0x500  }
0xef: {  	[sflag:s10] =	ssyncset.done $0x0  }
0xf0: {  	[sflag:s10] =	ssyncadd.s32 $0xFFFFFB00  }
0xf1: {  	_ =	swait.ge [sflag:s10], $0x500  }
0xf2: {  	[sflag:s10] =	ssyncset.done $0x0  }
0xf3: {  	[sflag:s10] =	ssyncadd.s32 $0xFFFFFB00  }
0xf4: {  	_ =	swait.ge [sflag:s10], $0x500  }
0xf5: {  	[sflag:s10] =	ssyncset.done $0x0  }
0xf6: {  	[sflag:s10] =	ssyncadd.s32 $0xFFFFFB00  }
0xf7: {  	_ =	swait.ge [sflag:s10], $0x500  }
0xf8: {  	[sflag:s10] =	ssyncset.done $0x0  }
0xf9: {  	[sflag:s10] =	ssyncadd.s32 $0xFFFFFB00  }
0xfa: {  	_ =	swait.ge [sflag:s10], $0x500  }
0xfb: {  	[sflag:s10] =	ssyncset.done $0x0  }
0xfc: {  	[sflag:s10] =	ssyncadd.s32 $0xFFFFFB00  }
0xfd: {  	_ =	swait.ge [sflag:s10], $0x500  }
0xfe: {  	[sflag:s10] =	ssyncset.done $0x0  }
0xff: {  	[sflag:s10] =	ssyncadd.s32 $0xFFFFFB00  }
0x100: {  	_ =	swait.ge [sflag:s10], $0x500  }
0x101: {  	[sflag:s10] =	ssyncset.done $0x0  }
0x102: {  	[sflag:s10] =	ssyncadd.s32 $0xFFFFFB00  }
0x103: {  	_ =	swait.ge [sflag:s10], $0x500  }
0x104: {  	[sflag:s10] =	ssyncset.done $0x0  }
0x105: {  	[sflag:s10] =	ssyncadd.s32 $0xFFFFFB00  }
0x106: {  	_ =	swait.ge [sflag:s10], $0x500  }
0x107: {  	[sflag:s10] =	ssyncset.done $0x0  }
0x108: {  	[sflag:s10] =	ssyncadd.s32 $0xFFFFFB00  }
0x109: {  	_ =	swait.ge [sflag:s10], $0x500  }
0x10a: {  	[sflag:s10] =	ssyncset.done $0x0  }
0x10b: {  	[sflag:s10] =	ssyncadd.s32 $0xFFFFFB00  }
0x10c: {  	_ =	swait.ge [sflag:s10], $0x500  }
0x10d: {  	[sflag:s10] =	ssyncset.done $0x0  }
0x10e: {  	[sflag:s10] =	ssyncadd.s32 $0xFFFFFB00  }
0x10f: {  	_ =	swait.ge [sflag:s10], $0x500  }
0x110: {  	[sflag:s10] =	ssyncset.done $0x0  }
0x111: {  	[sflag:s10] =	ssyncadd.s32 $0xFFFFFB00  }
0x112: {  	_ =	swait.ge [sflag:s10], $0x500  }
0x113: {  	[sflag:s10] =	ssyncset.done $0x0  }
0x114: {  	[sflag:s10] =	ssyncadd.s32 $0xFFFFFB00  }
0x115: {  	_ =	swait.ge [sflag:s10], $0x500  }
0x116: {  	[sflag:s10] =	ssyncset.done $0x0  }
0x117: {  	[sflag:s10] =	ssyncadd.s32 $0xFFFFFB00  }
0x118: {  	_ =	swait.ge [sflag:s10], $0x500  }
0x119: {  	s12 =	simm.s32 $0x1F40;
	s15 =	simm.s32 $0x3E80;
	[sflag:s10] =	ssyncset.done $0x0  }
.LBB2_2:
0x11a: {  	s16 =	sshra.s32 s12, $0x2;
	[sflag:s10] =	ssyncadd.s32 $0xFFFFFB00;
	s29 =	simm.s32 $0x4E20  }
0x11b: {  	[tilespmem:s29], [sflag:$0x1] =	stream.indirect.gather [hbm4b:s1+s14], $0x10, s16, s14, $0xb8;
	[tilespmem:$0xF230] =	vst v63  }
0x11c: {  	s19 =	simm.s32 $0x5320;
	s30 =	sadd.s32 $0x50, s16  }
0x11d: {  	[tilespmem:s19], [sflag:$0x1] =	stream.indirect.gather [hbm4b:s1+s14], $0x10, s30, s14, $0xb8;
	[tilespmem:$0xF230] =	vst v63  }
0x11e: {  	s0 =	sadd.s32 $0x1F40, s15;
	s20 =	simm.s32 $0x5820;
	s31 =	sadd.s32 $0xA0, s16  }
0x11f: {  	[tilespmem:s20], [sflag:$0x1] =	stream.indirect.gather [hbm4b:s1+s14], $0x10, s31, s14, $0xb8;
	[tilespmem:$0xF230] =	vst v63  }
0x120: {  	s21 =	simm.s32 $0x5D20;
	[dreg:$0x4] =	wrdreg s0;
	s0 =	sadd.s32 $0xF0, s16  }
0x121: {  	[tilespmem:s21], [sflag:$0x1] =	stream.indirect.gather [hbm4b:s1+s14], $0x10, s0, s14, $0xb8;
	[tilespmem:$0xF230] =	vst v63  }
0x122: {  	s22 =	simm.s32 $0x6220;
	s2 =	sadd.s32 $0x140, s16  }
0x123: {  	[tilespmem:s22], [sflag:$0x1] =	stream.indirect.gather [hbm4b:s1+s14], $0x10, s2, s14, $0xb8;
	[tilespmem:$0xF230] =	vst v63  }
0x124: {  	s23 =	simm.s32 $0x6720;
	s4 =	sadd.s32 $0x190, s16  }
0x125: {  	[tilespmem:s23], [sflag:$0x1] =	stream.indirect.gather [hbm4b:s1+s14], $0x10, s4, s14, $0xb8;
	[tilespmem:$0xF230] =	vst v63  }
0x126: {  	s24 =	simm.s32 $0x6C20;
	s5 =	sadd.s32 $0x1E0, s16  }
0x127: {  	[tilespmem:s24], [sflag:$0x1] =	stream.indirect.gather [hbm4b:s1+s14], $0x10, s5, s14, $0xb8;
	[tilespmem:$0xF230] =	vst v63  }
0x128: {  	s26 =	simm.s32 $0x7120;
	s6 =	sadd.s32 $0x230, s16  }
0x129: {  	[tilespmem:s26], [sflag:$0x1] =	stream.indirect.gather [hbm4b:s1+s14], $0x10, s6, s14, $0xb8;
	[tilespmem:$0xF230] =	vst v63  }
0x12a: {  	s28 =	simm.s32 $0x7620;
	s7 =	sadd.s32 $0x280, s16  }
0x12b: {  	[tilespmem:s28], [sflag:$0x1] =	stream.indirect.gather [hbm4b:s1+s14], $0x10, s7, s14, $0xb8;
	[tilespmem:$0xF230] =	vst v63  }
0x12c: {  	s8 =	sadd.s32 $0x2D0, s16;
	s29 =	simm.s32 $0x7B20  }
0x12d: {  	[tilespmem:s29], [sflag:$0x1] =	stream.indirect.gather [hbm4b:s1+s14], $0x10, s8, s14, $0xb8;
	[tilespmem:$0xF230] =	vst v63  }
0x12e: {  	s9 =	sadd.s32 $0x320, s16;
	s30 =	simm.s32 $0x8020  }
0x12f: {  	[tilespmem:s30], [sflag:$0x1] =	stream.indirect.gather [hbm4b:s1+s14], $0x10, s9, s14, $0xb8;
	[tilespmem:$0xF230] =	vst v63  }
0x130: {  	s11 =	sadd.s32 $0x370, s16;
	s31 =	simm.s32 $0x8520  }
0x131: {  	[tilespmem:s31], [sflag:$0x1] =	stream.indirect.gather [hbm4b:s1+s14], $0x10, s11, s14, $0xb8;
	[tilespmem:$0xF230] =	vst v63  }
0x132: {  	s13 =	sadd.s32 $0x3C0, s16;
	s2 =	simm.s32 $0x8A20  }
0x133: {  	[tilespmem:s2], [sflag:$0x1] =	stream.indirect.gather [hbm4b:s1+s14], $0x10, s13, s14, $0xb8;
	[tilespmem:$0xF230] =	vst v63  }
0x134: {  	s18 =	simm.s32 $0x8F20;
	s17 =	sadd.s32 $0x410, s16  }
0x135: {  	[tilespmem:s18], [sflag:$0x1] =	stream.indirect.gather [hbm4b:s1+s14], $0x10, s17, s14, $0xb8;
	[tilespmem:$0xF230] =	vst v63  }
0x136: {  	s4 =	sadd.s32 $0x460, s16;
	s13 =	simm.s32 $0x9420  }
0x137: {  	[tilespmem:s13], [sflag:$0x1] =	stream.indirect.gather [hbm4b:s1+s14], $0x10, s4, s14, $0xb8;
	[tilespmem:$0xF230] =	vst v63  }
0x138: {  	s5 =	sadd.s32 $0x4B0, s16;
	s4 =	simm.s32 $0x9920  }
0x139: {  	[tilespmem:s4], [sflag:$0x1] =	stream.indirect.gather [hbm4b:s1+s14], $0x10, s5, s14, $0xb8;
	[tilespmem:$0xF230] =	vst v63  }
0x13a: {  	s6 =	sadd.s32 $0x500, s16;
	s5 =	simm.s32 $0x9E20  }
0x13b: {  	[tilespmem:s5], [sflag:$0x1] =	stream.indirect.gather [hbm4b:s1+s14], $0x10, s6, s14, $0xb8;
	[tilespmem:$0xF230] =	vst v63  }
0x13c: {  	s7 =	sadd.s32 $0x550, s16;
	s6 =	simm.s32 $0xA320  }
0x13d: {  	[tilespmem:s6], [sflag:$0x1] =	stream.indirect.gather [hbm4b:s1+s14], $0x10, s7, s14, $0xb8;
	[tilespmem:$0xF230] =	vst v63  }
0x13e: {  	s8 =	sadd.s32 $0x5A0, s16;
	s7 =	simm.s32 $0xA820  }
0x13f: {  	[tilespmem:s7], [sflag:$0x1] =	stream.indirect.gather [hbm4b:s1+s14], $0x10, s8, s14, $0xb8;
	[tilespmem:$0xF230] =	vst v63  }
0x140: {  	s9 =	sadd.s32 $0x5F0, s16;
	s8 =	simm.s32 $0xAD20  }
0x141: {  	[tilespmem:s8], [sflag:$0x1] =	stream.indirect.gather [hbm4b:s1+s14], $0x10, s9, s14, $0xb8;
	[tilespmem:$0xF230] =	vst v63  }
0x142: {  	s11 =	sadd.s32 $0x640, s16;
	s9 =	simm.s32 $0xB220  }
0x143: {  	[tilespmem:s9], [sflag:$0x1] =	stream.indirect.gather [hbm4b:s1+s14], $0x10, s11, s14, $0xb8;
	[tilespmem:$0xF230] =	vst v63  }
0x144: {  	s17 =	sadd.s32 $0x690, s16;
	s11 =	simm.s32 $0xB720  }
0x145: {  	[tilespmem:s11], [sflag:$0x1] =	stream.indirect.gather [hbm4b:s1+s14], $0x10, s17, s14, $0xb8;
	[tilespmem:$0xF230] =	vst v63  }
0x146: {  	s18 =	sadd.s32 $0x6E0, s16;
	s17 =	simm.s32 $0xBC20  }
0x147: {  	[tilespmem:s17], [sflag:$0x1] =	stream.indirect.gather [hbm4b:s1+s14], $0x10, s18, s14, $0xb8;
	[tilespmem:$0xF230] =	vst v63  }
0x148: {  	s12 =	smov.u32 s15;
	s0 =	sadd.s32 $0x730, s16;
	s18 =	simm.s32 $0xC120  }
0x149: {  	[tilespmem:s18], [sflag:$0x1] =	stream.indirect.gather [hbm4b:s1+s14], $0x10, s0, s14, $0xb8;
	[tilespmem:$0xF230] =	vst v63  }
0x14a: {  	p1 =	sne.s32 s15, $0x7D00;
	s15 =	sadd.s32 $0x780, s16;
	s0 =	simm.s32 $0xC620  }
0x14b: {  	[tilespmem:s0], [sflag:$0x1] =	stream.indirect.gather [hbm4b:s1+s14], $0x10, s15, s14, $0xb8;
	[tilespmem:$0xF230] =	vst v63  }
0x14c: {  	_ =	swait.ge [sflag:s25], $0x500  }
0x14d: {  	[sflag:s25] =	ssyncset.done $0x0  }
0x14e: {  	[sflag:s25] =	ssyncadd.s32 $0xFFFFFB00  }
0x14f: {  	_ =	swait.ge [sflag:s25], $0x500  }
0x150: {  	[sflag:s25] =	ssyncset.done $0x0  }
0x151: {  	[sflag:s25] =	ssyncadd.s32 $0xFFFFFB00  }
0x152: {  	_ =	swait.ge [sflag:s25], $0x500  }
0x153: {  	[sflag:s25] =	ssyncset.done $0x0  }
0x154: {  	[sflag:s25] =	ssyncadd.s32 $0xFFFFFB00  }
0x155: {  	_ =	swait.ge [sflag:s25], $0x500  }
0x156: {  	[sflag:s25] =	ssyncset.done $0x0  }
0x157: {  	[sflag:s25] =	ssyncadd.s32 $0xFFFFFB00  }
0x158: {  	_ =	swait.ge [sflag:s25], $0x500  }
0x159: {  	[sflag:s25] =	ssyncset.done $0x0  }
0x15a: {  	[sflag:s25] =	ssyncadd.s32 $0xFFFFFB00  }
0x15b: {  	_ =	swait.ge [sflag:s25], $0x500  }
0x15c: {  	[sflag:s25] =	ssyncset.done $0x0  }
0x15d: {  	[sflag:s25] =	ssyncadd.s32 $0xFFFFFB00  }
0x15e: {  	_ =	swait.ge [sflag:s25], $0x500  }
0x15f: {  	[sflag:s25] =	ssyncset.done $0x0  }
0x160: {  	[sflag:s25] =	ssyncadd.s32 $0xFFFFFB00  }
0x161: {  	_ =	swait.ge [sflag:s25], $0x500  }
0x162: {  	[sflag:s25] =	ssyncset.done $0x0  }
0x163: {  	[sflag:s25] =	ssyncadd.s32 $0xFFFFFB00  }
0x164: {  	_ =	swait.ge [sflag:s25], $0x500  }
0x165: {  	[sflag:s25] =	ssyncset.done $0x0  }
0x166: {  	[sflag:s25] =	ssyncadd.s32 $0xFFFFFB00  }
0x167: {  	_ =	swait.ge [sflag:s25], $0x500  }
0x168: {  	[sflag:s25] =	ssyncset.done $0x0  }
0x169: {  	[sflag:s25] =	ssyncadd.s32 $0xFFFFFB00  }
0x16a: {  	_ =	swait.ge [sflag:s25], $0x500  }
0x16b: {  	[sflag:s25] =	ssyncset.done $0x0  }
0x16c: {  	[sflag:s25] =	ssyncadd.s32 $0xFFFFFB00  }
0x16d: {  	_ =	swait.ge [sflag:s25], $0x500  }
0x16e: {  	[sflag:s25] =	ssyncset.done $0x0  }
0x16f: {  	[sflag:s25] =	ssyncadd.s32 $0xFFFFFB00  }
0x170: {  	_ =	swait.ge [sflag:s25], $0x500  }
0x171: {  	[sflag:s25] =	ssyncset.done $0x0  }
0x172: {  	[sflag:s25] =	ssyncadd.s32 $0xFFFFFB00  }
0x173: {  	_ =	swait.ge [sflag:s25], $0x500  }
0x174: {  	[sflag:s25] =	ssyncset.done $0x0  }
0x175: {  	[sflag:s25] =	ssyncadd.s32 $0xFFFFFB00  }
0x176: {  	_ =	swait.ge [sflag:s25], $0x500  }
0x177: {  	[sflag:s25] =	ssyncset.done $0x0  }
0x178: {  	[sflag:s25] =	ssyncadd.s32 $0xFFFFFB00  }
0x179: {  	_ =	swait.ge [sflag:s25], $0x500  }
0x17a: {  	[sflag:s25] =	ssyncset.done $0x0  }
0x17b: {  	[sflag:s25] =	ssyncadd.s32 $0xFFFFFB00  }
0x17c: {  	_ =	swait.ge [sflag:s25], $0x500  }
0x17d: {  	[sflag:s25] =	ssyncset.done $0x0  }
0x17e: {  	[sflag:s25] =	ssyncadd.s32 $0xFFFFFB00  }
0x17f: {  	_ =	swait.ge [sflag:s25], $0x500  }
0x180: {  	[sflag:s25] =	ssyncset.done $0x0  }
0x181: {  	[sflag:s25] =	ssyncadd.s32 $0xFFFFFB00  }
0x182: {  	_ =	swait.ge [sflag:s25], $0x500  }
0x183: {  	[sflag:s25] =	ssyncset.done $0x0  }
0x184: {  	[sflag:s25] =	ssyncadd.s32 $0xFFFFFB00  }
0x185: {  	_ =	swait.ge [sflag:s25], $0x500  }
0x186: {  	[sflag:s25] =	ssyncset.done $0x0  }
0x187: {  	[sflag:s25] =	ssyncadd.s32 $0xFFFFFB00  }
0x188: {  	_ =	swait.ge [sflag:s25], $0x500  }
0x189: {  	[sflag:s25] =	ssyncset.done $0x0  }
0x18a: {  	[sflag:s25] =	ssyncadd.s32 $0xFFFFFB00  }
0x18b: {  	_ =	swait.ge [sflag:s25], $0x500  }
0x18c: {  	[sflag:s25] =	ssyncset.done $0x0  }
0x18d: {  	[sflag:s25] =	ssyncadd.s32 $0xFFFFFB00  }
0x18e: {  	_ =	swait.ge [sflag:s25], $0x500  }
0x18f: {  	[sflag:s25] =	ssyncset.done $0x0  }
0x190: {  	[sflag:s25] =	ssyncadd.s32 $0xFFFFFB00  }
0x191: {  	_ =	swait.ge [sflag:s25], $0x500  }
0x192: {  	[sflag:s25] =	ssyncset.done $0x0  }
0x193: {  	[sflag:s25] =	ssyncadd.s32 $0xFFFFFB00  }
0x194: {  	_ =	swait.ge [sflag:s25], $0x500  }
0x195: {  	[sflag:s25] =	ssyncset.done $0x0  }
0x196: {  	s15 =	sadd.s32 $0x2710, s16;
	s0 =	simm.s32 $0x4E20;
	[sflag:s25] =	ssyncadd.s32 $0xFFFFFB00  }
0x197: {  	[spmem:s3] =	stream.indirect.scatter.add.f32 [tilespmem:s0], [sflag:$0x2], $0x10, s15, s14, $0xb8;
	[tilespmem:$0xF230] =	vst v63  }
0x198: {  	s0 =	sadd.s32 $0x2760, s16  }
0x199: {  	[spmem:s3] =	stream.indirect.scatter.add.f32 [tilespmem:s19], [sflag:$0x2], $0x10, s0, s14, $0xb8;
	[tilespmem:$0xF230] =	vst v63  }
0x19a: {  	s19 =	sadd.s32 $0x27B0, s16  }
0x19b: {  	[spmem:s3] =	stream.indirect.scatter.add.f32 [tilespmem:s20], [sflag:$0x2], $0x10, s19, s14, $0xb8;
	[tilespmem:$0xF230] =	vst v63  }
0x19c: {  	s0 =	sadd.s32 $0x2800, s16  }
0x19d: {  	[spmem:s3] =	stream.indirect.scatter.add.f32 [tilespmem:s21], [sflag:$0x2], $0x10, s0, s14, $0xb8;
	[tilespmem:$0xF230] =	vst v63  }
0x19e: {  	s19 =	sadd.s32 $0x2850, s16  }
0x19f: {  	[spmem:s3] =	stream.indirect.scatter.add.f32 [tilespmem:s22], [sflag:$0x2], $0x10, s19, s14, $0xb8;
	[tilespmem:$0xF230] =	vst v63  }
0x1a0: {  	s20 =	sadd.s32 $0x28A0, s16  }
0x1a1: {  	[spmem:s3] =	stream.indirect.scatter.add.f32 [tilespmem:s23], [sflag:$0x2], $0x10, s20, s14, $0xb8;
	[tilespmem:$0xF230] =	vst v63  }
0x1a2: {  	s21 =	sadd.s32 $0x28F0, s16  }
0x1a3: {  	[spmem:s3] =	stream.indirect.scatter.add.f32 [tilespmem:s24], [sflag:$0x2], $0x10, s21, s14, $0xb8;
	[tilespmem:$0xF230] =	vst v63  }
0x1a4: {  	s22 =	sadd.s32 $0x2940, s16  }
0x1a5: {  	[spmem:s3] =	stream.indirect.scatter.add.f32 [tilespmem:s26], [sflag:$0x2], $0x10, s22, s14, $0xb8;
	[tilespmem:$0xF230] =	vst v63  }
0x1a6: {  	s23 =	sadd.s32 $0x2990, s16  }
0x1a7: {  	[spmem:s3] =	stream.indirect.scatter.add.f32 [tilespmem:s28], [sflag:$0x2], $0x10, s23, s14, $0xb8;
	[tilespmem:$0xF230] =	vst v63  }
0x1a8: {  	s24 =	sadd.s32 $0x29E0, s16  }
0x1a9: {  	[spmem:s3] =	stream.indirect.scatter.add.f32 [tilespmem:s29], [sflag:$0x2], $0x10, s24, s14, $0xb8;
	[tilespmem:$0xF230] =	vst v63  }
0x1aa: {  	s26 =	sadd.s32 $0x2A30, s16  }
0x1ab: {  	[spmem:s3] =	stream.indirect.scatter.add.f32 [tilespmem:s30], [sflag:$0x2], $0x10, s26, s14, $0xb8;
	[tilespmem:$0xF230] =	vst v63  }
0x1ac: {  	s28 =	sadd.s32 $0x2A80, s16  }
0x1ad: {  	[spmem:s3] =	stream.indirect.scatter.add.f32 [tilespmem:s31], [sflag:$0x2], $0x10, s28, s14, $0xb8;
	[tilespmem:$0xF230] =	vst v63  }
0x1ae: {  	s29 =	sadd.s32 $0x2AD0, s16  }
0x1af: {  	[spmem:s3] =	stream.indirect.scatter.add.f32 [tilespmem:s2], [sflag:$0x2], $0x10, s29, s14, $0xb8;
	[tilespmem:$0xF230] =	vst v63  }
0x1b0: {  	s30 =	sadd.s32 $0x2B20, s16;
	s31 =	simm.s32 $0x8F20  }
0x1b1: {  	[spmem:s3] =	stream.indirect.scatter.add.f32 [tilespmem:s31], [sflag:$0x2], $0x10, s30, s14, $0xb8;
	[tilespmem:$0xF230] =	vst v63  }
0x1b2: {  	s2 =	sadd.s32 $0x2B70, s16  }
0x1b3: {  	[spmem:s3] =	stream.indirect.scatter.add.f32 [tilespmem:s13], [sflag:$0x2], $0x10, s2, s14, $0xb8;
	[tilespmem:$0xF230] =	vst v63  }
0x1b4: {  	s19 =	sadd.s32 $0x2BC0, s16  }
0x1b5: {  	[spmem:s3] =	stream.indirect.scatter.add.f32 [tilespmem:s4], [sflag:$0x2], $0x10, s19, s14, $0xb8;
	[tilespmem:$0xF230] =	vst v63  }
0x1b6: {  	s20 =	sadd.s32 $0x2C10, s16  }
0x1b7: {  	[spmem:s3] =	stream.indirect.scatter.add.f32 [tilespmem:s5], [sflag:$0x2], $0x10, s20, s14, $0xb8;
	[tilespmem:$0xF230] =	vst v63  }
0x1b8: {  	s21 =	sadd.s32 $0x2C60, s16  }
0x1b9: {  	[spmem:s3] =	stream.indirect.scatter.add.f32 [tilespmem:s6], [sflag:$0x2], $0x10, s21, s14, $0xb8;
	[tilespmem:$0xF230] =	vst v63  }
0x1ba: {  	s22 =	sadd.s32 $0x2CB0, s16  }
0x1bb: {  	[spmem:s3] =	stream.indirect.scatter.add.f32 [tilespmem:s7], [sflag:$0x2], $0x10, s22, s14, $0xb8;
	[tilespmem:$0xF230] =	vst v63  }
0x1bc: {  	s23 =	sadd.s32 $0x2D00, s16  }
0x1bd: {  	[spmem:s3] =	stream.indirect.scatter.add.f32 [tilespmem:s8], [sflag:$0x2], $0x10, s23, s14, $0xb8;
	[tilespmem:$0xF230] =	vst v63  }
0x1be: {  	s24 =	sadd.s32 $0x2D50, s16  }
0x1bf: {  	[spmem:s3] =	stream.indirect.scatter.add.f32 [tilespmem:s9], [sflag:$0x2], $0x10, s24, s14, $0xb8;
	[tilespmem:$0xF230] =	vst v63  }
0x1c0: {  	s26 =	sadd.s32 $0x2DA0, s16  }
0x1c1: {  	[spmem:s3] =	stream.indirect.scatter.add.f32 [tilespmem:s11], [sflag:$0x2], $0x10, s26, s14, $0xb8;
	[tilespmem:$0xF230] =	vst v63  }
0x1c2: {  	s28 =	sadd.s32 $0x2DF0, s16  }
0x1c3: {  	[spmem:s3] =	stream.indirect.scatter.add.f32 [tilespmem:s17], [sflag:$0x2], $0x10, s28, s14, $0xb8;
	[tilespmem:$0xF230] =	vst v63  }
0x1c4: {  	s29 =	sadd.s32 $0x2E40, s16  }
0x1c5: {  	[spmem:s3] =	stream.indirect.scatter.add.f32 [tilespmem:s18], [sflag:$0x2], $0x10, s29, s14, $0xb8;
	[tilespmem:$0xF230] =	vst v63  }
0x1c6: {  	s30 =	sadd.s32 $0x2E90, s16;
	s31 =	simm.s32 $0xC620  }
0x1c7: {  	[spmem:s3] =	stream.indirect.scatter.add.f32 [tilespmem:s31], [sflag:$0x2], $0x10, s30, s14, $0xb8;
	[tilespmem:$0xF230] =	vst v63  }
0x1c8: {  	_ =	swait.ge [sflag:s10], $0x500  }
0x1c9: {  	[sflag:s10] =	ssyncset.done $0x0  }
0x1ca: {  	[sflag:s10] =	ssyncadd.s32 $0xFFFFFB00  }
0x1cb: {  	_ =	swait.ge [sflag:s10], $0x500  }
0x1cc: {  	[sflag:s10] =	ssyncset.done $0x0  }
0x1cd: {  	[sflag:s10] =	ssyncadd.s32 $0xFFFFFB00  }
0x1ce: {  	_ =	swait.ge [sflag:s10], $0x500  }
0x1cf: {  	[sflag:s10] =	ssyncset.done $0x0  }
0x1d0: {  	[sflag:s10] =	ssyncadd.s32 $0xFFFFFB00  }
0x1d1: {  	_ =	swait.ge [sflag:s10], $0x500  }
0x1d2: {  	[sflag:s10] =	ssyncset.done $0x0  }
0x1d3: {  	[sflag:s10] =	ssyncadd.s32 $0xFFFFFB00  }
0x1d4: {  	_ =	swait.ge [sflag:s10], $0x500  }
0x1d5: {  	[sflag:s10] =	ssyncset.done $0x0  }
0x1d6: {  	[sflag:s10] =	ssyncadd.s32 $0xFFFFFB00  }
0x1d7: {  	_ =	swait.ge [sflag:s10], $0x500  }
0x1d8: {  	[sflag:s10] =	ssyncset.done $0x0  }
0x1d9: {  	[sflag:s10] =	ssyncadd.s32 $0xFFFFFB00  }
0x1da: {  	_ =	swait.ge [sflag:s10], $0x500  }
0x1db: {  	[sflag:s10] =	ssyncset.done $0x0  }
0x1dc: {  	[sflag:s10] =	ssyncadd.s32 $0xFFFFFB00  }
0x1dd: {  	_ =	swait.ge [sflag:s10], $0x500  }
0x1de: {  	[sflag:s10] =	ssyncset.done $0x0  }
0x1df: {  	[sflag:s10] =	ssyncadd.s32 $0xFFFFFB00  }
0x1e0: {  	_ =	swait.ge [sflag:s10], $0x500  }
0x1e1: {  	[sflag:s10] =	ssyncset.done $0x0  }
0x1e2: {  	[sflag:s10] =	ssyncadd.s32 $0xFFFFFB00  }
0x1e3: {  	_ =	swait.ge [sflag:s10], $0x500  }
0x1e4: {  	[sflag:s10] =	ssyncset.done $0x0  }
0x1e5: {  	[sflag:s10] =	ssyncadd.s32 $0xFFFFFB00  }
0x1e6: {  	_ =	swait.ge [sflag:s10], $0x500  }
0x1e7: {  	[sflag:s10] =	ssyncset.done $0x0  }
0x1e8: {  	[sflag:s10] =	ssyncadd.s32 $0xFFFFFB00  }
0x1e9: {  	_ =	swait.ge [sflag:s10], $0x500  }
0x1ea: {  	[sflag:s10] =	ssyncset.done $0x0  }
0x1eb: {  	[sflag:s10] =	ssyncadd.s32 $0xFFFFFB00  }
0x1ec: {  	_ =	swait.ge [sflag:s10], $0x500  }
0x1ed: {  	[sflag:s10] =	ssyncset.done $0x0  }
0x1ee: {  	[sflag:s10] =	ssyncadd.s32 $0xFFFFFB00  }
0x1ef: {  	_ =	swait.ge [sflag:s10], $0x500  }
0x1f0: {  	[sflag:s10] =	ssyncset.done $0x0  }
0x1f1: {  	[sflag:s10] =	ssyncadd.s32 $0xFFFFFB00  }
0x1f2: {  	_ =	swait.ge [sflag:s10], $0x500  }
0x1f3: {  	[sflag:s10] =	ssyncset.done $0x0  }
0x1f4: {  	[sflag:s10] =	ssyncadd.s32 $0xFFFFFB00  }
0x1f5: {  	_ =	swait.ge [sflag:s10], $0x500  }
0x1f6: {  	[sflag:s10] =	ssyncset.done $0x0  }
0x1f7: {  	[sflag:s10] =	ssyncadd.s32 $0xFFFFFB00  }
0x1f8: {  	_ =	swait.ge [sflag:s10], $0x500  }
0x1f9: {  	[sflag:s10] =	ssyncset.done $0x0  }
0x1fa: {  	[sflag:s10] =	ssyncadd.s32 $0xFFFFFB00  }
0x1fb: {  	_ =	swait.ge [sflag:s10], $0x500  }
0x1fc: {  	[sflag:s10] =	ssyncset.done $0x0  }
0x1fd: {  	[sflag:s10] =	ssyncadd.s32 $0xFFFFFB00  }
0x1fe: {  	_ =	swait.ge [sflag:s10], $0x500  }
0x1ff: {  	[sflag:s10] =	ssyncset.done $0x0  }
0x200: {  	[sflag:s10] =	ssyncadd.s32 $0xFFFFFB00  }
0x201: {  	_ =	swait.ge [sflag:s10], $0x500  }
0x202: {  	[sflag:s10] =	ssyncset.done $0x0  }
0x203: {  	[sflag:s10] =	ssyncadd.s32 $0xFFFFFB00  }
0x204: {  	_ =	swait.ge [sflag:s10], $0x500  }
0x205: {  	[sflag:s10] =	ssyncset.done $0x0  }
0x206: {  	[sflag:s10] =	ssyncadd.s32 $0xFFFFFB00  }
0x207: {  	_ =	swait.ge [sflag:s10], $0x500  }
0x208: {  	[sflag:s10] =	ssyncset.done $0x0  }
0x209: {  	[sflag:s10] =	ssyncadd.s32 $0xFFFFFB00  }
0x20a: {  	_ =	swait.ge [sflag:s10], $0x500  }
0x20b: {  	[sflag:s10] =	ssyncset.done $0x0  }
0x20c: {  	[sflag:s10] =	ssyncadd.s32 $0xFFFFFB00  }
.Ltmp0:
0x20d: {  	_ =	swait.ge [sflag:s10], $0x500;
	(pc) =	sbr.rel @p1 .LBB2_2-.Ltmp0, $4  }
0x20e: {  	[sflag:s10] =	ssyncset.done $0x0  }
0x20f: {  	[sflag:s10] =	ssyncadd.s32 $0xFFFFFB00  }
0x210: {  	_ =	swait.ge [sflag:s10], $0x500  }
0x211: {  	[sflag:s10] =	ssyncset.done $0x0;
	s15 =	rddreg [dreg:$0x4]  }
0x212: {  	s12 =	sshra.s32 s12, $0x2;
	[sflag:s10] =	ssyncadd.s32 $0xFFFFFB00;
	s16 =	simm.s32 $0x4E20  }
0x213: {  	[tilespmem:s16], [sflag:$0x1] =	stream.indirect.gather [hbm4b:s1+s14], $0x10, s12, s14, $0xb8;
	[tilespmem:$0xF230] =	vst v63  }
0x214: {  	s17 =	simm.s32 $0x5320;
	s15 =	sadd.s32 $0x50, s12  }
0x215: {  	[tilespmem:s17], [sflag:$0x1] =	stream.indirect.gather [hbm4b:s1+s14], $0x10, s15, s14, $0xb8;
	[tilespmem:$0xF230] =	vst v63  }
0x216: {  	s18 =	simm.s32 $0x5820;
	s0 =	sadd.s32 $0xA0, s12  }
0x217: {  	[tilespmem:s18], [sflag:$0x1] =	stream.indirect.gather [hbm4b:s1+s14], $0x10, s0, s14, $0xb8;
	[tilespmem:$0xF230] =	vst v63  }
0x218: {  	s19 =	simm.s32 $0x5D20;
	s2 =	sadd.s32 $0xF0, s12  }
0x219: {  	[tilespmem:s19], [sflag:$0x1] =	stream.indirect.gather [hbm4b:s1+s14], $0x10, s2, s14, $0xb8;
	[tilespmem:$0xF230] =	vst v63  }
0x21a: {  	s20 =	simm.s32 $0x6220;
	s4 =	sadd.s32 $0x140, s12  }
0x21b: {  	[tilespmem:s20], [sflag:$0x1] =	stream.indirect.gather [hbm4b:s1+s14], $0x10, s4, s14, $0xb8;
	[tilespmem:$0xF230] =	vst v63  }
0x21c: {  	s21 =	simm.s32 $0x6720;
	s5 =	sadd.s32 $0x190, s12  }
0x21d: {  	[tilespmem:s21], [sflag:$0x1] =	stream.indirect.gather [hbm4b:s1+s14], $0x10, s5, s14, $0xb8;
	[tilespmem:$0xF230] =	vst v63  }
0x21e: {  	s22 =	simm.s32 $0x6C20;
	s6 =	sadd.s32 $0x1E0, s12  }
0x21f: {  	[tilespmem:s22], [sflag:$0x1] =	stream.indirect.gather [hbm4b:s1+s14], $0x10, s6, s14, $0xb8;
	[tilespmem:$0xF230] =	vst v63  }
0x220: {  	s23 =	simm.s32 $0x7120;
	s7 =	sadd.s32 $0x230, s12  }
0x221: {  	[tilespmem:s23], [sflag:$0x1] =	stream.indirect.gather [hbm4b:s1+s14], $0x10, s7, s14, $0xb8;
	[tilespmem:$0xF230] =	vst v63  }
0x222: {  	s24 =	simm.s32 $0x7620;
	s8 =	sadd.s32 $0x280, s12  }
0x223: {  	[tilespmem:s24], [sflag:$0x1] =	stream.indirect.gather [hbm4b:s1+s14], $0x10, s8, s14, $0xb8;
	[tilespmem:$0xF230] =	vst v63  }
0x224: {  	s26 =	simm.s32 $0x7B20;
	s9 =	sadd.s32 $0x2D0, s12  }
0x225: {  	[tilespmem:s26], [sflag:$0x1] =	stream.indirect.gather [hbm4b:s1+s14], $0x10, s9, s14, $0xb8;
	[tilespmem:$0xF230] =	vst v63  }
0x226: {  	s28 =	simm.s32 $0x8020;
	s11 =	sadd.s32 $0x320, s12  }
0x227: {  	[tilespmem:s28], [sflag:$0x1] =	stream.indirect.gather [hbm4b:s1+s14], $0x10, s11, s14, $0xb8;
	[tilespmem:$0xF230] =	vst v63  }
0x228: {  	s29 =	simm.s32 $0x8520;
	s13 =	sadd.s32 $0x370, s12  }
0x229: {  	[tilespmem:s29], [sflag:$0x1] =	stream.indirect.gather [hbm4b:s1+s14], $0x10, s13, s14, $0xb8;
	[tilespmem:$0xF230] =	vst v63  }
0x22a: {  	s30 =	sadd.s32 $0x3C0, s12;
	s2 =	simm.s32 $0x8A20  }
0x22b: {  	[tilespmem:s2], [sflag:$0x1] =	stream.indirect.gather [hbm4b:s1+s14], $0x10, s30, s14, $0xb8;
	[tilespmem:$0xF230] =	vst v63  }
0x22c: {  	s31 =	sadd.s32 $0x410, s12;
	s0 =	simm.s32 $0x8F20  }
0x22d: {  	[tilespmem:s0], [sflag:$0x1] =	stream.indirect.gather [hbm4b:s1+s14], $0x10, s31, s14, $0xb8;
	[tilespmem:$0xF230] =	vst v63  }
0x22e: {  	s4 =	sadd.s32 $0x460, s12;
	s13 =	simm.s32 $0x9420  }
0x22f: {  	[tilespmem:s13], [sflag:$0x1] =	stream.indirect.gather [hbm4b:s1+s14], $0x10, s4, s14, $0xb8;
	[tilespmem:$0xF230] =	vst v63  }
0x230: {  	s5 =	sadd.s32 $0x4B0, s12;
	s4 =	simm.s32 $0x9920  }
0x231: {  	[tilespmem:s4], [sflag:$0x1] =	stream.indirect.gather [hbm4b:s1+s14], $0x10, s5, s14, $0xb8;
	[tilespmem:$0xF230] =	vst v63  }
0x232: {  	s6 =	sadd.s32 $0x500, s12;
	s5 =	simm.s32 $0x9E20  }
0x233: {  	[tilespmem:s5], [sflag:$0x1] =	stream.indirect.gather [hbm4b:s1+s14], $0x10, s6, s14, $0xb8;
	[tilespmem:$0xF230] =	vst v63  }
0x234: {  	s7 =	sadd.s32 $0x550, s12;
	s6 =	simm.s32 $0xA320  }
0x235: {  	[tilespmem:s6], [sflag:$0x1] =	stream.indirect.gather [hbm4b:s1+s14], $0x10, s7, s14, $0xb8;
	[tilespmem:$0xF230] =	vst v63  }
0x236: {  	s8 =	sadd.s32 $0x5A0, s12;
	s7 =	simm.s32 $0xA820  }
0x237: {  	[tilespmem:s7], [sflag:$0x1] =	stream.indirect.gather [hbm4b:s1+s14], $0x10, s8, s14, $0xb8;
	[tilespmem:$0xF230] =	vst v63  }
0x238: {  	s9 =	sadd.s32 $0x5F0, s12;
	s8 =	simm.s32 $0xAD20  }
0x239: {  	[tilespmem:s8], [sflag:$0x1] =	stream.indirect.gather [hbm4b:s1+s14], $0x10, s9, s14, $0xb8;
	[tilespmem:$0xF230] =	vst v63  }
0x23a: {  	s11 =	sadd.s32 $0x640, s12;
	s9 =	simm.s32 $0xB220  }
0x23b: {  	[tilespmem:s9], [sflag:$0x1] =	stream.indirect.gather [hbm4b:s1+s14], $0x10, s11, s14, $0xb8;
	[tilespmem:$0xF230] =	vst v63  }
0x23c: {  	s30 =	sadd.s32 $0x690, s12;
	s11 =	simm.s32 $0xB720  }
0x23d: {  	[tilespmem:s11], [sflag:$0x1] =	stream.indirect.gather [hbm4b:s1+s14], $0x10, s30, s14, $0xb8;
	[tilespmem:$0xF230] =	vst v63  }
0x23e: {  	s31 =	sadd.s32 $0x6E0, s12;
	s30 =	simm.s32 $0xBC20  }
0x23f: {  	[tilespmem:s30], [sflag:$0x1] =	stream.indirect.gather [hbm4b:s1+s14], $0x10, s31, s14, $0xb8;
	[tilespmem:$0xF230] =	vst v63  }
0x240: {  	s0 =	sadd.s32 $0x730, s12;
	s31 =	simm.s32 $0xC120  }
0x241: {  	[tilespmem:s31], [sflag:$0x1] =	stream.indirect.gather [hbm4b:s1+s14], $0x10, s0, s14, $0xb8;
	[tilespmem:$0xF230] =	vst v63  }
0x242: {  	s15 =	sadd.s32 $0x780, s12;
	s0 =	simm.s32 $0xC620  }
0x243: {  	[tilespmem:s0], [sflag:$0x1] =	stream.indirect.gather [hbm4b:s1+s14], $0x10, s15, s14, $0xb8;
	[tilespmem:$0xF230] =	vst v63  }
0x244: {  	_ =	swait.ge [sflag:s25], $0x500  }
0x245: {  	[sflag:s25] =	ssyncset.done $0x0  }
0x246: {  	[sflag:s25] =	ssyncadd.s32 $0xFFFFFB00  }
0x247: {  	_ =	swait.ge [sflag:s25], $0x500  }
0x248: {  	[sflag:s25] =	ssyncset.done $0x0  }
0x249: {  	[sflag:s25] =	ssyncadd.s32 $0xFFFFFB00  }
0x24a: {  	_ =	swait.ge [sflag:s25], $0x500  }
0x24b: {  	[sflag:s25] =	ssyncset.done $0x0  }
0x24c: {  	[sflag:s25] =	ssyncadd.s32 $0xFFFFFB00  }
0x24d: {  	_ =	swait.ge [sflag:s25], $0x500  }
0x24e: {  	[sflag:s25] =	ssyncset.done $0x0  }
0x24f: {  	[sflag:s25] =	ssyncadd.s32 $0xFFFFFB00  }
0x250: {  	_ =	swait.ge [sflag:s25], $0x500  }
0x251: {  	[sflag:s25] =	ssyncset.done $0x0  }
0x252: {  	[sflag:s25] =	ssyncadd.s32 $0xFFFFFB00  }
0x253: {  	_ =	swait.ge [sflag:s25], $0x500  }
0x254: {  	[sflag:s25] =	ssyncset.done $0x0  }
0x255: {  	[sflag:s25] =	ssyncadd.s32 $0xFFFFFB00  }
0x256: {  	_ =	swait.ge [sflag:s25], $0x500  }
0x257: {  	[sflag:s25] =	ssyncset.done $0x0  }
0x258: {  	[sflag:s25] =	ssyncadd.s32 $0xFFFFFB00  }
0x259: {  	_ =	swait.ge [sflag:s25], $0x500  }
0x25a: {  	[sflag:s25] =	ssyncset.done $0x0  }
0x25b: {  	[sflag:s25] =	ssyncadd.s32 $0xFFFFFB00  }
0x25c: {  	_ =	swait.ge [sflag:s25], $0x500  }
0x25d: {  	[sflag:s25] =	ssyncset.done $0x0  }
0x25e: {  	[sflag:s25] =	ssyncadd.s32 $0xFFFFFB00  }
0x25f: {  	_ =	swait.ge [sflag:s25], $0x500  }
0x260: {  	[sflag:s25] =	ssyncset.done $0x0  }
0x261: {  	[sflag:s25] =	ssyncadd.s32 $0xFFFFFB00  }
0x262: {  	_ =	swait.ge [sflag:s25], $0x500  }
0x263: {  	[sflag:s25] =	ssyncset.done $0x0  }
0x264: {  	[sflag:s25] =	ssyncadd.s32 $0xFFFFFB00  }
0x265: {  	_ =	swait.ge [sflag:s25], $0x500  }
0x266: {  	[sflag:s25] =	ssyncset.done $0x0  }
0x267: {  	[sflag:s25] =	ssyncadd.s32 $0xFFFFFB00  }
0x268: {  	_ =	swait.ge [sflag:s25], $0x500  }
0x269: {  	[sflag:s25] =	ssyncset.done $0x0  }
0x26a: {  	[sflag:s25] =	ssyncadd.s32 $0xFFFFFB00  }
0x26b: {  	_ =	swait.ge [sflag:s25], $0x500  }
0x26c: {  	[sflag:s25] =	ssyncset.done $0x0  }
0x26d: {  	[sflag:s25] =	ssyncadd.s32 $0xFFFFFB00  }
0x26e: {  	_ =	swait.ge [sflag:s25], $0x500  }
0x26f: {  	[sflag:s25] =	ssyncset.done $0x0  }
0x270: {  	[sflag:s25] =	ssyncadd.s32 $0xFFFFFB00  }
0x271: {  	_ =	swait.ge [sflag:s25], $0x500  }
0x272: {  	[sflag:s25] =	ssyncset.done $0x0  }
0x273: {  	[sflag:s25] =	ssyncadd.s32 $0xFFFFFB00  }
0x274: {  	_ =	swait.ge [sflag:s25], $0x500  }
0x275: {  	[sflag:s25] =	ssyncset.done $0x0  }
0x276: {  	[sflag:s25] =	ssyncadd.s32 $0xFFFFFB00  }
0x277: {  	_ =	swait.ge [sflag:s25], $0x500  }
0x278: {  	[sflag:s25] =	ssyncset.done $0x0  }
0x279: {  	[sflag:s25] =	ssyncadd.s32 $0xFFFFFB00  }
0x27a: {  	_ =	swait.ge [sflag:s25], $0x500  }
0x27b: {  	[sflag:s25] =	ssyncset.done $0x0  }
0x27c: {  	[sflag:s25] =	ssyncadd.s32 $0xFFFFFB00  }
0x27d: {  	_ =	swait.ge [sflag:s25], $0x500  }
0x27e: {  	[sflag:s25] =	ssyncset.done $0x0  }
0x27f: {  	[sflag:s25] =	ssyncadd.s32 $0xFFFFFB00  }
0x280: {  	_ =	swait.ge [sflag:s25], $0x500  }
0x281: {  	[sflag:s25] =	ssyncset.done $0x0  }
0x282: {  	[sflag:s25] =	ssyncadd.s32 $0xFFFFFB00  }
0x283: {  	_ =	swait.ge [sflag:s25], $0x500  }
0x284: {  	[sflag:s25] =	ssyncset.done $0x0  }
0x285: {  	[sflag:s25] =	ssyncadd.s32 $0xFFFFFB00  }
0x286: {  	_ =	swait.ge [sflag:s25], $0x500  }
0x287: {  	[sflag:s25] =	ssyncset.done $0x0  }
0x288: {  	[sflag:s25] =	ssyncadd.s32 $0xFFFFFB00  }
0x289: {  	_ =	swait.ge [sflag:s25], $0x500  }
0x28a: {  	[sflag:s25] =	ssyncset.done $0x0  }
0x28b: {  	[sflag:s25] =	ssyncadd.s32 $0xFFFFFB00  }
0x28c: {  	_ =	swait.ge [sflag:s25], $0x500  }
0x28d: {  	[sflag:s25] =	ssyncset.done $0x0  }
0x28e: {  	s15 =	sadd.s32 $0x2710, s12;
	[sflag:s25] =	ssyncadd.s32 $0xFFFFFB00  }
0x28f: {  	[spmem:s3] =	stream.indirect.scatter.add.f32 [tilespmem:s16], [sflag:$0x2], $0x10, s15, s14, $0xb8;
	[tilespmem:$0xF230] =	vst v63  }
0x290: {  	s16 =	sadd.s32 $0x2760, s12  }
0x291: {  	[spmem:s3] =	stream.indirect.scatter.add.f32 [tilespmem:s17], [sflag:$0x2], $0x10, s16, s14, $0xb8;
	[tilespmem:$0xF230] =	vst v63  }
0x292: {  	s17 =	sadd.s32 $0x27B0, s12  }
0x293: {  	[spmem:s3] =	stream.indirect.scatter.add.f32 [tilespmem:s18], [sflag:$0x2], $0x10, s17, s14, $0xb8;
	[tilespmem:$0xF230] =	vst v63  }
0x294: {  	s18 =	sadd.s32 $0x2800, s12  }
0x295: {  	[spmem:s3] =	stream.indirect.scatter.add.f32 [tilespmem:s19], [sflag:$0x2], $0x10, s18, s14, $0xb8;
	[tilespmem:$0xF230] =	vst v63  }
0x296: {  	s19 =	sadd.s32 $0x2850, s12  }
0x297: {  	[spmem:s3] =	stream.indirect.scatter.add.f32 [tilespmem:s20], [sflag:$0x2], $0x10, s19, s14, $0xb8;
	[tilespmem:$0xF230] =	vst v63  }
0x298: {  	s20 =	sadd.s32 $0x28A0, s12  }
0x299: {  	[spmem:s3] =	stream.indirect.scatter.add.f32 [tilespmem:s21], [sflag:$0x2], $0x10, s20, s14, $0xb8;
	[tilespmem:$0xF230] =	vst v63  }
0x29a: {  	s21 =	sadd.s32 $0x28F0, s12  }
0x29b: {  	[spmem:s3] =	stream.indirect.scatter.add.f32 [tilespmem:s22], [sflag:$0x2], $0x10, s21, s14, $0xb8;
	[tilespmem:$0xF230] =	vst v63  }
0x29c: {  	s22 =	sadd.s32 $0x2940, s12  }
0x29d: {  	[spmem:s3] =	stream.indirect.scatter.add.f32 [tilespmem:s23], [sflag:$0x2], $0x10, s22, s14, $0xb8;
	[tilespmem:$0xF230] =	vst v63  }
0x29e: {  	s23 =	sadd.s32 $0x2990, s12  }
0x29f: {  	[spmem:s3] =	stream.indirect.scatter.add.f32 [tilespmem:s24], [sflag:$0x2], $0x10, s23, s14, $0xb8;
	[tilespmem:$0xF230] =	vst v63  }
0x2a0: {  	s24 =	sadd.s32 $0x29E0, s12  }
0x2a1: {  	[spmem:s3] =	stream.indirect.scatter.add.f32 [tilespmem:s26], [sflag:$0x2], $0x10, s24, s14, $0xb8;
	[tilespmem:$0xF230] =	vst v63  }
0x2a2: {  	s26 =	sadd.s32 $0x2A30, s12  }
0x2a3: {  	[spmem:s3] =	stream.indirect.scatter.add.f32 [tilespmem:s28], [sflag:$0x2], $0x10, s26, s14, $0xb8;
	[tilespmem:$0xF230] =	vst v63  }
0x2a4: {  	s28 =	sadd.s32 $0x2A80, s12  }
0x2a5: {  	[spmem:s3] =	stream.indirect.scatter.add.f32 [tilespmem:s29], [sflag:$0x2], $0x10, s28, s14, $0xb8;
	[tilespmem:$0xF230] =	vst v63  }
0x2a6: {  	s29 =	sadd.s32 $0x2AD0, s12  }
0x2a7: {  	[spmem:s3] =	stream.indirect.scatter.add.f32 [tilespmem:s2], [sflag:$0x2], $0x10, s29, s14, $0xb8;
	[tilespmem:$0xF230] =	vst v63  }
0x2a8: {  	s16 =	sadd.s32 $0x2B20, s12;
	s17 =	simm.s32 $0x8F20  }
0x2a9: {  	[spmem:s3] =	stream.indirect.scatter.add.f32 [tilespmem:s17], [sflag:$0x2], $0x10, s16, s14, $0xb8;
	[tilespmem:$0xF230] =	vst v63  }
0x2aa: {  	s18 =	sadd.s32 $0x2B70, s12  }
0x2ab: {  	[spmem:s3] =	stream.indirect.scatter.add.f32 [tilespmem:s13], [sflag:$0x2], $0x10, s18, s14, $0xb8;
	[tilespmem:$0xF230] =	vst v63  }
0x2ac: {  	s19 =	sadd.s32 $0x2BC0, s12  }
0x2ad: {  	[spmem:s3] =	stream.indirect.scatter.add.f32 [tilespmem:s4], [sflag:$0x2], $0x10, s19, s14, $0xb8;
	[tilespmem:$0xF230] =	vst v63  }
0x2ae: {  	s20 =	sadd.s32 $0x2C10, s12  }
0x2af: {  	[spmem:s3] =	stream.indirect.scatter.add.f32 [tilespmem:s5], [sflag:$0x2], $0x10, s20, s14, $0xb8;
	[tilespmem:$0xF230] =	vst v63  }
0x2b0: {  	s21 =	sadd.s32 $0x2C60, s12  }
0x2b1: {  	[spmem:s3] =	stream.indirect.scatter.add.f32 [tilespmem:s6], [sflag:$0x2], $0x10, s21, s14, $0xb8;
	[tilespmem:$0xF230] =	vst v63  }
0x2b2: {  	s22 =	sadd.s32 $0x2CB0, s12  }
0x2b3: {  	[spmem:s3] =	stream.indirect.scatter.add.f32 [tilespmem:s7], [sflag:$0x2], $0x10, s22, s14, $0xb8;
	[tilespmem:$0xF230] =	vst v63  }
0x2b4: {  	s23 =	sadd.s32 $0x2D00, s12  }
0x2b5: {  	[spmem:s3] =	stream.indirect.scatter.add.f32 [tilespmem:s8], [sflag:$0x2], $0x10, s23, s14, $0xb8;
	[tilespmem:$0xF230] =	vst v63  }
0x2b6: {  	s24 =	sadd.s32 $0x2D50, s12  }
0x2b7: {  	[spmem:s3] =	stream.indirect.scatter.add.f32 [tilespmem:s9], [sflag:$0x2], $0x10, s24, s14, $0xb8;
	[tilespmem:$0xF230] =	vst v63  }
0x2b8: {  	s26 =	sadd.s32 $0x2DA0, s12  }
0x2b9: {  	[spmem:s3] =	stream.indirect.scatter.add.f32 [tilespmem:s11], [sflag:$0x2], $0x10, s26, s14, $0xb8;
	[tilespmem:$0xF230] =	vst v63  }
0x2ba: {  	s28 =	sadd.s32 $0x2DF0, s12  }
0x2bb: {  	[spmem:s3] =	stream.indirect.scatter.add.f32 [tilespmem:s30], [sflag:$0x2], $0x10, s28, s14, $0xb8;
	[tilespmem:$0xF230] =	vst v63  }
0x2bc: {  	s29 =	sadd.s32 $0x2E40, s12  }
0x2bd: {  	[spmem:s3] =	stream.indirect.scatter.add.f32 [tilespmem:s31], [sflag:$0x2], $0x10, s29, s14, $0xb8;
	[tilespmem:$0xF230] =	vst v63  }
0x2be: {  	s0 =	simm.s32 $0xC620;
	s12 =	sadd.s32 $0x2E90, s12  }
0x2bf: {  	[spmem:s3] =	stream.indirect.scatter.add.f32 [tilespmem:s0], [sflag:$0x2], $0x10, s12, s14, $0xb8;
	[tilespmem:$0xF230] =	vst v63  }
0x2c0: {  	_ =	swait.ge [sflag:s10], $0x500  }
0x2c1: {  	[sflag:s10] =	ssyncset.done $0x0  }
0x2c2: {  	[sflag:s10] =	ssyncadd.s32 $0xFFFFFB00  }
0x2c3: {  	_ =	swait.ge [sflag:s10], $0x500  }
0x2c4: {  	[sflag:s10] =	ssyncset.done $0x0  }
0x2c5: {  	[sflag:s10] =	ssyncadd.s32 $0xFFFFFB00  }
0x2c6: {  	_ =	swait.ge [sflag:s10], $0x500  }
0x2c7: {  	[sflag:s10] =	ssyncset.done $0x0  }
0x2c8: {  	[sflag:s10] =	ssyncadd.s32 $0xFFFFFB00  }
0x2c9: {  	_ =	swait.ge [sflag:s10], $0x500  }
0x2ca: {  	[sflag:s10] =	ssyncset.done $0x0  }
0x2cb: {  	[sflag:s10] =	ssyncadd.s32 $0xFFFFFB00  }
0x2cc: {  	_ =	swait.ge [sflag:s10], $0x500  }
0x2cd: {  	[sflag:s10] =	ssyncset.done $0x0  }
0x2ce: {  	[sflag:s10] =	ssyncadd.s32 $0xFFFFFB00  }
0x2cf: {  	_ =	swait.ge [sflag:s10], $0x500  }
0x2d0: {  	[sflag:s10] =	ssyncset.done $0x0  }
0x2d1: {  	[sflag:s10] =	ssyncadd.s32 $0xFFFFFB00  }
0x2d2: {  	_ =	swait.ge [sflag:s10], $0x500  }
0x2d3: {  	[sflag:s10] =	ssyncset.done $0x0  }
0x2d4: {  	[sflag:s10] =	ssyncadd.s32 $0xFFFFFB00  }
0x2d5: {  	_ =	swait.ge [sflag:s10], $0x500  }
0x2d6: {  	[sflag:s10] =	ssyncset.done $0x0  }
0x2d7: {  	[sflag:s10] =	ssyncadd.s32 $0xFFFFFB00  }
0x2d8: {  	_ =	swait.ge [sflag:s10], $0x500  }
0x2d9: {  	[sflag:s10] =	ssyncset.done $0x0  }
0x2da: {  	[sflag:s10] =	ssyncadd.s32 $0xFFFFFB00  }
0x2db: {  	_ =	swait.ge [sflag:s10], $0x500  }
0x2dc: {  	[sflag:s10] =	ssyncset.done $0x0  }
0x2dd: {  	[sflag:s10] =	ssyncadd.s32 $0xFFFFFB00  }
0x2de: {  	_ =	swait.ge [sflag:s10], $0x500  }
0x2df: {  	[sflag:s10] =	ssyncset.done $0x0  }
0x2e0: {  	[sflag:s10] =	ssyncadd.s32 $0xFFFFFB00  }
0x2e1: {  	_ =	swait.ge [sflag:s10], $0x500  }
0x2e2: {  	[sflag:s10] =	ssyncset.done $0x0  }
0x2e3: {  	[sflag:s10] =	ssyncadd.s32 $0xFFFFFB00  }
0x2e4: {  	_ =	swait.ge [sflag:s10], $0x500  }
0x2e5: {  	[sflag:s10] =	ssyncset.done $0x0  }
0x2e6: {  	[sflag:s10] =	ssyncadd.s32 $0xFFFFFB00  }
0x2e7: {  	_ =	swait.ge [sflag:s10], $0x500  }
0x2e8: {  	[sflag:s10] =	ssyncset.done $0x0  }
0x2e9: {  	[sflag:s10] =	ssyncadd.s32 $0xFFFFFB00  }
0x2ea: {  	_ =	swait.ge [sflag:s10], $0x500  }
0x2eb: {  	[sflag:s10] =	ssyncset.done $0x0  }
0x2ec: {  	[sflag:s10] =	ssyncadd.s32 $0xFFFFFB00  }
0x2ed: {  	_ =	swait.ge [sflag:s10], $0x500  }
0x2ee: {  	[sflag:s10] =	ssyncset.done $0x0  }
0x2ef: {  	[sflag:s10] =	ssyncadd.s32 $0xFFFFFB00  }
0x2f0: {  	_ =	swait.ge [sflag:s10], $0x500  }
0x2f1: {  	[sflag:s10] =	ssyncset.done $0x0  }
0x2f2: {  	[sflag:s10] =	ssyncadd.s32 $0xFFFFFB00  }
0x2f3: {  	_ =	swait.ge [sflag:s10], $0x500  }
0x2f4: {  	[sflag:s10] =	ssyncset.done $0x0  }
0x2f5: {  	[sflag:s10] =	ssyncadd.s32 $0xFFFFFB00  }
0x2f6: {  	_ =	swait.ge [sflag:s10], $0x500  }
0x2f7: {  	[sflag:s10] =	ssyncset.done $0x0  }
0x2f8: {  	[sflag:s10] =	ssyncadd.s32 $0xFFFFFB00  }
0x2f9: {  	_ =	swait.ge [sflag:s10], $0x500  }
0x2fa: {  	[sflag:s10] =	ssyncset.done $0x0  }
0x2fb: {  	[sflag:s10] =	ssyncadd.s32 $0xFFFFFB00  }
0x2fc: {  	_ =	swait.ge [sflag:s10], $0x500  }
0x2fd: {  	[sflag:s10] =	ssyncset.done $0x0  }
0x2fe: {  	[sflag:s10] =	ssyncadd.s32 $0xFFFFFB00  }
0x2ff: {  	_ =	swait.ge [sflag:s10], $0x500  }
0x300: {  	[sflag:s10] =	ssyncset.done $0x0  }
0x301: {  	[sflag:s10] =	ssyncadd.s32 $0xFFFFFB00  }
0x302: {  	_ =	swait.ge [sflag:s10], $0x500  }
0x303: {  	[sflag:s10] =	ssyncset.done $0x0  }
0x304: {  	[sflag:s10] =	ssyncadd.s32 $0xFFFFFB00  }
0x305: {  	_ =	swait.ge [sflag:s10], $0x500  }
0x306: {  	[sflag:s10] =	ssyncset.done $0x0  }
0x307: {  	[sflag:s10] =	ssyncadd.s32 $0xFFFFFB00  }
0x308: {  	_ =	swait.ge [sflag:s10], $0x500  }
0x309: {  	[sflag:s10] =	ssyncset.done $0x0  }
0x30a: {  	[sflag:s10] =	ssyncadd.s32 $0xFFFFFB00  }
0x30b: {  	[bflag:$0x0] =	sbarrier.arrive $0xFFFF  }
0x30c: {  	s12 =	rddreg [dreg:$0x8]  }
0x30d: {  	s16 =	rddreg [dreg:$0xa]  }
0x30e: {  	s15 =	rddreg [dreg:$0xc]  }
0x30f: {  	[hbm:s12], [sflag:s16] =	dma.local @!p0 [spmem:s15], $0x7D0  }
0x310: {  	s12 =	simm.s32 @!p0 $0x3  }
0x311: {  	_ =	swait.ge @!p0 [sflag:s12], $0x7D0  }
0x312: {  	s30 =	rddreg [dreg:$0xd]  }
0x313: {  	s31 =	rddreg [dreg:$0x9];
	s0 =	sadd.s32 $0x1, s30  }
0x314: {  	p1 =	sne.s32 s0, s31  }
.Ltmp1:
0x315: {  	_ = 	snop;
	(pc) =	sbr.rel @p1 .LBB2_1-.Ltmp1, $3  }
0x316: {  	_ =	sdelay $0x1  }
0x317: {  	[sflag:s12] =	ssyncset.done @!p0 $0x0  }
0x318: {  	[sflag:s12] =	ssyncadd.s32 @!p0 $0xFFFFF830  }
0x319: {  	_ =	sfence.sel $0x180000  }
0x31a: {  	[bflag:$0x0] =	sbarrier.arrive $0xFFFF  }
0x31b: {  	_ =	strace $0x9000004D  }
0x31c: {  	s0 =	stileid.u32;
	[bflag:$0x2] =	sbarrier.arrive $0xFFFF  }
0x31d: {  	p0 =	sne.s32 s0, $0x0;
	s0 =	rddreg [dreg:$0x3]  }
0x31e: {  	s0 =	sadd.s32 @!p0 $0x100000, s0  }
0x31f: {  	[sflag:s0] =	ssyncadd.tile.s32 @!p0 $0x1;
	_ =	shalt  }
.Lfunc_end2:
_tile_overlayer_lowered:
.L_overlay_start_2:
0x320: {  	(tag) =	ssettag $0x2  }
0x321: {  	s0 =	rddreg [dreg:$0x0];
	s2 =	stileid.u32  }
0x322: {  	s1 =	rddreg [dreg:$0x1];
	p0 =	sne.s32 s2, $0x0  }
0x323: {  	s3 =	rddreg [dreg:$0x2];
	[bflag:$0x3] =	sbarrier.arrive $0xFFFF;
	s2 =	simm.s32 @!p0 $0x1C03  }
0x324: {  	[timem:s3], [sflag:s2] =	dma.local @!p0 [hbm:s0], s1  }
0x325: {  	s0 =	simm.s32 @!p0 $0x3  }
0x326: {  	_ =	swait.ge @!p0 [sflag:s0], s1  }
0x327: {  	s1 =	ssub.s32 @!p0 $0x0, s1;
	[sflag:s0] =	ssyncset.done @!p0 $0x0  }
0x328: {  	[sflag:s0] =	ssyncadd.s32 @!p0 s1  }
0x329: {  	[bflag:$0x3] =	sbarrier.arrive $0xFFFF  }
0x32a: {  	_ =	shalt  }

// kernel: kernel.8.cloned.1.call-start
scs
__scs_entry_jumppad:
0x0: {  	(pc) =	sbr.rel $0x88, $3  }
0x1: {  	(tag) =	ssettag $0x0;
	lr =	simm.s32 $0x1  }
0x2: {  	[smem:$0x3F9B] =	sst lr;
	_ =	strace $0xD0000000  }
0x3: {  	_ = 	snop  }
0x4: {  	_ = 	snop  }
0x5: {  	_ = 	snop  }
0x6: {  	_ = 	snop  }
0x7: {  	_ = 	snop  }
__scs_overlays_trampoline_lowered:
0x8: {  	[smem:$0x3FAA] =	sst s0  }
0x9: {  	[smem:$0x3FAB] =	sst s1  }
0xa: {  	[smem:$0x3FAC] =	sst s2  }
0xb: {  	[smem:$0x3FAD] =	sst s3  }
0xc: {  	[smem:$0x3FAE] =	sst s4  }
0xd: {  	[smem:$0x3FAF] =	sst s5  }
0xe: {  	[smem:$0x3FB0] =	sst s6  }
0xf: {  	[smem:$0x3FB1] =	sst s7  }
0x10: {  	[smem:$0x3FB2] =	sst s8  }
0x11: {  	[smem:$0x3FB3] =	sst s9;
	s0 =	simm.s32 @!p0 $0x0  }
0x12: {  	s1 =	sld [smem:$0x3F99];
	s0 =	simm.s32 @p0 $0x1  }
0x13: {  	[smem:$0x3FB4] =	sst s0;
	s0 =	simm.s32 @!p1 $0x0  }
0x14: {  	s2 =	sld [smem:$0x3F98];
	s0 =	simm.s32 @p1 $0x1  }
0x15: {  	[smem:$0x3FB5] =	sst s0;
	s0 =	simm.s32 @!p2 $0x0  }
0x16: {  	s3 =	sld [smem:$0x3FDB];
	s0 =	simm.s32 @p2 $0x1  }
0x17: {  	s4 =	simm.s32 $0x1BF5;
	[smem:$0x3FB7] =	sst s0  }
0x18: {  	s0 =	sld [smem:$0x3F9A];
	_ =	swait.ge [sflag:s4], $0x0  }
0x19: {  	s7 =	sld [smem:$0x3F9B]  }
0x1a: {  	s8 =	sadd.s32 $0xFFFFE003, lr  }
0x1b: {  	s9 =	sadd.s32 $0xFFFFFEF7, lr;
	s5 =	simm.s32 $0xFFFFFFFF;
	p2 =	slt.u32 s8, $0xFFFFF086  }
0x1c: {  	p1 =	slt.u32 s9, $0xF7A;
	s5 =	simm.s32 @!p2 $0x0  }
0x1d: {  	s5 =	simm.s32 @p1 $0x1;
	p0 =	seq.s32 s7, s2  }
0x1e: {  	s7 =	smul.u32 @!p0 $0xF7A, s2;
	p2 =	seq.s32 @!p0 s5, $0x0  }
0x1f: {  	s9 =	smul.u32 $0xF7A, s1;
	s8 =	simm.s32 @!p0 $0x1BF5;
	p2 =	por !p2, p0  }
0x20: {  	[sflag:s8] =	ssyncset.s32 @!p0 $0xFFFFF086;
	s6 =	sadd.s32 @!p0 s3, s7;
	s7 =	simm.s32 @!p0 $0x108  }
0x21: {  	s3 =	sadd.s32 s3, s9;
	s6 =	sadd.s32 @!p0 $0x88, s6;
	s7 =	simm.s32 @p2 $0x1082  }
0x22: {  	[simem:s7], [sflag:s8] =	dma.local @!p0 [hbm:s6], $0xF7A  }
0x23: {  	s9 =	sor.u32 $0xD0000000, s2;
	s6 =	simm.s32 $0x108;
	_ =	swait.ge @!p0 [sflag:s8], $0x0  }
0x24: {  	s3 =	sadd.s32 $0x88, s3;
	s6 =	simm.s32 @!p1 $0x1082;
	[sflag:s4] =	ssyncset.s32 $0xFFFFF086  }
0x25: {  	[simem:s6], [sflag:s4] =	dma.local [hbm:s3], $0xF7A  }
0x26: {  	[smem:$0x3F9B] =	sst s1;
	(tag) =	ssettag s2;
	_ =	strace s9  }
0x27: {  	s1 =	sld [smem:$0x3FAB]  }
0x28: {  	s2 =	sld [smem:$0x3FAC]  }
0x29: {  	s4 =	sld [smem:$0x3FAE]  }
0x2a: {  	p0 =	seq.s32 s5, $0x0;
	s5 =	sld [smem:$0x3FAF]  }
0x2b: {  	s6 =	sld [smem:$0x3FB0]  }
0x2c: {  	s7 =	sld [smem:$0x3FB1]  }
0x2d: {  	s3 =	simm.s32 $0x108;
	s8 =	sld [smem:$0x3FB2]  }
0x2e: {  	s3 =	simm.s32 @!p0 $0x1082;
	s9 =	sld [smem:$0x3FB3]  }
0x2f: {  	lr =	sadd.s32 s0, s3;
	s0 =	sld [smem:$0x3FAA]  }
0x30: {  	s3 =	sld [smem:$0x3FAD]  }
0x31: {  	[smem:$0x3FB6] =	sst s10  }
0x32: {  	s10 =	sld [smem:$0x3FB4];
	_ =	sdelay $0x3  }
0x33: {  	p0 =	seq.s32 s10, $0x1;
	s10 =	sld [smem:$0x3FB6];
	_ =	sdelay $0x3  }
0x34: {  	[smem:$0x3FB6] =	sst s10  }
0x35: {  	s10 =	sld [smem:$0x3FB5];
	_ =	sdelay $0x3  }
0x36: {  	p1 =	seq.s32 s10, $0x1;
	s10 =	sld [smem:$0x3FB6];
	_ =	sdelay $0x3  }
0x37: {  	[smem:$0x3FB6] =	sst s10  }
0x38: {  	s10 =	sld [smem:$0x3FB7]  }
0x39: {  	_ = 	snop;
	(pc) =	sbr.ind lr, $3  }
0x3a: {  	_ = 	snop  }
0x3b: {  	_ = 	snop  }
0x3c: {  	p2 =	seq.s32 s10, $0x1;
	s10 =	sld [smem:$0x3FB6]  }
0x3d: {  	_ =	shalt  }
0x3e: {  	_ =	shalt  }
0x3f: {  	_ =	shalt  }
0x40: {  	_ =	shalt  }
0x41: {  	_ =	shalt  }
0x42: {  	_ =	shalt  }
0x43: {  	_ =	shalt  }
0x44: {  	_ =	shalt  }
0x45: {  	_ =	shalt  }
0x46: {  	_ =	shalt  }
0x47: {  	_ =	shalt  }
0x48: {  	_ =	shalt  }
0x49: {  	_ =	shalt  }
0x4a: {  	_ =	shalt  }
0x4b: {  	_ =	shalt  }
0x4c: {  	_ =	shalt  }
0x4d: {  	_ =	shalt  }
0x4e: {  	_ =	shalt  }
0x4f: {  	_ =	shalt  }
0x50: {  	_ =	shalt  }
0x51: {  	_ =	shalt  }
0x52: {  	_ =	shalt  }
0x53: {  	_ =	shalt  }
0x54: {  	_ =	shalt  }
0x55: {  	_ =	shalt  }
0x56: {  	_ =	shalt  }
0x57: {  	_ =	shalt  }
0x58: {  	_ =	shalt  }
0x59: {  	_ =	shalt  }
0x5a: {  	_ =	shalt  }
0x5b: {  	_ =	shalt  }
0x5c: {  	_ =	shalt  }
0x5d: {  	_ =	shalt  }
0x5e: {  	_ =	shalt  }
0x5f: {  	_ =	shalt  }
0x60: {  	_ =	shalt  }
0x61: {  	_ =	shalt  }
0x62: {  	_ =	shalt  }
0x63: {  	_ =	shalt  }
0x64: {  	_ =	shalt  }
0x65: {  	_ =	shalt  }
0x66: {  	_ =	shalt  }
0x67: {  	_ =	shalt  }
0x68: {  	_ =	shalt  }
0x69: {  	_ =	shalt  }
0x6a: {  	_ =	shalt  }
0x6b: {  	_ =	shalt  }
0x6c: {  	_ =	shalt  }
0x6d: {  	_ =	shalt  }
0x6e: {  	_ =	shalt  }
0x6f: {  	_ =	shalt  }
0x70: {  	_ =	shalt  }
0x71: {  	_ =	shalt  }
0x72: {  	_ =	shalt  }
0x73: {  	_ =	shalt  }
0x74: {  	_ =	shalt  }
0x75: {  	_ =	shalt  }
0x76: {  	_ =	shalt  }
0x77: {  	_ =	shalt  }
0x78: {  	_ =	shalt  }
0x79: {  	_ =	shalt  }
0x7a: {  	_ =	shalt  }
0x7b: {  	_ =	shalt  }
0x7c: {  	_ =	shalt  }
0x7d: {  	_ =	shalt  }
0x7e: {  	_ =	shalt  }
0x7f: {  	_ =	shalt  }
0x80: {  	_ =	shalt  }
0x81: {  	_ =	shalt  }
0x82: {  	_ =	shalt  }
0x83: {  	_ =	shalt  }
0x84: {  	_ =	shalt  }
0x85: {  	_ =	shalt  }
0x86: {  	_ =	shalt  }
0x87: {  	_ =	shalt  }
.Lfunc_end0:
.L_simem_size_0:
called_computation_lowered:
.L_overlay_start_0:
0x88: {  	s2 =	sld [smem:$0x3FD9]  }
0x89: {  	s3 =	sld [smem:$0x3FFE];
	_ =	sdelay $0x1  }
0x8a: {  	s1 =	srdreg.scid  }
0x8b: {  	s0 =	sand.u32 $0x1, s1  }
0x8c: {  	s17 =	sshll.u32 s0, $0xA;
	s2 =	sadd.s32 s3, s2  }
0x8d: {  	s2 =	sadd.s32 s2, s17  }
0x8e: {  	[smem:$0x3FC2] =	sst s2  }
0x8f: {  	_ = 	snop  }
0x90: {  	s2 =	sld [smem:$0x3FD0];
	(tm) =	ssettm $0x1  }
0x91: {  	s18 =	sld [smem:$0x3FFB];
	_ =	sdelay $0x3  }
0x92: {  	_ =	strace s18  }
0x93: {  	s3 =	sld [smem:$0x3FFC];
	_ =	sdelay $0x3  }
0x94: {  	_ =	strace s3  }
0x95: {  	s3 =	sld [smem:$0x3FFD];
	_ =	sdelay $0x3  }
0x96: {  	_ =	strace s3  }
0x97: {  	_ =	strace $0x8FFFFFFF  }
0x98: {  	s19 =	sld [smem:$0x3FDB];
	_ =	sdelay $0x1  }
0x99: {  	s4 =	simm.s32 $_scs_section_size  }
0x9a: {  	s5 =	simm.s32 $_size__tile_overlayer_lowered;
	s6 =	simm.s32 $_tile_overlayer_lowered  }
0x9b: {  	s22 =	simm.s32 $0x1BFF;
	s21 =	sshll.u32 s6, $0x1;
	s3 =	sadd.s32 s4, s19  }
0x9c: {  	s7 =	simm.s32 $0x0;
	s20 =	sshll.u32 s5, $0x1;
	s5 =	sadd.s32 s21, s3  }
0x9d: {  	[timem:s7], [sflag:s22] =	dma.local [hbm:s5], s20  }
0x9e: {  	_ =	swait.ge [sflag:s22], s20  }
0x9f: {  	s4 =	ssub.s32 $0x0, s20;
	[sflag:s22] =	ssyncset.done $0x0  }
0xa0: {  	[sflag:s22] =	ssyncadd.s32 s4;
	_ =	sdelay $0x1  }
0xa1: {  	s23 =	simm.s32 $0x1B8B  }
0xa2: {  	_ =	swait.ge [sflag:s23], $0x1  }
0xa3: {  	[sflag:s23] =	ssyncset.done $0x0  }
0xa4: {  	s25 =	simm.s32 $0x1B8E;
	s24 =	sld [smem:$0x3FFE];
	[sflag:s23] =	ssyncadd.s32 $0xFFFFFFFF  }
0xa5: {  	s26 =	simm.s32 $execute0_lowered;
	[smem:$0x3FD2] =	sst s25  }
0xa6: {  	s5 =	sshll.u32 s26, $0x1;
	_ =	strace $0x80000046;
	[dreg:$0x1] =	wrdreg $0xFFFFFFFF  }
0xa7: {  	s28 =	simm.s32 $_size_execute0_lowered;
	s3 =	sadd.s32 s3, s5;
	[dreg:$0x0] =	wrdreg $0x0  }
0xa8: {  	s5 =	sshll.u32 s28, $0x1;
	[dreg:$0x2] =	wrdreg s3  }
0xa9: {  	[dreg:$0x3] =	wrdreg s5  }
0xaa: {  	[dreg:$0x4] =	wrdreg $0xC0  }
0xab: {  	_ =	task [dreg:s7], $0x5FFFF  }
0xac: {  	[dreg:$0x1] =	wrdreg $0xFFFFFFFF  }
0xad: {  	[dreg:$0x0] =	wrdreg $0x60  }
0xae: {  	[dreg:$0x2] =	wrdreg s24  }
0xaf: {  	[dreg:$0x3] =	wrdreg s2  }
0xb0: {  	[dreg:$0x4] =	wrdreg $0x29900  }
0xb1: {  	[dreg:$0x5] =	wrdreg $0x9  }
0xb2: {  	_ =	task.clear_ibuf [dreg:s7], $0x6FFFF;
	_ =	strace $0x90000046  }
0xb3: {  	s29 =	simm.s32 $0x9;
	_ =	strace $0x80000048  }
0xb4: {  	_ =	swait.ge [sflag:s29], $0x1  }
0xb5: {  	[sflag:s29] =	ssyncadd.s32 $0xFFFFFFFF  }
0xb6: {  	_ =	strace $0x90000048  }
0xb7: {  	_ =	sfence  }
0xb8: {  	s30 =	sld [smem:$0x0];
	_ =	sdelay $0x2  }
0xb9: {  	s31 =	sshll.u32 s1, $0xD;
	s1 =	sshrl.u32 s1, $0x2  }
0xba: {  	s3 =	sand.u32 $0x4000, s31;
	s1 =	sadd.s32 s1, s30  }
0xbb: {  	s0 =	sor.u32 s3, s0;
	s1 =	sshll.u32 s1, $0x11  }
0xbc: {  	s0 =	sor.u32 s1, s0  }
0xbd: {  	s0 =	sadd.s32 $0x8F2B, s0  }
0xbe: {  	[sflag:s0] =	ssyncadd.remote.s32 $0x1  }
0xbf: {  	_ =	sfence.sel $0xFFFF  }
0xc0: {  	[dreg:$0x0] =	wrdreg $0xFFFFFFFF;
	(pc) =	sbr.abs _section_cstart, $3  }
0xc1: {  	[dreg:$0x1] =	wrdreg $0xFFFFFFFF  }
0xc2: {  	_ =	task.clear_ibuf [dreg:s7], $0x2FFFF;
	_ =	strace $0x9FFFFFFF  }
0xc3: {  	(tm) =	ssettm $0x7FFFFFFF  }
tec
execute0_lowered:
.L_overlay_start_1:
0x0: {  	(tag) =	ssettag $0x1  }
0x1: {  	s5 =	rddreg [dreg:$0x0]  }
0x2: {  	s7 =	rddreg [dreg:$0x1]  }
0x3: {  	s0 =	srdreg.scid;
	s2 =	rddreg [dreg:$0x2]  }
0x4: {  	s3 =	simm.s32 $0x0;
	s6 =	sand.u32 $0x1, s0;
	s0 =	stileid.u32  }
0x5: {  	s14 =	simm.s32 $0x1;
	s16 =	simm.s32 $0x0;
	s8 =	smul.u32 $0x7D00, s0  }
0x6: {  	[smem:$0x7FF] =	sst s3;
	s1 =	sshll.u32 s6, $0x4;
	s10 =	smul.u32 $0x13880, s6  }
0x7: {  	s6 =	ssub.s32 $0x2, s6;
	s11 =	smul.u32 $0x1F40, s0;
	p0 =	sgt.u32 s0, $0x9  }
0x8: {  	s4 =	sor.u32 s0, s1;
	s1 =	rddreg [dreg:$0x3];
	_ =	strace $0x80000047  }
0x9: {  	s12 =	sshrl.u32 s6, $0x1;
	s4 =	smul.u32 $0x4E2, s4;
	s8 =	sshrl.u32 s8, $0x2  }
0xa: {  	s12 =	ssub.s32 s6, s12;
	s31 =	sadd.s32 s11, s10;
	s15 =	sadd.s32 s11, s2  }
0xb: {  	s11 =	simm.s32 $0x2710;
	s13 =	sadd.s32 s8, s2;
	s8 =	sshrl.u32 s31, $0x3  }
0xc: {  	s15 =	sshrl.u32 @!p0 s15, $0x3;
	s9 =	sadd.s32 s4, s5;
	s4 =	sadd.s32 $0x15200, s5  }
0xd: {  	s5 =	sadd.s32 $0x15600, s5;
	s7 =	sadd.s32 s7, s8;
	s8 =	smax.u32 s12, $0x1  }
0xe: {  	s10 =	sshrl.u32 @!p0 s13, $0x3;
	s6 =	sadd.s32 $0xB400, s9;
	s9 =	sshll.u32 @!p0 s0, $0x6  }
0xf: {  	s12 =	simm.s32 $0x2;
	s13 =	simm.s32 $0x50;
	s9 =	sor.u32 @!p0 $0x1C02, s9  }
.LBB2_1:
0x10: {  	[spmem:s10], [sflag:s9] =	dma.local @!p0 [hbm:s4], $0x3E8  }
0x11: {  	s17 =	simm.s32 @!p0 $0x2  }
0x12: {  	_ =	swait.ge @!p0 [sflag:s17], $0x3E8  }
0x13: {  	[sflag:s17] =	ssyncset.done @!p0 $0x0  }
0x14: {  	[sflag:s17] =	ssyncadd.s32 @!p0 $0xFFFFFC18  }
0x15: {  	[tilespmem:s11], [sflag:$0x2] =	stream.linear.gather [hbm4b:s5+s3], $0x280, $0x38;
	[tilespmem:$0x3D18] =	vst v63  }
0x16: {  	_ =	swait.ge [sflag:s12], $0x280  }
0x17: {  	[sflag:s12] =	ssyncset.done $0x0  }
0x18: {  	[sflag:s12] =	ssyncadd.s32 $0xFFFFFD80  }
0x19: {  	[tilespmem:s3], [sflag:$0x2] =	stream.linear.gather [hbm4b:s6+s3], $0x2710, $0x38;
	[tilespmem:$0x3D18] =	vst v63  }
0x1a: {  	_ =	swait.ge [sflag:s12], $0x2710  }
0x1b: {  	[sflag:s12] =	ssyncset.done $0x0  }
0x1c: {  	[sflag:s12] =	ssyncadd.s32 $0xFFFFD8F0  }
0x1d: {  	s19 =	simm.s32 $0x0;
	[bflag:$0x0] =	sbarrier.arrive $0xFFFF  }
0x1e: {  	[spmem:s2] =	stream.indirect.scatter.add.f32 [tilespmem:s11], [sflag:$0x1], $0x8, s19, s13, $0xb8;
	[tilespmem:$0x3D18] =	vst v63  }
0x1f: {  	s20 =	simm.s32 $0x50  }
0x20: {  	[spmem:s2] =	stream.indirect.scatter.add.f32 [tilespmem:s11], [sflag:$0x1], $0x8, s20, s13, $0xb8;
	[tilespmem:$0x3D18] =	vst v63  }
0x21: {  	s21 =	simm.s32 $0xA0  }
0x22: {  	[spmem:s2] =	stream.indirect.scatter.add.f32 [tilespmem:s11], [sflag:$0x1], $0x8, s21, s13, $0xb8;
	[tilespmem:$0x3D18] =	vst v63  }
0x23: {  	s22 =	simm.s32 $0xF0  }
0x24: {  	[spmem:s2] =	stream.indirect.scatter.add.f32 [tilespmem:s11], [sflag:$0x1], $0x8, s22, s13, $0xb8;
	[tilespmem:$0x3D18] =	vst v63  }
0x25: {  	s23 =	simm.s32 $0x140  }
0x26: {  	[spmem:s2] =	stream.indirect.scatter.add.f32 [tilespmem:s11], [sflag:$0x1], $0x8, s23, s13, $0xb8;
	[tilespmem:$0x3D18] =	vst v63  }
0x27: {  	s24 =	simm.s32 $0x190  }
0x28: {  	[spmem:s2] =	stream.indirect.scatter.add.f32 [tilespmem:s11], [sflag:$0x1], $0x8, s24, s13, $0xb8;
	[tilespmem:$0x3D18] =	vst v63  }
0x29: {  	s25 =	simm.s32 $0x1E0  }
0x2a: {  	[spmem:s2] =	stream.indirect.scatter.add.f32 [tilespmem:s11], [sflag:$0x1], $0x8, s25, s13, $0xb8;
	[tilespmem:$0x3D18] =	vst v63  }
0x2b: {  	s26 =	simm.s32 $0x230  }
0x2c: {  	[spmem:s2] =	stream.indirect.scatter.add.f32 [tilespmem:s11], [sflag:$0x1], $0x8, s26, s13, $0xb8;
	[tilespmem:$0x3D18] =	vst v63  }
0x2d: {  	s28 =	simm.s32 $0x280  }
0x2e: {  	[spmem:s2] =	stream.indirect.scatter.add.f32 [tilespmem:s11], [sflag:$0x1], $0x8, s28, s13, $0xb8;
	[tilespmem:$0x3D18] =	vst v63  }
0x2f: {  	s29 =	simm.s32 $0x2D0  }
0x30: {  	[spmem:s2] =	stream.indirect.scatter.add.f32 [tilespmem:s11], [sflag:$0x1], $0x8, s29, s13, $0xb8;
	[tilespmem:$0x3D18] =	vst v63  }
0x31: {  	s30 =	simm.s32 $0x320  }
0x32: {  	[spmem:s2] =	stream.indirect.scatter.add.f32 [tilespmem:s11], [sflag:$0x1], $0x8, s30, s13, $0xb8;
	[tilespmem:$0x3D18] =	vst v63  }
0x33: {  	s31 =	simm.s32 $0x370  }
0x34: {  	[spmem:s2] =	stream.indirect.scatter.add.f32 [tilespmem:s11], [sflag:$0x1], $0x8, s31, s13, $0xb8;
	[tilespmem:$0x3D18] =	vst v63  }
0x35: {  	s18 =	simm.s32 $0x3C0  }
0x36: {  	[spmem:s2] =	stream.indirect.scatter.add.f32 [tilespmem:s11], [sflag:$0x1], $0x8, s18, s13, $0xb8;
	[tilespmem:$0x3D18] =	vst v63  }
0x37: {  	s19 =	simm.s32 $0x410  }
0x38: {  	[spmem:s2] =	stream.indirect.scatter.add.f32 [tilespmem:s11], [sflag:$0x1], $0x8, s19, s13, $0xb8;
	[tilespmem:$0x3D18] =	vst v63  }
0x39: {  	s20 =	simm.s32 $0x460  }
0x3a: {  	[spmem:s2] =	stream.indirect.scatter.add.f32 [tilespmem:s11], [sflag:$0x1], $0x8, s20, s13, $0xb8;
	[tilespmem:$0x3D18] =	vst v63  }
0x3b: {  	s21 =	simm.s32 $0x4B0  }
0x3c: {  	[spmem:s2] =	stream.indirect.scatter.add.f32 [tilespmem:s11], [sflag:$0x1], $0x8, s21, s13, $0xb8;
	[tilespmem:$0x3D18] =	vst v63  }
0x3d: {  	s22 =	simm.s32 $0x500  }
0x3e: {  	[spmem:s2] =	stream.indirect.scatter.add.f32 [tilespmem:s11], [sflag:$0x1], $0x8, s22, s13, $0xb8;
	[tilespmem:$0x3D18] =	vst v63  }
0x3f: {  	s23 =	simm.s32 $0x550  }
0x40: {  	[spmem:s2] =	stream.indirect.scatter.add.f32 [tilespmem:s11], [sflag:$0x1], $0x8, s23, s13, $0xb8;
	[tilespmem:$0x3D18] =	vst v63  }
0x41: {  	s24 =	simm.s32 $0x5A0  }
0x42: {  	[spmem:s2] =	stream.indirect.scatter.add.f32 [tilespmem:s11], [sflag:$0x1], $0x8, s24, s13, $0xb8;
	[tilespmem:$0x3D18] =	vst v63  }
0x43: {  	s25 =	simm.s32 $0x5F0  }
0x44: {  	[spmem:s2] =	stream.indirect.scatter.add.f32 [tilespmem:s11], [sflag:$0x1], $0x8, s25, s13, $0xb8;
	[tilespmem:$0x3D18] =	vst v63  }
0x45: {  	s26 =	simm.s32 $0x640  }
0x46: {  	[spmem:s2] =	stream.indirect.scatter.add.f32 [tilespmem:s11], [sflag:$0x1], $0x8, s26, s13, $0xb8;
	[tilespmem:$0x3D18] =	vst v63  }
0x47: {  	s28 =	simm.s32 $0x690  }
0x48: {  	[spmem:s2] =	stream.indirect.scatter.add.f32 [tilespmem:s11], [sflag:$0x1], $0x8, s28, s13, $0xb8;
	[tilespmem:$0x3D18] =	vst v63  }
0x49: {  	s29 =	simm.s32 $0x6E0  }
0x4a: {  	[spmem:s2] =	stream.indirect.scatter.add.f32 [tilespmem:s11], [sflag:$0x1], $0x8, s29, s13, $0xb8;
	[tilespmem:$0x3D18] =	vst v63  }
0x4b: {  	s30 =	simm.s32 $0x730  }
0x4c: {  	[spmem:s2] =	stream.indirect.scatter.add.f32 [tilespmem:s11], [sflag:$0x1], $0x8, s30, s13, $0xb8;
	[tilespmem:$0x3D18] =	vst v63  }
0x4d: {  	s31 =	simm.s32 $0x780  }
0x4e: {  	[spmem:s2] =	stream.indirect.scatter.add.f32 [tilespmem:s11], [sflag:$0x1], $0x8, s31, s13, $0xb8;
	[tilespmem:$0x3D18] =	vst v63  }
0x4f: {  	_ =	swait.ge [sflag:s14], $0x280  }
0x50: {  	[sflag:s14] =	ssyncset.done $0x0  }
0x51: {  	[sflag:s14] =	ssyncadd.s32 $0xFFFFFD80  }
0x52: {  	_ =	swait.ge [sflag:s14], $0x280  }
0x53: {  	[sflag:s14] =	ssyncset.done $0x0  }
0x54: {  	[sflag:s14] =	ssyncadd.s32 $0xFFFFFD80  }
0x55: {  	_ =	swait.ge [sflag:s14], $0x280  }
0x56: {  	[sflag:s14] =	ssyncset.done $0x0  }
0x57: {  	[sflag:s14] =	ssyncadd.s32 $0xFFFFFD80  }
0x58: {  	_ =	swait.ge [sflag:s14], $0x280  }
0x59: {  	[sflag:s14] =	ssyncset.done $0x0  }
0x5a: {  	[sflag:s14] =	ssyncadd.s32 $0xFFFFFD80  }
0x5b: {  	_ =	swait.ge [sflag:s14], $0x280  }
0x5c: {  	[sflag:s14] =	ssyncset.done $0x0  }
0x5d: {  	[sflag:s14] =	ssyncadd.s32 $0xFFFFFD80  }
0x5e: {  	_ =	swait.ge [sflag:s14], $0x280  }
0x5f: {  	[sflag:s14] =	ssyncset.done $0x0  }
0x60: {  	[sflag:s14] =	ssyncadd.s32 $0xFFFFFD80  }
0x61: {  	_ =	swait.ge [sflag:s14], $0x280  }
0x62: {  	[sflag:s14] =	ssyncset.done $0x0  }
0x63: {  	[sflag:s14] =	ssyncadd.s32 $0xFFFFFD80  }
0x64: {  	_ =	swait.ge [sflag:s14], $0x280  }
0x65: {  	[sflag:s14] =	ssyncset.done $0x0  }
0x66: {  	[sflag:s14] =	ssyncadd.s32 $0xFFFFFD80  }
0x67: {  	_ =	swait.ge [sflag:s14], $0x280  }
0x68: {  	[sflag:s14] =	ssyncset.done $0x0  }
0x69: {  	[sflag:s14] =	ssyncadd.s32 $0xFFFFFD80  }
0x6a: {  	_ =	swait.ge [sflag:s14], $0x280  }
0x6b: {  	[sflag:s14] =	ssyncset.done $0x0  }
0x6c: {  	[sflag:s14] =	ssyncadd.s32 $0xFFFFFD80  }
0x6d: {  	_ =	swait.ge [sflag:s14], $0x280  }
0x6e: {  	[sflag:s14] =	ssyncset.done $0x0  }
0x6f: {  	[sflag:s14] =	ssyncadd.s32 $0xFFFFFD80  }
0x70: {  	_ =	swait.ge [sflag:s14], $0x280  }
0x71: {  	[sflag:s14] =	ssyncset.done $0x0  }
0x72: {  	[sflag:s14] =	ssyncadd.s32 $0xFFFFFD80  }
0x73: {  	_ =	swait.ge [sflag:s14], $0x280  }
0x74: {  	[sflag:s14] =	ssyncset.done $0x0  }
0x75: {  	[sflag:s14] =	ssyncadd.s32 $0xFFFFFD80  }
0x76: {  	_ =	swait.ge [sflag:s14], $0x280  }
0x77: {  	[sflag:s14] =	ssyncset.done $0x0  }
0x78: {  	[sflag:s14] =	ssyncadd.s32 $0xFFFFFD80  }
0x79: {  	_ =	swait.ge [sflag:s14], $0x280  }
0x7a: {  	[sflag:s14] =	ssyncset.done $0x0  }
0x7b: {  	[sflag:s14] =	ssyncadd.s32 $0xFFFFFD80  }
0x7c: {  	_ =	swait.ge [sflag:s14], $0x280  }
0x7d: {  	[sflag:s14] =	ssyncset.done $0x0  }
0x7e: {  	[sflag:s14] =	ssyncadd.s32 $0xFFFFFD80  }
0x7f: {  	_ =	swait.ge [sflag:s14], $0x280  }
0x80: {  	[sflag:s14] =	ssyncset.done $0x0  }
0x81: {  	[sflag:s14] =	ssyncadd.s32 $0xFFFFFD80  }
0x82: {  	_ =	swait.ge [sflag:s14], $0x280  }
0x83: {  	[sflag:s14] =	ssyncset.done $0x0  }
0x84: {  	[sflag:s14] =	ssyncadd.s32 $0xFFFFFD80  }
0x85: {  	_ =	swait.ge [sflag:s14], $0x280  }
0x86: {  	[sflag:s14] =	ssyncset.done $0x0  }
0x87: {  	[sflag:s14] =	ssyncadd.s32 $0xFFFFFD80  }
0x88: {  	_ =	swait.ge [sflag:s14], $0x280  }
0x89: {  	[sflag:s14] =	ssyncset.done $0x0  }
0x8a: {  	[sflag:s14] =	ssyncadd.s32 $0xFFFFFD80  }
0x8b: {  	_ =	swait.ge [sflag:s14], $0x280  }
0x8c: {  	[sflag:s14] =	ssyncset.done $0x0  }
0x8d: {  	[sflag:s14] =	ssyncadd.s32 $0xFFFFFD80  }
0x8e: {  	_ =	swait.ge [sflag:s14], $0x280  }
0x8f: {  	[sflag:s14] =	ssyncset.done $0x0  }
0x90: {  	[sflag:s14] =	ssyncadd.s32 $0xFFFFFD80  }
0x91: {  	_ =	swait.ge [sflag:s14], $0x280  }
0x92: {  	[sflag:s14] =	ssyncset.done $0x0  }
0x93: {  	[sflag:s14] =	ssyncadd.s32 $0xFFFFFD80  }
0x94: {  	_ =	swait.ge [sflag:s14], $0x280  }
0x95: {  	[sflag:s14] =	ssyncset.done $0x0  }
0x96: {  	[sflag:s14] =	ssyncadd.s32 $0xFFFFFD80  }
0x97: {  	_ =	swait.ge [sflag:s14], $0x280  }
0x98: {  	s17 =	simm.s32 $0x1F40;
	s20 =	simm.s32 $0x3E80;
	[sflag:s14] =	ssyncset.done $0x0  }
.LBB2_2:
0x99: {  	s19 =	sshra.s32 s17, $0x2  }
0x9a: {  	[sflag:s14] =	ssyncadd.s32 $0xFFFFFD80;
	s17 =	smov.u32 s20;
	s18 =	sadd.s32 $0x1F40, s20  }
0x9b: {  	[spmem:s2] =	stream.indirect.scatter.add.f32 [tilespmem:s11], [sflag:$0x1], $0x8, s19, s13, $0xb8;
	[tilespmem:$0x3D18] =	vst v63  }
0x9c: {  	p1 =	sne.s32 s20, $0x7D00;
	s20 =	sadd.s32 $0x50, s19  }
0x9d: {  	[spmem:s2] =	stream.indirect.scatter.add.f32 [tilespmem:s11], [sflag:$0x1], $0x8, s20, s13, $0xb8;
	[tilespmem:$0x3D18] =	vst v63  }
0x9e: {  	s20 =	sadd.s32 $0xA0, s19  }
0x9f: {  	[spmem:s2] =	stream.indirect.scatter.add.f32 [tilespmem:s11], [sflag:$0x1], $0x8, s20, s13, $0xb8;
	[tilespmem:$0x3D18] =	vst v63  }
0xa0: {  	s20 =	sadd.s32 $0xF0, s19  }
0xa1: {  	[spmem:s2] =	stream.indirect.scatter.add.f32 [tilespmem:s11], [sflag:$0x1], $0x8, s20, s13, $0xb8;
	[tilespmem:$0x3D18] =	vst v63  }
0xa2: {  	s20 =	sadd.s32 $0x140, s19  }
0xa3: {  	[spmem:s2] =	stream.indirect.scatter.add.f32 [tilespmem:s11], [sflag:$0x1], $0x8, s20, s13, $0xb8;
	[tilespmem:$0x3D18] =	vst v63  }
0xa4: {  	s20 =	sadd.s32 $0x190, s19  }
0xa5: {  	[spmem:s2] =	stream.indirect.scatter.add.f32 [tilespmem:s11], [sflag:$0x1], $0x8, s20, s13, $0xb8;
	[tilespmem:$0x3D18] =	vst v63  }
0xa6: {  	s20 =	sadd.s32 $0x1E0, s19  }
0xa7: {  	[spmem:s2] =	stream.indirect.scatter.add.f32 [tilespmem:s11], [sflag:$0x1], $0x8, s20, s13, $0xb8;
	[tilespmem:$0x3D18] =	vst v63  }
0xa8: {  	s20 =	sadd.s32 $0x230, s19  }
0xa9: {  	[spmem:s2] =	stream.indirect.scatter.add.f32 [tilespmem:s11], [sflag:$0x1], $0x8, s20, s13, $0xb8;
	[tilespmem:$0x3D18] =	vst v63  }
0xaa: {  	s20 =	sadd.s32 $0x280, s19  }
0xab: {  	[spmem:s2] =	stream.indirect.scatter.add.f32 [tilespmem:s11], [sflag:$0x1], $0x8, s20, s13, $0xb8;
	[tilespmem:$0x3D18] =	vst v63  }
0xac: {  	s20 =	sadd.s32 $0x2D0, s19  }
0xad: {  	[spmem:s2] =	stream.indirect.scatter.add.f32 [tilespmem:s11], [sflag:$0x1], $0x8, s20, s13, $0xb8;
	[tilespmem:$0x3D18] =	vst v63  }
0xae: {  	s20 =	sadd.s32 $0x320, s19  }
0xaf: {  	[spmem:s2] =	stream.indirect.scatter.add.f32 [tilespmem:s11], [sflag:$0x1], $0x8, s20, s13, $0xb8;
	[tilespmem:$0x3D18] =	vst v63  }
0xb0: {  	s20 =	sadd.s32 $0x370, s19  }
0xb1: {  	[spmem:s2] =	stream.indirect.scatter.add.f32 [tilespmem:s11], [sflag:$0x1], $0x8, s20, s13, $0xb8;
	[tilespmem:$0x3D18] =	vst v63  }
0xb2: {  	s20 =	sadd.s32 $0x3C0, s19  }
0xb3: {  	[spmem:s2] =	stream.indirect.scatter.add.f32 [tilespmem:s11], [sflag:$0x1], $0x8, s20, s13, $0xb8;
	[tilespmem:$0x3D18] =	vst v63  }
0xb4: {  	s20 =	sadd.s32 $0x410, s19  }
0xb5: {  	[spmem:s2] =	stream.indirect.scatter.add.f32 [tilespmem:s11], [sflag:$0x1], $0x8, s20, s13, $0xb8;
	[tilespmem:$0x3D18] =	vst v63  }
0xb6: {  	s20 =	sadd.s32 $0x460, s19  }
0xb7: {  	[spmem:s2] =	stream.indirect.scatter.add.f32 [tilespmem:s11], [sflag:$0x1], $0x8, s20, s13, $0xb8;
	[tilespmem:$0x3D18] =	vst v63  }
0xb8: {  	s20 =	sadd.s32 $0x4B0, s19  }
0xb9: {  	[spmem:s2] =	stream.indirect.scatter.add.f32 [tilespmem:s11], [sflag:$0x1], $0x8, s20, s13, $0xb8;
	[tilespmem:$0x3D18] =	vst v63  }
0xba: {  	s20 =	sadd.s32 $0x500, s19  }
0xbb: {  	[spmem:s2] =	stream.indirect.scatter.add.f32 [tilespmem:s11], [sflag:$0x1], $0x8, s20, s13, $0xb8;
	[tilespmem:$0x3D18] =	vst v63  }
0xbc: {  	s20 =	sadd.s32 $0x550, s19  }
0xbd: {  	[spmem:s2] =	stream.indirect.scatter.add.f32 [tilespmem:s11], [sflag:$0x1], $0x8, s20, s13, $0xb8;
	[tilespmem:$0x3D18] =	vst v63  }
0xbe: {  	s20 =	sadd.s32 $0x5A0, s19  }
0xbf: {  	[spmem:s2] =	stream.indirect.scatter.add.f32 [tilespmem:s11], [sflag:$0x1], $0x8, s20, s13, $0xb8;
	[tilespmem:$0x3D18] =	vst v63  }
0xc0: {  	s20 =	sadd.s32 $0x5F0, s19  }
0xc1: {  	[spmem:s2] =	stream.indirect.scatter.add.f32 [tilespmem:s11], [sflag:$0x1], $0x8, s20, s13, $0xb8;
	[tilespmem:$0x3D18] =	vst v63  }
0xc2: {  	s20 =	sadd.s32 $0x640, s19  }
0xc3: {  	[spmem:s2] =	stream.indirect.scatter.add.f32 [tilespmem:s11], [sflag:$0x1], $0x8, s20, s13, $0xb8;
	[tilespmem:$0x3D18] =	vst v63  }
0xc4: {  	s20 =	sadd.s32 $0x690, s19  }
0xc5: {  	[spmem:s2] =	stream.indirect.scatter.add.f32 [tilespmem:s11], [sflag:$0x1], $0x8, s20, s13, $0xb8;
	[tilespmem:$0x3D18] =	vst v63  }
0xc6: {  	s20 =	sadd.s32 $0x6E0, s19  }
0xc7: {  	[spmem:s2] =	stream.indirect.scatter.add.f32 [tilespmem:s11], [sflag:$0x1], $0x8, s20, s13, $0xb8;
	[tilespmem:$0x3D18] =	vst v63  }
0xc8: {  	s20 =	sadd.s32 $0x730, s19  }
0xc9: {  	[spmem:s2] =	stream.indirect.scatter.add.f32 [tilespmem:s11], [sflag:$0x1], $0x8, s20, s13, $0xb8;
	[tilespmem:$0x3D18] =	vst v63  }
0xca: {  	s19 =	sadd.s32 $0x780, s19  }
0xcb: {  	[spmem:s2] =	stream.indirect.scatter.add.f32 [tilespmem:s11], [sflag:$0x1], $0x8, s19, s13, $0xb8;
	[tilespmem:$0x3D18] =	vst v63  }
0xcc: {  	_ =	swait.ge [sflag:s14], $0x280  }
0xcd: {  	[sflag:s14] =	ssyncset.done $0x0  }
0xce: {  	[sflag:s14] =	ssyncadd.s32 $0xFFFFFD80  }
0xcf: {  	_ =	swait.ge [sflag:s14], $0x280  }
0xd0: {  	[sflag:s14] =	ssyncset.done $0x0  }
0xd1: {  	[sflag:s14] =	ssyncadd.s32 $0xFFFFFD80  }
0xd2: {  	_ =	swait.ge [sflag:s14], $0x280  }
0xd3: {  	[sflag:s14] =	ssyncset.done $0x0  }
0xd4: {  	[sflag:s14] =	ssyncadd.s32 $0xFFFFFD80  }
0xd5: {  	_ =	swait.ge [sflag:s14], $0x280  }
0xd6: {  	[sflag:s14] =	ssyncset.done $0x0  }
0xd7: {  	[sflag:s14] =	ssyncadd.s32 $0xFFFFFD80  }
0xd8: {  	_ =	swait.ge [sflag:s14], $0x280  }
0xd9: {  	[sflag:s14] =	ssyncset.done $0x0  }
0xda: {  	[sflag:s14] =	ssyncadd.s32 $0xFFFFFD80  }
0xdb: {  	_ =	swait.ge [sflag:s14], $0x280  }
0xdc: {  	[sflag:s14] =	ssyncset.done $0x0  }
0xdd: {  	[sflag:s14] =	ssyncadd.s32 $0xFFFFFD80  }
0xde: {  	_ =	swait.ge [sflag:s14], $0x280  }
0xdf: {  	[sflag:s14] =	ssyncset.done $0x0  }
0xe0: {  	[sflag:s14] =	ssyncadd.s32 $0xFFFFFD80  }
0xe1: {  	_ =	swait.ge [sflag:s14], $0x280  }
0xe2: {  	[sflag:s14] =	ssyncset.done $0x0  }
0xe3: {  	[sflag:s14] =	ssyncadd.s32 $0xFFFFFD80  }
0xe4: {  	_ =	swait.ge [sflag:s14], $0x280  }
0xe5: {  	[sflag:s14] =	ssyncset.done $0x0  }
0xe6: {  	[sflag:s14] =	ssyncadd.s32 $0xFFFFFD80  }
0xe7: {  	_ =	swait.ge [sflag:s14], $0x280  }
0xe8: {  	[sflag:s14] =	ssyncset.done $0x0  }
0xe9: {  	[sflag:s14] =	ssyncadd.s32 $0xFFFFFD80  }
0xea: {  	_ =	swait.ge [sflag:s14], $0x280  }
0xeb: {  	[sflag:s14] =	ssyncset.done $0x0  }
0xec: {  	[sflag:s14] =	ssyncadd.s32 $0xFFFFFD80  }
0xed: {  	_ =	swait.ge [sflag:s14], $0x280  }
0xee: {  	[sflag:s14] =	ssyncset.done $0x0  }
0xef: {  	[sflag:s14] =	ssyncadd.s32 $0xFFFFFD80  }
0xf0: {  	_ =	swait.ge [sflag:s14], $0x280  }
0xf1: {  	[sflag:s14] =	ssyncset.done $0x0  }
0xf2: {  	[sflag:s14] =	ssyncadd.s32 $0xFFFFFD80  }
0xf3: {  	_ =	swait.ge [sflag:s14], $0x280  }
0xf4: {  	[sflag:s14] =	ssyncset.done $0x0  }
0xf5: {  	[sflag:s14] =	ssyncadd.s32 $0xFFFFFD80  }
0xf6: {  	_ =	swait.ge [sflag:s14], $0x280  }
0xf7: {  	[sflag:s14] =	ssyncset.done $0x0  }
0xf8: {  	[sflag:s14] =	ssyncadd.s32 $0xFFFFFD80  }
0xf9: {  	_ =	swait.ge [sflag:s14], $0x280  }
0xfa: {  	[sflag:s14] =	ssyncset.done $0x0  }
0xfb: {  	[sflag:s14] =	ssyncadd.s32 $0xFFFFFD80  }
0xfc: {  	_ =	swait.ge [sflag:s14], $0x280  }
0xfd: {  	[sflag:s14] =	ssyncset.done $0x0  }
0xfe: {  	[sflag:s14] =	ssyncadd.s32 $0xFFFFFD80  }
0xff: {  	_ =	swait.ge [sflag:s14], $0x280  }
0x100: {  	[sflag:s14] =	ssyncset.done $0x0  }
0x101: {  	[sflag:s14] =	ssyncadd.s32 $0xFFFFFD80  }
0x102: {  	_ =	swait.ge [sflag:s14], $0x280  }
0x103: {  	[sflag:s14] =	ssyncset.done $0x0  }
0x104: {  	[sflag:s14] =	ssyncadd.s32 $0xFFFFFD80  }
0x105: {  	_ =	swait.ge [sflag:s14], $0x280  }
0x106: {  	[sflag:s14] =	ssyncset.done $0x0  }
0x107: {  	[sflag:s14] =	ssyncadd.s32 $0xFFFFFD80  }
0x108: {  	_ =	swait.ge [sflag:s14], $0x280  }
0x109: {  	[sflag:s14] =	ssyncset.done $0x0  }
0x10a: {  	[sflag:s14] =	ssyncadd.s32 $0xFFFFFD80  }
0x10b: {  	_ =	swait.ge [sflag:s14], $0x280  }
0x10c: {  	[sflag:s14] =	ssyncset.done $0x0  }
0x10d: {  	[sflag:s14] =	ssyncadd.s32 $0xFFFFFD80  }
0x10e: {  	_ =	swait.ge [sflag:s14], $0x280  }
0x10f: {  	[sflag:s14] =	ssyncset.done $0x0  }
0x110: {  	[sflag:s14] =	ssyncadd.s32 $0xFFFFFD80  }
.Ltmp0:
0x111: {  	_ =	swait.ge [sflag:s14], $0x280;
	(pc) =	sbr.rel @p1 .LBB2_2-.Ltmp0, $4  }
0x112: {  	[sflag:s14] =	ssyncset.done $0x0  }
0x113: {  	[sflag:s14] =	ssyncadd.s32 $0xFFFFFD80  }
0x114: {  	_ =	swait.ge [sflag:s14], $0x280  }
0x115: {  	s20 =	smov.u32 s18;
	[sflag:s14] =	ssyncset.done $0x0  }
0x116: {  	s17 =	sshra.s32 s17, $0x2;
	[sflag:s14] =	ssyncadd.s32 $0xFFFFFD80  }
0x117: {  	[spmem:s2] =	stream.indirect.scatter.add.f32 [tilespmem:s11], [sflag:$0x1], $0x8, s17, s13, $0xb8;
	[tilespmem:$0x3D18] =	vst v63  }
0x118: {  	s18 =	sadd.s32 $0x50, s17  }
0x119: {  	[spmem:s2] =	stream.indirect.scatter.add.f32 [tilespmem:s11], [sflag:$0x1], $0x8, s18, s13, $0xb8;
	[tilespmem:$0x3D18] =	vst v63  }
0x11a: {  	s21 =	sadd.s32 $0xA0, s17  }
0x11b: {  	[spmem:s2] =	stream.indirect.scatter.add.f32 [tilespmem:s11], [sflag:$0x1], $0x8, s21, s13, $0xb8;
	[tilespmem:$0x3D18] =	vst v63  }
0x11c: {  	s22 =	sadd.s32 $0xF0, s17  }
0x11d: {  	[spmem:s2] =	stream.indirect.scatter.add.f32 [tilespmem:s11], [sflag:$0x1], $0x8, s22, s13, $0xb8;
	[tilespmem:$0x3D18] =	vst v63  }
0x11e: {  	s23 =	sadd.s32 $0x140, s17  }
0x11f: {  	[spmem:s2] =	stream.indirect.scatter.add.f32 [tilespmem:s11], [sflag:$0x1], $0x8, s23, s13, $0xb8;
	[tilespmem:$0x3D18] =	vst v63  }
0x120: {  	s24 =	sadd.s32 $0x190, s17  }
0x121: {  	[spmem:s2] =	stream.indirect.scatter.add.f32 [tilespmem:s11], [sflag:$0x1], $0x8, s24, s13, $0xb8;
	[tilespmem:$0x3D18] =	vst v63  }
0x122: {  	s25 =	sadd.s32 $0x1E0, s17  }
0x123: {  	[spmem:s2] =	stream.indirect.scatter.add.f32 [tilespmem:s11], [sflag:$0x1], $0x8, s25, s13, $0xb8;
	[tilespmem:$0x3D18] =	vst v63  }
0x124: {  	s26 =	sadd.s32 $0x230, s17  }
0x125: {  	[spmem:s2] =	stream.indirect.scatter.add.f32 [tilespmem:s11], [sflag:$0x1], $0x8, s26, s13, $0xb8;
	[tilespmem:$0x3D18] =	vst v63  }
0x126: {  	s28 =	sadd.s32 $0x280, s17  }
0x127: {  	[spmem:s2] =	stream.indirect.scatter.add.f32 [tilespmem:s11], [sflag:$0x1], $0x8, s28, s13, $0xb8;
	[tilespmem:$0x3D18] =	vst v63  }
0x128: {  	s29 =	sadd.s32 $0x2D0, s17  }
0x129: {  	[spmem:s2] =	stream.indirect.scatter.add.f32 [tilespmem:s11], [sflag:$0x1], $0x8, s29, s13, $0xb8;
	[tilespmem:$0x3D18] =	vst v63  }
0x12a: {  	s30 =	sadd.s32 $0x320, s17  }
0x12b: {  	[spmem:s2] =	stream.indirect.scatter.add.f32 [tilespmem:s11], [sflag:$0x1], $0x8, s30, s13, $0xb8;
	[tilespmem:$0x3D18] =	vst v63  }
0x12c: {  	s31 =	sadd.s32 $0x370, s17  }
0x12d: {  	[spmem:s2] =	stream.indirect.scatter.add.f32 [tilespmem:s11], [sflag:$0x1], $0x8, s31, s13, $0xb8;
	[tilespmem:$0x3D18] =	vst v63  }
0x12e: {  	s19 =	sadd.s32 $0x3C0, s17  }
0x12f: {  	[spmem:s2] =	stream.indirect.scatter.add.f32 [tilespmem:s11], [sflag:$0x1], $0x8, s19, s13, $0xb8;
	[tilespmem:$0x3D18] =	vst v63  }
0x130: {  	s20 =	sadd.s32 $0x410, s17  }
0x131: {  	[spmem:s2] =	stream.indirect.scatter.add.f32 [tilespmem:s11], [sflag:$0x1], $0x8, s20, s13, $0xb8;
	[tilespmem:$0x3D18] =	vst v63  }
0x132: {  	s21 =	sadd.s32 $0x460, s17  }
0x133: {  	[spmem:s2] =	stream.indirect.scatter.add.f32 [tilespmem:s11], [sflag:$0x1], $0x8, s21, s13, $0xb8;
	[tilespmem:$0x3D18] =	vst v63  }
0x134: {  	s22 =	sadd.s32 $0x4B0, s17  }
0x135: {  	[spmem:s2] =	stream.indirect.scatter.add.f32 [tilespmem:s11], [sflag:$0x1], $0x8, s22, s13, $0xb8;
	[tilespmem:$0x3D18] =	vst v63  }
0x136: {  	s23 =	sadd.s32 $0x500, s17  }
0x137: {  	[spmem:s2] =	stream.indirect.scatter.add.f32 [tilespmem:s11], [sflag:$0x1], $0x8, s23, s13, $0xb8;
	[tilespmem:$0x3D18] =	vst v63  }
0x138: {  	s24 =	sadd.s32 $0x550, s17  }
0x139: {  	[spmem:s2] =	stream.indirect.scatter.add.f32 [tilespmem:s11], [sflag:$0x1], $0x8, s24, s13, $0xb8;
	[tilespmem:$0x3D18] =	vst v63  }
0x13a: {  	s25 =	sadd.s32 $0x5A0, s17  }
0x13b: {  	[spmem:s2] =	stream.indirect.scatter.add.f32 [tilespmem:s11], [sflag:$0x1], $0x8, s25, s13, $0xb8;
	[tilespmem:$0x3D18] =	vst v63  }
0x13c: {  	s26 =	sadd.s32 $0x5F0, s17  }
0x13d: {  	[spmem:s2] =	stream.indirect.scatter.add.f32 [tilespmem:s11], [sflag:$0x1], $0x8, s26, s13, $0xb8;
	[tilespmem:$0x3D18] =	vst v63  }
0x13e: {  	s28 =	sadd.s32 $0x640, s17  }
0x13f: {  	[spmem:s2] =	stream.indirect.scatter.add.f32 [tilespmem:s11], [sflag:$0x1], $0x8, s28, s13, $0xb8;
	[tilespmem:$0x3D18] =	vst v63  }
0x140: {  	s29 =	sadd.s32 $0x690, s17  }
0x141: {  	[spmem:s2] =	stream.indirect.scatter.add.f32 [tilespmem:s11], [sflag:$0x1], $0x8, s29, s13, $0xb8;
	[tilespmem:$0x3D18] =	vst v63  }
0x142: {  	s30 =	sadd.s32 $0x6E0, s17  }
0x143: {  	[spmem:s2] =	stream.indirect.scatter.add.f32 [tilespmem:s11], [sflag:$0x1], $0x8, s30, s13, $0xb8;
	[tilespmem:$0x3D18] =	vst v63  }
0x144: {  	s31 =	sadd.s32 $0x730, s17  }
0x145: {  	[spmem:s2] =	stream.indirect.scatter.add.f32 [tilespmem:s11], [sflag:$0x1], $0x8, s31, s13, $0xb8;
	[tilespmem:$0x3D18] =	vst v63  }
0x146: {  	s17 =	sadd.s32 $0x780, s17  }
0x147: {  	[spmem:s2] =	stream.indirect.scatter.add.f32 [tilespmem:s11], [sflag:$0x1], $0x8, s17, s13, $0xb8;
	[tilespmem:$0x3D18] =	vst v63  }
0x148: {  	_ =	swait.ge [sflag:s14], $0x280  }
0x149: {  	[sflag:s14] =	ssyncset.done $0x0  }
0x14a: {  	[sflag:s14] =	ssyncadd.s32 $0xFFFFFD80  }
0x14b: {  	_ =	swait.ge [sflag:s14], $0x280  }
0x14c: {  	[sflag:s14] =	ssyncset.done $0x0  }
0x14d: {  	[sflag:s14] =	ssyncadd.s32 $0xFFFFFD80  }
0x14e: {  	_ =	swait.ge [sflag:s14], $0x280  }
0x14f: {  	[sflag:s14] =	ssyncset.done $0x0  }
0x150: {  	[sflag:s14] =	ssyncadd.s32 $0xFFFFFD80  }
0x151: {  	_ =	swait.ge [sflag:s14], $0x280  }
0x152: {  	[sflag:s14] =	ssyncset.done $0x0  }
0x153: {  	[sflag:s14] =	ssyncadd.s32 $0xFFFFFD80  }
0x154: {  	_ =	swait.ge [sflag:s14], $0x280  }
0x155: {  	[sflag:s14] =	ssyncset.done $0x0  }
0x156: {  	[sflag:s14] =	ssyncadd.s32 $0xFFFFFD80  }
0x157: {  	_ =	swait.ge [sflag:s14], $0x280  }
0x158: {  	[sflag:s14] =	ssyncset.done $0x0  }
0x159: {  	[sflag:s14] =	ssyncadd.s32 $0xFFFFFD80  }
0x15a: {  	_ =	swait.ge [sflag:s14], $0x280  }
0x15b: {  	[sflag:s14] =	ssyncset.done $0x0  }
0x15c: {  	[sflag:s14] =	ssyncadd.s32 $0xFFFFFD80  }
0x15d: {  	_ =	swait.ge [sflag:s14], $0x280  }
0x15e: {  	[sflag:s14] =	ssyncset.done $0x0  }
0x15f: {  	[sflag:s14] =	ssyncadd.s32 $0xFFFFFD80  }
0x160: {  	_ =	swait.ge [sflag:s14], $0x280  }
0x161: {  	[sflag:s14] =	ssyncset.done $0x0  }
0x162: {  	[sflag:s14] =	ssyncadd.s32 $0xFFFFFD80  }
0x163: {  	_ =	swait.ge [sflag:s14], $0x280  }
0x164: {  	[sflag:s14] =	ssyncset.done $0x0  }
0x165: {  	[sflag:s14] =	ssyncadd.s32 $0xFFFFFD80  }
0x166: {  	_ =	swait.ge [sflag:s14], $0x280  }
0x167: {  	[sflag:s14] =	ssyncset.done $0x0  }
0x168: {  	[sflag:s14] =	ssyncadd.s32 $0xFFFFFD80  }
0x169: {  	_ =	swait.ge [sflag:s14], $0x280  }
0x16a: {  	[sflag:s14] =	ssyncset.done $0x0  }
0x16b: {  	[sflag:s14] =	ssyncadd.s32 $0xFFFFFD80  }
0x16c: {  	_ =	swait.ge [sflag:s14], $0x280  }
0x16d: {  	[sflag:s14] =	ssyncset.done $0x0  }
0x16e: {  	[sflag:s14] =	ssyncadd.s32 $0xFFFFFD80  }
0x16f: {  	_ =	swait.ge [sflag:s14], $0x280  }
0x170: {  	[sflag:s14] =	ssyncset.done $0x0  }
0x171: {  	[sflag:s14] =	ssyncadd.s32 $0xFFFFFD80  }
0x172: {  	_ =	swait.ge [sflag:s14], $0x280  }
0x173: {  	[sflag:s14] =	ssyncset.done $0x0  }
0x174: {  	[sflag:s14] =	ssyncadd.s32 $0xFFFFFD80  }
0x175: {  	_ =	swait.ge [sflag:s14], $0x280  }
0x176: {  	[sflag:s14] =	ssyncset.done $0x0  }
0x177: {  	[sflag:s14] =	ssyncadd.s32 $0xFFFFFD80  }
0x178: {  	_ =	swait.ge [sflag:s14], $0x280  }
0x179: {  	[sflag:s14] =	ssyncset.done $0x0  }
0x17a: {  	[sflag:s14] =	ssyncadd.s32 $0xFFFFFD80  }
0x17b: {  	_ =	swait.ge [sflag:s14], $0x280  }
0x17c: {  	[sflag:s14] =	ssyncset.done $0x0  }
0x17d: {  	[sflag:s14] =	ssyncadd.s32 $0xFFFFFD80  }
0x17e: {  	_ =	swait.ge [sflag:s14], $0x280  }
0x17f: {  	[sflag:s14] =	ssyncset.done $0x0  }
0x180: {  	[sflag:s14] =	ssyncadd.s32 $0xFFFFFD80  }
0x181: {  	_ =	swait.ge [sflag:s14], $0x280  }
0x182: {  	[sflag:s14] =	ssyncset.done $0x0  }
0x183: {  	[sflag:s14] =	ssyncadd.s32 $0xFFFFFD80  }
0x184: {  	_ =	swait.ge [sflag:s14], $0x280  }
0x185: {  	[sflag:s14] =	ssyncset.done $0x0  }
0x186: {  	[sflag:s14] =	ssyncadd.s32 $0xFFFFFD80  }
0x187: {  	_ =	swait.ge [sflag:s14], $0x280  }
0x188: {  	[sflag:s14] =	ssyncset.done $0x0  }
0x189: {  	[sflag:s14] =	ssyncadd.s32 $0xFFFFFD80  }
0x18a: {  	_ =	swait.ge [sflag:s14], $0x280  }
0x18b: {  	[sflag:s14] =	ssyncset.done $0x0  }
0x18c: {  	[sflag:s14] =	ssyncadd.s32 $0xFFFFFD80  }
0x18d: {  	_ =	swait.ge [sflag:s14], $0x280  }
0x18e: {  	[sflag:s14] =	ssyncset.done $0x0  }
0x18f: {  	[sflag:s14] =	ssyncadd.s32 $0xFFFFFD80  }
0x190: {  	_ =	swait.ge [sflag:s14], $0x280  }
0x191: {  	s16 =	sadd.s32 $0x1, s16;
	[sflag:s14] =	ssyncset.done $0x0  }
0x192: {  	p1 =	sne.s32 s16, s8;
	[sflag:s14] =	ssyncadd.s32 $0xFFFFFD80  }
.Ltmp1:
0x193: {  	s17 =	simm.s32 @!p0 $0x2;
	[bflag:$0x0] =	sbarrier.arrive $0xFFFF;
	(pc) =	sbr.rel @p1 .LBB2_1-.Ltmp1, $4  }
0x194: {  	[hbm:s7], [sflag:s9] =	dma.local @!p0 [spmem:s15], $0x3E8  }
0x195: {  	_ =	swait.ge @!p0 [sflag:s17], $0x3E8  }
0x196: {  	[sflag:s17] =	ssyncset.done @!p0 $0x0  }
0x197: {  	[sflag:s17] =	ssyncadd.s32 @!p0 $0xFFFFFC18  }
0x198: {  	_ =	sfence.sel $0x180000  }
0x199: {  	[bflag:$0x0] =	sbarrier.arrive $0xFFFF  }
0x19a: {  	p0 =	sne.s32 s0, $0x0;
	_ =	strace $0x90000047  }
0x19b: {  	s0 =	sadd.s32 @!p0 $0x100000, s1;
	[bflag:$0x2] =	sbarrier.arrive $0xFFFF  }
0x19c: {  	[sflag:s0] =	ssyncadd.tile.s32 @!p0 $0x1;
	_ =	shalt  }
.Lfunc_end2:
_tile_overlayer_lowered:
.L_overlay_start_2:
0x19d: {  	(tag) =	ssettag $0x2  }
0x19e: {  	s0 =	rddreg [dreg:$0x0];
	s2 =	stileid.u32  }
0x19f: {  	s1 =	rddreg [dreg:$0x1];
	p0 =	sne.s32 s2, $0x0  }
0x1a0: {  	s3 =	rddreg [dreg:$0x2];
	[bflag:$0x3] =	sbarrier.arrive $0xFFFF;
	s2 =	simm.s32 @!p0 $0x1C02  }
0x1a1: {  	[timem:s3], [sflag:s2] =	dma.local @!p0 [hbm:s0], s1  }
0x1a2: {  	s0 =	simm.s32 @!p0 $0x2  }
0x1a3: {  	_ =	swait.ge @!p0 [sflag:s0], s1  }
0x1a4: {  	s1 =	ssub.s32 @!p0 $0x0, s1;
	[sflag:s0] =	ssyncset.done @!p0 $0x0  }
0x1a5: {  	[sflag:s0] =	ssyncadd.s32 @!p0 s1  }
0x1a6: {  	[bflag:$0x3] =	sbarrier.arrive $0xFFFF  }
0x1a7: {  	_ =	shalt  }

</sc_bundles>
